<compile_context>
chip_gen: v7x
topology: tpu7x:2x2x1
jax: 0.10.2.dev20260603
libtpu: 0.0.44.dev20260713+nightly
codegen_flags: <defaults>
</compile_context>

<pallas_src>
import functools

import jax
import jax.numpy as jnp
from jax import lax
from jax.experimental import pallas as pl
from jax.experimental.pallas import tpu as pltpu
from jax.experimental.pallas import tpu_sc as plsc

B, L = 4096, 50
N = B * L
D_OUT = 128
DIMS = (8, 4, 4, 3, 6, 5, 6, 3)
E_TOT = sum(DIMS)
NT = len(DIMS)
PD = 8

NC, NS = 2, 16
NW = NC * NS
TOK_W = N // NW
CHUNK = 128
NCH = TOK_W // CHUNK


def _sc_gather(idx_hbm, tbl_hbm, out_hbm, idx_v, rows_v, gsems, wsems):
    wid = lax.axis_index("s") * NC + lax.axis_index("c")
    base = wid * TOK_W

    for k in range(NT):
        pltpu.sync_copy(idx_hbm[k].at[wid], idx_v[k])

    def fire(j, slot):
        for k in range(NT):
            pltpu.async_copy(tbl_hbm[k].at[idx_v[k].at[j]],
                             rows_v[k].at[slot], gsems[slot])

    def drain_writeback(j, slot):
        for k in range(NT):
            pltpu.make_async_copy(tbl_hbm[k].at[idx_v[k].at[j]],
                                  rows_v[k].at[slot], gsems[slot]).wait()
        start = base + j * CHUNK
        for k in range(NT):
            pltpu.async_copy(rows_v[k].at[slot],
                             out_hbm[k].at[pl.ds(start, CHUNK)], wsems[slot])

    def wb_wait(j, slot):
        start = base + j * CHUNK
        for k in range(NT):
            pltpu.make_async_copy(rows_v[k].at[slot],
                                  out_hbm[k].at[pl.ds(start, CHUNK)],
                                  wsems[slot]).wait()

    fire(0, 0)

    def body(j2, carry):
        j = j2 * 2
        @pl.when(j2 > 0)
        def _():
            wb_wait(j - 1, 1)
        fire(j + 1, 1)
        drain_writeback(j, 0)
        @pl.when(j2 < NCH // 2 - 1)
        def _():
            wb_wait(j, 0)
            fire(j + 2, 0)
        drain_writeback(j + 1, 1)
        return carry

    lax.fori_loop(0, NCH // 2, body, 0, unroll=False)
    wb_wait(NCH - 2, 0)
    wb_wait(NCH - 1, 1)


@functools.lru_cache(maxsize=1)
def _make_sc_call():
    mesh = plsc.VectorSubcoreMesh(core_axis_name="c", subcore_axis_name="s")
    out_type = [jax.ShapeDtypeStruct((N, PD), jnp.float32) for _ in DIMS]
    scratch = ([pltpu.VMEM((NCH, CHUNK), jnp.int32) for _ in DIMS]
               + [pltpu.VMEM((2, CHUNK, PD), jnp.float32) for _ in DIMS]
               + [pltpu.SemaphoreType.DMA, pltpu.SemaphoreType.DMA,
                  pltpu.SemaphoreType.DMA, pltpu.SemaphoreType.DMA])

    @functools.partial(
        pl.kernel, mesh=mesh, out_type=out_type, scratch_types=scratch,
        compiler_params=pltpu.CompilerParams(use_tc_tiling_on_sc=False),
        name="addr_enc_gather")
    def call(*refs):
        idx_hbm = refs[:NT]
        tbl_hbm = refs[NT:2 * NT]
        out_hbm = refs[2 * NT:3 * NT]
        idx_v = refs[3 * NT:4 * NT]
        rows_v = refs[4 * NT:5 * NT]
        gsems = refs[5 * NT:5 * NT + 2]
        wsems = refs[5 * NT + 2:5 * NT + 4]
        _sc_gather(list(idx_hbm), list(tbl_hbm), list(out_hbm),
                   list(idx_v), list(rows_v), list(gsems), list(wsems))

    return call


TN = 1024


def _tc_fuse_kernel(flags_ref, Wf_ref, bias_ref, W64_ref, lg_ref, lb_ref,
                    *e_refs, o_ref):
    e = jnp.concatenate([r[...] for r in e_refs], axis=1)
    acc = (jnp.dot(e, W64_ref[...], preferred_element_type=jnp.float32)
           + jnp.dot(flags_ref[...], Wf_ref[...],
                     preferred_element_type=jnp.float32)
           + bias_ref[...])
    gate = jax.nn.sigmoid(acc[:, :D_OUT] * 1.2)
    z = gate * acc[:, D_OUT:]
    mu = jnp.mean(z, axis=-1, keepdims=True)
    zc = z - mu
    var = jnp.mean(zc * zc, axis=-1, keepdims=True)
    o_ref[...] = zc * jax.lax.rsqrt(var + 1e-5) * lg_ref[...] + lb_ref[...]


def _tc_fuse(e_list, flags2d, Wf, bias, W64, lg, lb):
    grid = (N // TN,)
    row_spec = lambda d: pl.BlockSpec((TN, d), lambda i: (i, 0))
    w_spec = lambda r, c: pl.BlockSpec((r, c), lambda i: (0, 0))
    kernel_fn = lambda *args: _tc_fuse_kernel(*args[:-1], o_ref=args[-1])
    return pl.pallas_call(
        kernel_fn,
        grid=grid,
        in_specs=[row_spec(5), w_spec(5, 2 * D_OUT), w_spec(1, 2 * D_OUT),
                  w_spec(NT * PD, 2 * D_OUT),
                  w_spec(1, D_OUT), w_spec(1, D_OUT)]
                 + [row_spec(PD) for _ in DIMS],
        out_specs=pl.BlockSpec((TN, D_OUT), lambda i: (i, 0)),
        out_shape=jax.ShapeDtypeStruct((N, D_OUT), jnp.float32),
    )(flags2d, Wf, bias, W64, lg.reshape(1, D_OUT), lb.reshape(1, D_OUT),
      *e_list)


def kernel(page_hash_bucket, offset_bucket, cache_line_bucket, alignment_bucket,
           stride_bucket, reuse_dist_bucket, locality_cluster, entropy_bucket,
           flags, page_table, offset_table, cache_table, align_table,
           stride_table, reuse_table, locality_table, entropy_table,
           flags_W, flags_b, gate_W, gate_b, trans_W, trans_b, ln_g, ln_b):
    idxs = [page_hash_bucket, offset_bucket, cache_line_bucket,
            alignment_bucket, stride_bucket, reuse_dist_bucket,
            locality_cluster, entropy_bucket]
    tbls = [page_table, offset_table, cache_table, align_table, stride_table,
            reuse_table, locality_table, entropy_table]
    idxs = [i.astype(jnp.int32).reshape(NW, NCH, CHUNK) for i in idxs]
    tbls = [t if t.shape[1] == PD else
            jnp.pad(t, ((0, 0), (0, PD - t.shape[1]))) for t in tbls]
    e_list = _make_sc_call()(*idxs, *tbls)

    gt = jnp.concatenate([gate_W, trans_W], axis=1)
    pieces = []
    off = 0
    for d in DIMS:
        pieces.append(gt[off:off + d])
        if d < PD:
            pieces.append(jnp.zeros((PD - d, 2 * D_OUT), jnp.float32))
        off += d
    W64 = jnp.concatenate(pieces, axis=0)
    Wf = flags_W @ gt[E_TOT:]
    bias = (flags_b @ gt[E_TOT:]
            + jnp.concatenate([gate_b, trans_b])).reshape(1, 2 * D_OUT)

    out = _tc_fuse(e_list, flags.reshape(N, 5), Wf, bias, W64, ln_g, ln_b)
    return out.reshape(B, L, D_OUT)

# --- scband reference (transcript-rebuilt; emitter-appended) ---
"""Pipeline reference for scband-address-shape-encoder-43576738185561 (READ-ONLY COPY).

The authoritative reference and input builder live on the scoring server;
editing this copy changes nothing except your own understanding.
"""

import jax, jax.numpy as jnp
import numpy as np

B, L = 4096, 50
PAGE_V, REG_V = 100000, 1024
D_OUT = 128
TOTAL_EMBED = 8 + 4 + 4 + 3 + 6 + 5 + 6 + 3 + 5  # 44

_IDX_NAMES = ["page_hash_bucket", "offset_bucket", "cache_line_bucket", "alignment_bucket",
              "stride_bucket", "reuse_dist_bucket", "locality_cluster", "entropy_bucket"]
_TBL_NAMES = ["page_table", "offset_table", "cache_table", "align_table",
              "stride_table", "reuse_table", "locality_table", "entropy_table"]
_VOCABS = [PAGE_V] + [REG_V] * 7
_DIMS = [8, 4, 4, 3, 6, 5, 6, 3]


def setup_inputs(seed: int = 0) -> dict:
    key = jax.random.key(seed)
    ks = jax.random.split(key, 32)
    inp = {}
    for i, (n, v) in enumerate(zip(_IDX_NAMES, _VOCABS)):
        inp[n] = jax.random.randint(ks[i], (B, L), 0, v, dtype=jnp.int64 if jax.config.jax_enable_x64 else jnp.int32)
    inp["flags"] = jax.random.normal(ks[8], (B, L, 5), dtype=jnp.float32)
    for i, (n, v, d) in enumerate(zip(_TBL_NAMES, _VOCABS, _DIMS)):
        inp[n] = jax.random.normal(ks[9 + i], (v, d), dtype=jnp.float32) * 0.02
    inp["flags_W"] = jax.random.normal(ks[17], (5, 5), dtype=jnp.float32) * 0.4
    inp["flags_b"] = jnp.zeros((5,), dtype=jnp.float32)
    inp["gate_W"] = jax.random.normal(ks[18], (TOTAL_EMBED, D_OUT), dtype=jnp.float32) * 0.15
    inp["gate_b"] = jnp.zeros((D_OUT,), dtype=jnp.float32)
    inp["trans_W"] = jax.random.normal(ks[19], (TOTAL_EMBED, D_OUT), dtype=jnp.float32) * 0.15
    inp["trans_b"] = jnp.zeros((D_OUT,), dtype=jnp.float32)
    inp["ln_g"] = jnp.ones((D_OUT,), dtype=jnp.float32)
    inp["ln_b"] = jnp.zeros((D_OUT,), dtype=jnp.float32)
    return inp


def _layer_norm(x, g, b, eps=1e-5):
    mu = jnp.mean(x, axis=-1, keepdims=True)
    var = jnp.mean(jnp.square(x - mu), axis=-1, keepdims=True)
    return (x - mu) / jnp.sqrt(var + eps) * g + b


def reference(page_hash_bucket, offset_bucket, cache_line_bucket, alignment_bucket,
              stride_bucket, reuse_dist_bucket, locality_cluster, entropy_bucket,
              flags, page_table, offset_table, cache_table, align_table, stride_table,
              reuse_table, locality_table, entropy_table,
              flags_W, flags_b, gate_W, gate_b, trans_W, trans_b, ln_g, ln_b):
    e_page = jnp.take(page_table, page_hash_bucket, axis=0)
    e_offset = jnp.take(offset_table, offset_bucket, axis=0)
    e_cache = jnp.take(cache_table, cache_line_bucket, axis=0)
    e_align = jnp.take(align_table, alignment_bucket, axis=0)
    e_stride = jnp.take(stride_table, stride_bucket, axis=0)
    e_reuse = jnp.take(reuse_table, reuse_dist_bucket, axis=0)
    e_locality = jnp.take(locality_table, locality_cluster, axis=0)
    e_entropy = jnp.take(entropy_table, entropy_bucket, axis=0)
    p_flags = flags @ flags_W + flags_b
    combined = jnp.concatenate([e_page, e_offset, e_cache, e_align, e_stride,
                                e_reuse, e_locality, e_entropy, p_flags], axis=-1)
    gate = jax.nn.sigmoid((combined @ gate_W + gate_b) * 1.2)
    z_addr = gate * (combined @ trans_W + trans_b)
    return _layer_norm(z_addr, ln_g, ln_b)

if __name__ == "__main__":
    import jax
    _d = setup_inputs()
    print(jax.jit(kernel)(*tuple(_d.values())))

</pallas_src>

<mosaic_0001>
#map = affine_map<(d0, d1) -> (0, 0, 0)>
#map1 = affine_map<(d0, d1) -> (0, 0)>
module attributes {stable_mosaic.version = 14 : i64} {
  func.func @addr_enc_gather(%arg0: i32, %arg1: i32, %arg2: memref<32x50x128xi32, #tpu.memory_space<hbm>>, %arg3: memref<32x50x128xi32, #tpu.memory_space<hbm>>, %arg4: memref<32x50x128xi32, #tpu.memory_space<hbm>>, %arg5: memref<32x50x128xi32, #tpu.memory_space<hbm>>, %arg6: memref<32x50x128xi32, #tpu.memory_space<hbm>>, %arg7: memref<32x50x128xi32, #tpu.memory_space<hbm>>, %arg8: memref<32x50x128xi32, #tpu.memory_space<hbm>>, %arg9: memref<32x50x128xi32, #tpu.memory_space<hbm>>, %arg10: memref<100000x8xf32, #tpu.memory_space<hbm>>, %arg11: memref<1024x8xf32, #tpu.memory_space<hbm>>, %arg12: memref<1024x8xf32, #tpu.memory_space<hbm>>, %arg13: memref<1024x8xf32, #tpu.memory_space<hbm>>, %arg14: memref<1024x8xf32, #tpu.memory_space<hbm>>, %arg15: memref<1024x8xf32, #tpu.memory_space<hbm>>, %arg16: memref<1024x8xf32, #tpu.memory_space<hbm>>, %arg17: memref<1024x8xf32, #tpu.memory_space<hbm>>, %arg18: memref<204800x8xf32, #tpu.memory_space<hbm>>, %arg19: memref<204800x8xf32, #tpu.memory_space<hbm>>, %arg20: memref<204800x8xf32, #tpu.memory_space<hbm>>, %arg21: memref<204800x8xf32, #tpu.memory_space<hbm>>, %arg22: memref<204800x8xf32, #tpu.memory_space<hbm>>, %arg23: memref<204800x8xf32, #tpu.memory_space<hbm>>, %arg24: memref<204800x8xf32, #tpu.memory_space<hbm>>, %arg25: memref<204800x8xf32, #tpu.memory_space<hbm>>, %arg26: memref<50x128xi32, #tpu.memory_space<vmem>>, %arg27: memref<50x128xi32, #tpu.memory_space<vmem>>, %arg28: memref<50x128xi32, #tpu.memory_space<vmem>>, %arg29: memref<50x128xi32, #tpu.memory_space<vmem>>, %arg30: memref<50x128xi32, #tpu.memory_space<vmem>>, %arg31: memref<50x128xi32, #tpu.memory_space<vmem>>, %arg32: memref<50x128xi32, #tpu.memory_space<vmem>>, %arg33: memref<50x128xi32, #tpu.memory_space<vmem>>, %arg34: memref<2x128x8xf32, #tpu.memory_space<vmem>>, %arg35: memref<2x128x8xf32, #tpu.memory_space<vmem>>, %arg36: memref<2x128x8xf32, #tpu.memory_space<vmem>>, %arg37: memref<2x128x8xf32, #tpu.memory_space<vmem>>, %arg38: memref<2x128x8xf32, #tpu.memory_space<vmem>>, %arg39: memref<2x128x8xf32, #tpu.memory_space<vmem>>, %arg40: memref<2x128x8xf32, #tpu.memory_space<vmem>>, %arg41: memref<2x128x8xf32, #tpu.memory_space<vmem>>, %arg42: memref<!tpu.dma_semaphore, #tpu.memory_space<semaphore_mem>>, %arg43: memref<!tpu.dma_semaphore, #tpu.memory_space<semaphore_mem>>, %arg44: memref<!tpu.dma_semaphore, #tpu.memory_space<semaphore_mem>>, %arg45: memref<!tpu.dma_semaphore, #tpu.memory_space<semaphore_mem>>) attributes {dimension_semantics = [#tpu.dimension_semantics<core_parallel>, #tpu.dimension_semantics<subcore_parallel>], iteration_bounds = array<i64: 2, 16>, scalar_prefetch = 0 : i64, scratch_operands = 20 : i64, tpu.core_type = #tpu.core_type<sc_vector_subcore>, window_params = [{transform_indices = #map}, {transform_indices = #map}, {transform_indices = #map}, {transform_indices = #map}, {transform_indices = #map}, {transform_indices = #map}, {transform_indices = #map}, {transform_indices = #map}, {transform_indices = #map1}, {transform_indices = #map1}, {transform_indices = #map1}, {transform_indices = #map1}, {transform_indices = #map1}, {transform_indices = #map1}, {transform_indices = #map1}, {transform_indices = #map1}, {transform_indices = #map1}, {transform_indices = #map1}, {transform_indices = #map1}, {transform_indices = #map1}, {transform_indices = #map1}, {transform_indices = #map1}, {transform_indices = #map1}, {transform_indices = #map1}]} {
    %mul3A = arith.constant 2 : i32
    %mul3A_0 = arith.muli %arg1, %mul3A : i32
    %add3A = arith.addi %mul3A_0, %arg0 : i32
    %mul3A_1 = arith.constant 6400 : i32
    %mul3A_2 = arith.muli %add3A, %mul3A_1 : i32
    "tpu.region"() ({
      %run_scoped3A = tpu.sem_alloc : memref<!tpu.dma_semaphore, #tpu.memory_space<semaphore_mem>>
      %dma_start3A_314 = arith.constant 0 : i32
      %dma_start3A_315 = arith.constant 0 : i32
      %dma_start3A_316 = tpu.memref_slice %arg2[%add3A, %dma_start3A_314, %dma_start3A_315] : memref<32x50x128xi32, #tpu.memory_space<hbm>> -> memref<1x50x128xi32, #tpu.memory_space<hbm>>
      %dma_start3A_317 = tpu.memref_squeeze %dma_start3A_316 : memref<1x50x128xi32, #tpu.memory_space<hbm>> -> memref<50x128xi32, #tpu.memory_space<hbm>>
      %dma_start3A_318 = arith.constant 0 : i32
      %dma_start3A_319 = arith.constant 0 : i32
      %dma_start3A_320 = tpu.memref_slice %arg2[%add3A, %dma_start3A_318, %dma_start3A_319] : memref<32x50x128xi32, #tpu.memory_space<hbm>> -> memref<1x50x128xi32, #tpu.memory_space<hbm>>
      %dma_start3A_321 = tpu.memref_squeeze %dma_start3A_320 : memref<1x50x128xi32, #tpu.memory_space<hbm>> -> memref<50x128xi32, #tpu.memory_space<hbm>>
      tpu.enqueue_dma source(%dma_start3A_321 : memref<50x128xi32, #tpu.memory_space<hbm>>) target(%arg26 : memref<50x128xi32, #tpu.memory_space<vmem>>) target_semaphore(%run_scoped3A : memref<!tpu.dma_semaphore, #tpu.memory_space<semaphore_mem>>)
      %dma_wait3A_322 = arith.constant 0 : i32
      %dma_wait3A_323 = arith.constant 0 : i32
      %dma_wait3A_324 = tpu.memref_slice %arg2[%add3A, %dma_wait3A_322, %dma_wait3A_323] : memref<32x50x128xi32, #tpu.memory_space<hbm>> -> memref<1x50x128xi32, #tpu.memory_space<hbm>>
      %dma_wait3A_325 = tpu.memref_squeeze %dma_wait3A_324 : memref<1x50x128xi32, #tpu.memory_space<hbm>> -> memref<50x128xi32, #tpu.memory_space<hbm>>
      %dma_wait3A_326 = arith.constant 0 : i32
      %dma_wait3A_327 = arith.constant 0 : i32
      %dma_wait3A_328 = tpu.memref_slice %arg2[%add3A, %dma_wait3A_326, %dma_wait3A_327] : memref<32x50x128xi32, #tpu.memory_space<hbm>> -> memref<1x50x128xi32, #tpu.memory_space<hbm>>
      %dma_wait3A_329 = tpu.memref_squeeze %dma_wait3A_328 : memref<1x50x128xi32, #tpu.memory_space<hbm>> -> memref<50x128xi32, #tpu.memory_space<hbm>>
      tpu.wait_dma2 semaphore(%run_scoped3A : memref<!tpu.dma_semaphore, #tpu.memory_space<semaphore_mem>>) src(%dma_wait3A_329 : memref<50x128xi32, #tpu.memory_space<hbm>>) dst(%arg26 : memref<50x128xi32, #tpu.memory_space<vmem>>)
      tpu.yield
    }) : () -> ()
    "tpu.region"() ({
      %run_scoped3A = tpu.sem_alloc : memref<!tpu.dma_semaphore, #tpu.memory_space<semaphore_mem>>
      %dma_start3A_314 = arith.constant 0 : i32
      %dma_start3A_315 = arith.constant 0 : i32
      %dma_start3A_316 = tpu.memref_slice %arg3[%add3A, %dma_start3A_314, %dma_start3A_315] : memref<32x50x128xi32, #tpu.memory_space<hbm>> -> memref<1x50x128xi32, #tpu.memory_space<hbm>>
      %dma_start3A_317 = tpu.memref_squeeze %dma_start3A_316 : memref<1x50x128xi32, #tpu.memory_space<hbm>> -> memref<50x128xi32, #tpu.memory_space<hbm>>
      %dma_start3A_318 = arith.constant 0 : i32
      %dma_start3A_319 = arith.constant 0 : i32
      %dma_start3A_320 = tpu.memref_slice %arg3[%add3A, %dma_start3A_318, %dma_start3A_319] : memref<32x50x128xi32, #tpu.memory_space<hbm>> -> memref<1x50x128xi32, #tpu.memory_space<hbm>>
      %dma_start3A_321 = tpu.memref_squeeze %dma_start3A_320 : memref<1x50x128xi32, #tpu.memory_space<hbm>> -> memref<50x128xi32, #tpu.memory_space<hbm>>
      tpu.enqueue_dma source(%dma_start3A_321 : memref<50x128xi32, #tpu.memory_space<hbm>>) target(%arg27 : memref<50x128xi32, #tpu.memory_space<vmem>>) target_semaphore(%run_scoped3A : memref<!tpu.dma_semaphore, #tpu.memory_space<semaphore_mem>>)
      %dma_wait3A_322 = arith.constant 0 : i32
      %dma_wait3A_323 = arith.constant 0 : i32
      %dma_wait3A_324 = tpu.memref_slice %arg3[%add3A, %dma_wait3A_322, %dma_wait3A_323] : memref<32x50x128xi32, #tpu.memory_space<hbm>> -> memref<1x50x128xi32, #tpu.memory_space<hbm>>
      %dma_wait3A_325 = tpu.memref_squeeze %dma_wait3A_324 : memref<1x50x128xi32, #tpu.memory_space<hbm>> -> memref<50x128xi32, #tpu.memory_space<hbm>>
      %dma_wait3A_326 = arith.constant 0 : i32
      %dma_wait3A_327 = arith.constant 0 : i32
      %dma_wait3A_328 = tpu.memref_slice %arg3[%add3A, %dma_wait3A_326, %dma_wait3A_327] : memref<32x50x128xi32, #tpu.memory_space<hbm>> -> memref<1x50x128xi32, #tpu.memory_space<hbm>>
      %dma_wait3A_329 = tpu.memref_squeeze %dma_wait3A_328 : memref<1x50x128xi32, #tpu.memory_space<hbm>> -> memref<50x128xi32, #tpu.memory_space<hbm>>
      tpu.wait_dma2 semaphore(%run_scoped3A : memref<!tpu.dma_semaphore, #tpu.memory_space<semaphore_mem>>) src(%dma_wait3A_329 : memref<50x128xi32, #tpu.memory_space<hbm>>) dst(%arg27 : memref<50x128xi32, #tpu.memory_space<vmem>>)
      tpu.yield
    }) : () -> ()
    "tpu.region"() ({
      %run_scoped3A = tpu.sem_alloc : memref<!tpu.dma_semaphore, #tpu.memory_space<semaphore_mem>>
      %dma_start3A_314 = arith.constant 0 : i32
      %dma_start3A_315 = arith.constant 0 : i32
      %dma_start3A_316 = tpu.memref_slice %arg4[%add3A, %dma_start3A_314, %dma_start3A_315] : memref<32x50x128xi32, #tpu.memory_space<hbm>> -> memref<1x50x128xi32, #tpu.memory_space<hbm>>
      %dma_start3A_317 = tpu.memref_squeeze %dma_start3A_316 : memref<1x50x128xi32, #tpu.memory_space<hbm>> -> memref<50x128xi32, #tpu.memory_space<hbm>>
      %dma_start3A_318 = arith.constant 0 : i32
      %dma_start3A_319 = arith.constant 0 : i32
      %dma_start3A_320 = tpu.memref_slice %arg4[%add3A, %dma_start3A_318, %dma_start3A_319] : memref<32x50x128xi32, #tpu.memory_space<hbm>> -> memref<1x50x128xi32, #tpu.memory_space<hbm>>
      %dma_start3A_321 = tpu.memref_squeeze %dma_start3A_320 : memref<1x50x128xi32, #tpu.memory_space<hbm>> -> memref<50x128xi32, #tpu.memory_space<hbm>>
      tpu.enqueue_dma source(%dma_start3A_321 : memref<50x128xi32, #tpu.memory_space<hbm>>) target(%arg28 : memref<50x128xi32, #tpu.memory_space<vmem>>) target_semaphore(%run_scoped3A : memref<!tpu.dma_semaphore, #tpu.memory_space<semaphore_mem>>)
      %dma_wait3A_322 = arith.constant 0 : i32
      %dma_wait3A_323 = arith.constant 0 : i32
      %dma_wait3A_324 = tpu.memref_slice %arg4[%add3A, %dma_wait3A_322, %dma_wait3A_323] : memref<32x50x128xi32, #tpu.memory_space<hbm>> -> memref<1x50x128xi32, #tpu.memory_space<hbm>>
      %dma_wait3A_325 = tpu.memref_squeeze %dma_wait3A_324 : memref<1x50x128xi32, #tpu.memory_space<hbm>> -> memref<50x128xi32, #tpu.memory_space<hbm>>
      %dma_wait3A_326 = arith.constant 0 : i32
      %dma_wait3A_327 = arith.constant 0 : i32
      %dma_wait3A_328 = tpu.memref_slice %arg4[%add3A, %dma_wait3A_326, %dma_wait3A_327] : memref<32x50x128xi32, #tpu.memory_space<hbm>> -> memref<1x50x128xi32, #tpu.memory_space<hbm>>
      %dma_wait3A_329 = tpu.memref_squeeze %dma_wait3A_328 : memref<1x50x128xi32, #tpu.memory_space<hbm>> -> memref<50x128xi32, #tpu.memory_space<hbm>>
      tpu.wait_dma2 semaphore(%run_scoped3A : memref<!tpu.dma_semaphore, #tpu.memory_space<semaphore_mem>>) src(%dma_wait3A_329 : memref<50x128xi32, #tpu.memory_space<hbm>>) dst(%arg28 : memref<50x128xi32, #tpu.memory_space<vmem>>)
      tpu.yield
    }) : () -> ()
    "tpu.region"() ({
      %run_scoped3A = tpu.sem_alloc : memref<!tpu.dma_semaphore, #tpu.memory_space<semaphore_mem>>
      %dma_start3A_314 = arith.constant 0 : i32
      %dma_start3A_315 = arith.constant 0 : i32
      %dma_start3A_316 = tpu.memref_slice %arg5[%add3A, %dma_start3A_314, %dma_start3A_315] : memref<32x50x128xi32, #tpu.memory_space<hbm>> -> memref<1x50x128xi32, #tpu.memory_space<hbm>>
      %dma_start3A_317 = tpu.memref_squeeze %dma_start3A_316 : memref<1x50x128xi32, #tpu.memory_space<hbm>> -> memref<50x128xi32, #tpu.memory_space<hbm>>
      %dma_start3A_318 = arith.constant 0 : i32
      %dma_start3A_319 = arith.constant 0 : i32
      %dma_start3A_320 = tpu.memref_slice %arg5[%add3A, %dma_start3A_318, %dma_start3A_319] : memref<32x50x128xi32, #tpu.memory_space<hbm>> -> memref<1x50x128xi32, #tpu.memory_space<hbm>>
      %dma_start3A_321 = tpu.memref_squeeze %dma_start3A_320 : memref<1x50x128xi32, #tpu.memory_space<hbm>> -> memref<50x128xi32, #tpu.memory_space<hbm>>
      tpu.enqueue_dma source(%dma_start3A_321 : memref<50x128xi32, #tpu.memory_space<hbm>>) target(%arg29 : memref<50x128xi32, #tpu.memory_space<vmem>>) target_semaphore(%run_scoped3A : memref<!tpu.dma_semaphore, #tpu.memory_space<semaphore_mem>>)
      %dma_wait3A_322 = arith.constant 0 : i32
      %dma_wait3A_323 = arith.constant 0 : i32
      %dma_wait3A_324 = tpu.memref_slice %arg5[%add3A, %dma_wait3A_322, %dma_wait3A_323] : memref<32x50x128xi32, #tpu.memory_space<hbm>> -> memref<1x50x128xi32, #tpu.memory_space<hbm>>
      %dma_wait3A_325 = tpu.memref_squeeze %dma_wait3A_324 : memref<1x50x128xi32, #tpu.memory_space<hbm>> -> memref<50x128xi32, #tpu.memory_space<hbm>>
      %dma_wait3A_326 = arith.constant 0 : i32
      %dma_wait3A_327 = arith.constant 0 : i32
      %dma_wait3A_328 = tpu.memref_slice %arg5[%add3A, %dma_wait3A_326, %dma_wait3A_327] : memref<32x50x128xi32, #tpu.memory_space<hbm>> -> memref<1x50x128xi32, #tpu.memory_space<hbm>>
      %dma_wait3A_329 = tpu.memref_squeeze %dma_wait3A_328 : memref<1x50x128xi32, #tpu.memory_space<hbm>> -> memref<50x128xi32, #tpu.memory_space<hbm>>
      tpu.wait_dma2 semaphore(%run_scoped3A : memref<!tpu.dma_semaphore, #tpu.memory_space<semaphore_mem>>) src(%dma_wait3A_329 : memref<50x128xi32, #tpu.memory_space<hbm>>) dst(%arg29 : memref<50x128xi32, #tpu.memory_space<vmem>>)
      tpu.yield
    }) : () -> ()
    "tpu.region"() ({
      %run_scoped3A = tpu.sem_alloc : memref<!tpu.dma_semaphore, #tpu.memory_space<semaphore_mem>>
      %dma_start3A_314 = arith.constant 0 : i32
      %dma_start3A_315 = arith.constant 0 : i32
      %dma_start3A_316 = tpu.memref_slice %arg6[%add3A, %dma_start3A_314, %dma_start3A_315] : memref<32x50x128xi32, #tpu.memory_space<hbm>> -> memref<1x50x128xi32, #tpu.memory_space<hbm>>
      %dma_start3A_317 = tpu.memref_squeeze %dma_start3A_316 : memref<1x50x128xi32, #tpu.memory_space<hbm>> -> memref<50x128xi32, #tpu.memory_space<hbm>>
      %dma_start3A_318 = arith.constant 0 : i32
      %dma_start3A_319 = arith.constant 0 : i32
      %dma_start3A_320 = tpu.memref_slice %arg6[%add3A, %dma_start3A_318, %dma_start3A_319] : memref<32x50x128xi32, #tpu.memory_space<hbm>> -> memref<1x50x128xi32, #tpu.memory_space<hbm>>
      %dma_start3A_321 = tpu.memref_squeeze %dma_start3A_320 : memref<1x50x128xi32, #tpu.memory_space<hbm>> -> memref<50x128xi32, #tpu.memory_space<hbm>>
      tpu.enqueue_dma source(%dma_start3A_321 : memref<50x128xi32, #tpu.memory_space<hbm>>) target(%arg30 : memref<50x128xi32, #tpu.memory_space<vmem>>) target_semaphore(%run_scoped3A : memref<!tpu.dma_semaphore, #tpu.memory_space<semaphore_mem>>)
      %dma_wait3A_322 = arith.constant 0 : i32
      %dma_wait3A_323 = arith.constant 0 : i32
      %dma_wait3A_324 = tpu.memref_slice %arg6[%add3A, %dma_wait3A_322, %dma_wait3A_323] : memref<32x50x128xi32, #tpu.memory_space<hbm>> -> memref<1x50x128xi32, #tpu.memory_space<hbm>>
      %dma_wait3A_325 = tpu.memref_squeeze %dma_wait3A_324 : memref<1x50x128xi32, #tpu.memory_space<hbm>> -> memref<50x128xi32, #tpu.memory_space<hbm>>
      %dma_wait3A_326 = arith.constant 0 : i32
      %dma_wait3A_327 = arith.constant 0 : i32
      %dma_wait3A_328 = tpu.memref_slice %arg6[%add3A, %dma_wait3A_326, %dma_wait3A_327] : memref<32x50x128xi32, #tpu.memory_space<hbm>> -> memref<1x50x128xi32, #tpu.memory_space<hbm>>
      %dma_wait3A_329 = tpu.memref_squeeze %dma_wait3A_328 : memref<1x50x128xi32, #tpu.memory_space<hbm>> -> memref<50x128xi32, #tpu.memory_space<hbm>>
      tpu.wait_dma2 semaphore(%run_scoped3A : memref<!tpu.dma_semaphore, #tpu.memory_space<semaphore_mem>>) src(%dma_wait3A_329 : memref<50x128xi32, #tpu.memory_space<hbm>>) dst(%arg30 : memref<50x128xi32, #tpu.memory_space<vmem>>)
      tpu.yield
    }) : () -> ()
    "tpu.region"() ({
      %run_scoped3A = tpu.sem_alloc : memref<!tpu.dma_semaphore, #tpu.memory_space<semaphore_mem>>
      %dma_start3A_314 = arith.constant 0 : i32
      %dma_start3A_315 = arith.constant 0 : i32
      %dma_start3A_316 = tpu.memref_slice %arg7[%add3A, %dma_start3A_314, %dma_start3A_315] : memref<32x50x128xi32, #tpu.memory_space<hbm>> -> memref<1x50x128xi32, #tpu.memory_space<hbm>>
      %dma_start3A_317 = tpu.memref_squeeze %dma_start3A_316 : memref<1x50x128xi32, #tpu.memory_space<hbm>> -> memref<50x128xi32, #tpu.memory_space<hbm>>
      %dma_start3A_318 = arith.constant 0 : i32
      %dma_start3A_319 = arith.constant 0 : i32
      %dma_start3A_320 = tpu.memref_slice %arg7[%add3A, %dma_start3A_318, %dma_start3A_319] : memref<32x50x128xi32, #tpu.memory_space<hbm>> -> memref<1x50x128xi32, #tpu.memory_space<hbm>>
      %dma_start3A_321 = tpu.memref_squeeze %dma_start3A_320 : memref<1x50x128xi32, #tpu.memory_space<hbm>> -> memref<50x128xi32, #tpu.memory_space<hbm>>
      tpu.enqueue_dma source(%dma_start3A_321 : memref<50x128xi32, #tpu.memory_space<hbm>>) target(%arg31 : memref<50x128xi32, #tpu.memory_space<vmem>>) target_semaphore(%run_scoped3A : memref<!tpu.dma_semaphore, #tpu.memory_space<semaphore_mem>>)
      %dma_wait3A_322 = arith.constant 0 : i32
      %dma_wait3A_323 = arith.constant 0 : i32
      %dma_wait3A_324 = tpu.memref_slice %arg7[%add3A, %dma_wait3A_322, %dma_wait3A_323] : memref<32x50x128xi32, #tpu.memory_space<hbm>> -> memref<1x50x128xi32, #tpu.memory_space<hbm>>
      %dma_wait3A_325 = tpu.memref_squeeze %dma_wait3A_324 : memref<1x50x128xi32, #tpu.memory_space<hbm>> -> memref<50x128xi32, #tpu.memory_space<hbm>>
      %dma_wait3A_326 = arith.constant 0 : i32
      %dma_wait3A_327 = arith.constant 0 : i32
      %dma_wait3A_328 = tpu.memref_slice %arg7[%add3A, %dma_wait3A_326, %dma_wait3A_327] : memref<32x50x128xi32, #tpu.memory_space<hbm>> -> memref<1x50x128xi32, #tpu.memory_space<hbm>>
      %dma_wait3A_329 = tpu.memref_squeeze %dma_wait3A_328 : memref<1x50x128xi32, #tpu.memory_space<hbm>> -> memref<50x128xi32, #tpu.memory_space<hbm>>
      tpu.wait_dma2 semaphore(%run_scoped3A : memref<!tpu.dma_semaphore, #tpu.memory_space<semaphore_mem>>) src(%dma_wait3A_329 : memref<50x128xi32, #tpu.memory_space<hbm>>) dst(%arg31 : memref<50x128xi32, #tpu.memory_space<vmem>>)
      tpu.yield
    }) : () -> ()
    "tpu.region"() ({
      %run_scoped3A = tpu.sem_alloc : memref<!tpu.dma_semaphore, #tpu.memory_space<semaphore_mem>>
      %dma_start3A_314 = arith.constant 0 : i32
      %dma_start3A_315 = arith.constant 0 : i32
      %dma_start3A_316 = tpu.memref_slice %arg8[%add3A, %dma_start3A_314, %dma_start3A_315] : memref<32x50x128xi32, #tpu.memory_space<hbm>> -> memref<1x50x128xi32, #tpu.memory_space<hbm>>
      %dma_start3A_317 = tpu.memref_squeeze %dma_start3A_316 : memref<1x50x128xi32, #tpu.memory_space<hbm>> -> memref<50x128xi32, #tpu.memory_space<hbm>>
      %dma_start3A_318 = arith.constant 0 : i32
      %dma_start3A_319 = arith.constant 0 : i32
      %dma_start3A_320 = tpu.memref_slice %arg8[%add3A, %dma_start3A_318, %dma_start3A_319] : memref<32x50x128xi32, #tpu.memory_space<hbm>> -> memref<1x50x128xi32, #tpu.memory_space<hbm>>
      %dma_start3A_321 = tpu.memref_squeeze %dma_start3A_320 : memref<1x50x128xi32, #tpu.memory_space<hbm>> -> memref<50x128xi32, #tpu.memory_space<hbm>>
      tpu.enqueue_dma source(%dma_start3A_321 : memref<50x128xi32, #tpu.memory_space<hbm>>) target(%arg32 : memref<50x128xi32, #tpu.memory_space<vmem>>) target_semaphore(%run_scoped3A : memref<!tpu.dma_semaphore, #tpu.memory_space<semaphore_mem>>)
      %dma_wait3A_322 = arith.constant 0 : i32
      %dma_wait3A_323 = arith.constant 0 : i32
      %dma_wait3A_324 = tpu.memref_slice %arg8[%add3A, %dma_wait3A_322, %dma_wait3A_323] : memref<32x50x128xi32, #tpu.memory_space<hbm>> -> memref<1x50x128xi32, #tpu.memory_space<hbm>>
      %dma_wait3A_325 = tpu.memref_squeeze %dma_wait3A_324 : memref<1x50x128xi32, #tpu.memory_space<hbm>> -> memref<50x128xi32, #tpu.memory_space<hbm>>
      %dma_wait3A_326 = arith.constant 0 : i32
      %dma_wait3A_327 = arith.constant 0 : i32
      %dma_wait3A_328 = tpu.memref_slice %arg8[%add3A, %dma_wait3A_326, %dma_wait3A_327] : memref<32x50x128xi32, #tpu.memory_space<hbm>> -> memref<1x50x128xi32, #tpu.memory_space<hbm>>
      %dma_wait3A_329 = tpu.memref_squeeze %dma_wait3A_328 : memref<1x50x128xi32, #tpu.memory_space<hbm>> -> memref<50x128xi32, #tpu.memory_space<hbm>>
      tpu.wait_dma2 semaphore(%run_scoped3A : memref<!tpu.dma_semaphore, #tpu.memory_space<semaphore_mem>>) src(%dma_wait3A_329 : memref<50x128xi32, #tpu.memory_space<hbm>>) dst(%arg32 : memref<50x128xi32, #tpu.memory_space<vmem>>)
      tpu.yield
    }) : () -> ()
    "tpu.region"() ({
      %run_scoped3A = tpu.sem_alloc : memref<!tpu.dma_semaphore, #tpu.memory_space<semaphore_mem>>
      %dma_start3A_314 = arith.constant 0 : i32
      %dma_start3A_315 = arith.constant 0 : i32
      %dma_start3A_316 = tpu.memref_slice %arg9[%add3A, %dma_start3A_314, %dma_start3A_315] : memref<32x50x128xi32, #tpu.memory_space<hbm>> -> memref<1x50x128xi32, #tpu.memory_space<hbm>>
      %dma_start3A_317 = tpu.memref_squeeze %dma_start3A_316 : memref<1x50x128xi32, #tpu.memory_space<hbm>> -> memref<50x128xi32, #tpu.memory_space<hbm>>
      %dma_start3A_318 = arith.constant 0 : i32
      %dma_start3A_319 = arith.constant 0 : i32
      %dma_start3A_320 = tpu.memref_slice %arg9[%add3A, %dma_start3A_318, %dma_start3A_319] : memref<32x50x128xi32, #tpu.memory_space<hbm>> -> memref<1x50x128xi32, #tpu.memory_space<hbm>>
      %dma_start3A_321 = tpu.memref_squeeze %dma_start3A_320 : memref<1x50x128xi32, #tpu.memory_space<hbm>> -> memref<50x128xi32, #tpu.memory_space<hbm>>
      tpu.enqueue_dma source(%dma_start3A_321 : memref<50x128xi32, #tpu.memory_space<hbm>>) target(%arg33 : memref<50x128xi32, #tpu.memory_space<vmem>>) target_semaphore(%run_scoped3A : memref<!tpu.dma_semaphore, #tpu.memory_space<semaphore_mem>>)
      %dma_wait3A_322 = arith.constant 0 : i32
      %dma_wait3A_323 = arith.constant 0 : i32
      %dma_wait3A_324 = tpu.memref_slice %arg9[%add3A, %dma_wait3A_322, %dma_wait3A_323] : memref<32x50x128xi32, #tpu.memory_space<hbm>> -> memref<1x50x128xi32, #tpu.memory_space<hbm>>
      %dma_wait3A_325 = tpu.memref_squeeze %dma_wait3A_324 : memref<1x50x128xi32, #tpu.memory_space<hbm>> -> memref<50x128xi32, #tpu.memory_space<hbm>>
      %dma_wait3A_326 = arith.constant 0 : i32
      %dma_wait3A_327 = arith.constant 0 : i32
      %dma_wait3A_328 = tpu.memref_slice %arg9[%add3A, %dma_wait3A_326, %dma_wait3A_327] : memref<32x50x128xi32, #tpu.memory_space<hbm>> -> memref<1x50x128xi32, #tpu.memory_space<hbm>>
      %dma_wait3A_329 = tpu.memref_squeeze %dma_wait3A_328 : memref<1x50x128xi32, #tpu.memory_space<hbm>> -> memref<50x128xi32, #tpu.memory_space<hbm>>
      tpu.wait_dma2 semaphore(%run_scoped3A : memref<!tpu.dma_semaphore, #tpu.memory_space<semaphore_mem>>) src(%dma_wait3A_329 : memref<50x128xi32, #tpu.memory_space<hbm>>) dst(%arg33 : memref<50x128xi32, #tpu.memory_space<vmem>>)
      tpu.yield
    }) : () -> ()
    %dma_start3A = arith.constant 0 : i32
    %dma_start3A_3 = arith.constant 0 : i32
    %dma_start3A_4 = arith.constant 0 : i32
    %dma_start3A_5 = arith.constant 0 : i32
    %dma_start3A_6 = tpu.memref_slice %arg34[%dma_start3A_3, %dma_start3A_4, %dma_start3A_5] : memref<2x128x8xf32, #tpu.memory_space<vmem>> -> memref<1x128x8xf32, #tpu.memory_space<vmem>>
    %dma_start3A_7 = tpu.memref_squeeze %dma_start3A_6 : memref<1x128x8xf32, #tpu.memory_space<vmem>> -> memref<128x8xf32, #tpu.memory_space<vmem>>
    %dma_start3A_8 = arith.constant 0 : i32
    %dma_start3A_9 = tpu.memref_slice %arg26[%dma_start3A, %dma_start3A_8] : memref<50x128xi32, #tpu.memory_space<vmem>> -> memref<1x128xi32, #tpu.memory_space<vmem>>
    %dma_start3A_10 = tpu.memref_squeeze %dma_start3A_9 : memref<1x128xi32, #tpu.memory_space<vmem>> -> memref<128xi32, #tpu.memory_space<vmem>>
    %dma_start3A_11 = arith.constant 0 : i32
    %dma_start3A_12 = arith.constant 0 : i32
    %dma_start3A_13 = tpu.memref_slice %arg10[%dma_start3A_11, %dma_start3A_12] : memref<100000x8xf32, #tpu.memory_space<hbm>> -> memref<100000x8xf32, #tpu.memory_space<hbm>>
    tpu.enqueue_indirect_dma source(%dma_start3A_13 : memref<100000x8xf32, #tpu.memory_space<hbm>>) target(%dma_start3A_7 : memref<128x8xf32, #tpu.memory_space<vmem>>) offsets(%dma_start3A_10 : memref<128xi32, #tpu.memory_space<vmem>>) semaphore(%arg42 : memref<!tpu.dma_semaphore, #tpu.memory_space<semaphore_mem>>)
    %dma_start3A_14 = arith.constant 0 : i32
    %dma_start3A_15 = arith.constant 0 : i32
    %dma_start3A_16 = arith.constant 0 : i32
    %dma_start3A_17 = arith.constant 0 : i32
    %dma_start3A_18 = tpu.memref_slice %arg35[%dma_start3A_15, %dma_start3A_16, %dma_start3A_17] : memref<2x128x8xf32, #tpu.memory_space<vmem>> -> memref<1x128x8xf32, #tpu.memory_space<vmem>>
    %dma_start3A_19 = tpu.memref_squeeze %dma_start3A_18 : memref<1x128x8xf32, #tpu.memory_space<vmem>> -> memref<128x8xf32, #tpu.memory_space<vmem>>
    %dma_start3A_20 = arith.constant 0 : i32
    %dma_start3A_21 = tpu.memref_slice %arg27[%dma_start3A_14, %dma_start3A_20] : memref<50x128xi32, #tpu.memory_space<vmem>> -> memref<1x128xi32, #tpu.memory_space<vmem>>
    %dma_start3A_22 = tpu.memref_squeeze %dma_start3A_21 : memref<1x128xi32, #tpu.memory_space<vmem>> -> memref<128xi32, #tpu.memory_space<vmem>>
    %dma_start3A_23 = arith.constant 0 : i32
    %dma_start3A_24 = arith.constant 0 : i32
    %dma_start3A_25 = tpu.memref_slice %arg11[%dma_start3A_23, %dma_start3A_24] : memref<1024x8xf32, #tpu.memory_space<hbm>> -> memref<1024x8xf32, #tpu.memory_space<hbm>>
    tpu.enqueue_indirect_dma source(%dma_start3A_25 : memref<1024x8xf32, #tpu.memory_space<hbm>>) target(%dma_start3A_19 : memref<128x8xf32, #tpu.memory_space<vmem>>) offsets(%dma_start3A_22 : memref<128xi32, #tpu.memory_space<vmem>>) semaphore(%arg42 : memref<!tpu.dma_semaphore, #tpu.memory_space<semaphore_mem>>)
    %dma_start3A_26 = arith.constant 0 : i32
    %dma_start3A_27 = arith.constant 0 : i32
    %dma_start3A_28 = arith.constant 0 : i32
    %dma_start3A_29 = arith.constant 0 : i32
    %dma_start3A_30 = tpu.memref_slice %arg36[%dma_start3A_27, %dma_start3A_28, %dma_start3A_29] : memref<2x128x8xf32, #tpu.memory_space<vmem>> -> memref<1x128x8xf32, #tpu.memory_space<vmem>>
    %dma_start3A_31 = tpu.memref_squeeze %dma_start3A_30 : memref<1x128x8xf32, #tpu.memory_space<vmem>> -> memref<128x8xf32, #tpu.memory_space<vmem>>
    %dma_start3A_32 = arith.constant 0 : i32
    %dma_start3A_33 = tpu.memref_slice %arg28[%dma_start3A_26, %dma_start3A_32] : memref<50x128xi32, #tpu.memory_space<vmem>> -> memref<1x128xi32, #tpu.memory_space<vmem>>
    %dma_start3A_34 = tpu.memref_squeeze %dma_start3A_33 : memref<1x128xi32, #tpu.memory_space<vmem>> -> memref<128xi32, #tpu.memory_space<vmem>>
    %dma_start3A_35 = arith.constant 0 : i32
    %dma_start3A_36 = arith.constant 0 : i32
    %dma_start3A_37 = tpu.memref_slice %arg12[%dma_start3A_35, %dma_start3A_36] : memref<1024x8xf32, #tpu.memory_space<hbm>> -> memref<1024x8xf32, #tpu.memory_space<hbm>>
    tpu.enqueue_indirect_dma source(%dma_start3A_37 : memref<1024x8xf32, #tpu.memory_space<hbm>>) target(%dma_start3A_31 : memref<128x8xf32, #tpu.memory_space<vmem>>) offsets(%dma_start3A_34 : memref<128xi32, #tpu.memory_space<vmem>>) semaphore(%arg42 : memref<!tpu.dma_semaphore, #tpu.memory_space<semaphore_mem>>)
    %dma_start3A_38 = arith.constant 0 : i32
    %dma_start3A_39 = arith.constant 0 : i32
    %dma_start3A_40 = arith.constant 0 : i32
    %dma_start3A_41 = arith.constant 0 : i32
    %dma_start3A_42 = tpu.memref_slice %arg37[%dma_start3A_39, %dma_start3A_40, %dma_start3A_41] : memref<2x128x8xf32, #tpu.memory_space<vmem>> -> memref<1x128x8xf32, #tpu.memory_space<vmem>>
    %dma_start3A_43 = tpu.memref_squeeze %dma_start3A_42 : memref<1x128x8xf32, #tpu.memory_space<vmem>> -> memref<128x8xf32, #tpu.memory_space<vmem>>
    %dma_start3A_44 = arith.constant 0 : i32
    %dma_start3A_45 = tpu.memref_slice %arg29[%dma_start3A_38, %dma_start3A_44] : memref<50x128xi32, #tpu.memory_space<vmem>> -> memref<1x128xi32, #tpu.memory_space<vmem>>
    %dma_start3A_46 = tpu.memref_squeeze %dma_start3A_45 : memref<1x128xi32, #tpu.memory_space<vmem>> -> memref<128xi32, #tpu.memory_space<vmem>>
    %dma_start3A_47 = arith.constant 0 : i32
    %dma_start3A_48 = arith.constant 0 : i32
    %dma_start3A_49 = tpu.memref_slice %arg13[%dma_start3A_47, %dma_start3A_48] : memref<1024x8xf32, #tpu.memory_space<hbm>> -> memref<1024x8xf32, #tpu.memory_space<hbm>>
    tpu.enqueue_indirect_dma source(%dma_start3A_49 : memref<1024x8xf32, #tpu.memory_space<hbm>>) target(%dma_start3A_43 : memref<128x8xf32, #tpu.memory_space<vmem>>) offsets(%dma_start3A_46 : memref<128xi32, #tpu.memory_space<vmem>>) semaphore(%arg42 : memref<!tpu.dma_semaphore, #tpu.memory_space<semaphore_mem>>)
    %dma_start3A_50 = arith.constant 0 : i32
    %dma_start3A_51 = arith.constant 0 : i32
    %dma_start3A_52 = arith.constant 0 : i32
    %dma_start3A_53 = arith.constant 0 : i32
    %dma_start3A_54 = tpu.memref_slice %arg38[%dma_start3A_51, %dma_start3A_52, %dma_start3A_53] : memref<2x128x8xf32, #tpu.memory_space<vmem>> -> memref<1x128x8xf32, #tpu.memory_space<vmem>>
    %dma_start3A_55 = tpu.memref_squeeze %dma_start3A_54 : memref<1x128x8xf32, #tpu.memory_space<vmem>> -> memref<128x8xf32, #tpu.memory_space<vmem>>
    %dma_start3A_56 = arith.constant 0 : i32
    %dma_start3A_57 = tpu.memref_slice %arg30[%dma_start3A_50, %dma_start3A_56] : memref<50x128xi32, #tpu.memory_space<vmem>> -> memref<1x128xi32, #tpu.memory_space<vmem>>
    %dma_start3A_58 = tpu.memref_squeeze %dma_start3A_57 : memref<1x128xi32, #tpu.memory_space<vmem>> -> memref<128xi32, #tpu.memory_space<vmem>>
    %dma_start3A_59 = arith.constant 0 : i32
    %dma_start3A_60 = arith.constant 0 : i32
    %dma_start3A_61 = tpu.memref_slice %arg14[%dma_start3A_59, %dma_start3A_60] : memref<1024x8xf32, #tpu.memory_space<hbm>> -> memref<1024x8xf32, #tpu.memory_space<hbm>>
    tpu.enqueue_indirect_dma source(%dma_start3A_61 : memref<1024x8xf32, #tpu.memory_space<hbm>>) target(%dma_start3A_55 : memref<128x8xf32, #tpu.memory_space<vmem>>) offsets(%dma_start3A_58 : memref<128xi32, #tpu.memory_space<vmem>>) semaphore(%arg42 : memref<!tpu.dma_semaphore, #tpu.memory_space<semaphore_mem>>)
    %dma_start3A_62 = arith.constant 0 : i32
    %dma_start3A_63 = arith.constant 0 : i32
    %dma_start3A_64 = arith.constant 0 : i32
    %dma_start3A_65 = arith.constant 0 : i32
    %dma_start3A_66 = tpu.memref_slice %arg39[%dma_start3A_63, %dma_start3A_64, %dma_start3A_65] : memref<2x128x8xf32, #tpu.memory_space<vmem>> -> memref<1x128x8xf32, #tpu.memory_space<vmem>>
    %dma_start3A_67 = tpu.memref_squeeze %dma_start3A_66 : memref<1x128x8xf32, #tpu.memory_space<vmem>> -> memref<128x8xf32, #tpu.memory_space<vmem>>
    %dma_start3A_68 = arith.constant 0 : i32
    %dma_start3A_69 = tpu.memref_slice %arg31[%dma_start3A_62, %dma_start3A_68] : memref<50x128xi32, #tpu.memory_space<vmem>> -> memref<1x128xi32, #tpu.memory_space<vmem>>
    %dma_start3A_70 = tpu.memref_squeeze %dma_start3A_69 : memref<1x128xi32, #tpu.memory_space<vmem>> -> memref<128xi32, #tpu.memory_space<vmem>>
    %dma_start3A_71 = arith.constant 0 : i32
    %dma_start3A_72 = arith.constant 0 : i32
    %dma_start3A_73 = tpu.memref_slice %arg15[%dma_start3A_71, %dma_start3A_72] : memref<1024x8xf32, #tpu.memory_space<hbm>> -> memref<1024x8xf32, #tpu.memory_space<hbm>>
    tpu.enqueue_indirect_dma source(%dma_start3A_73 : memref<1024x8xf32, #tpu.memory_space<hbm>>) target(%dma_start3A_67 : memref<128x8xf32, #tpu.memory_space<vmem>>) offsets(%dma_start3A_70 : memref<128xi32, #tpu.memory_space<vmem>>) semaphore(%arg42 : memref<!tpu.dma_semaphore, #tpu.memory_space<semaphore_mem>>)
    %dma_start3A_74 = arith.constant 0 : i32
    %dma_start3A_75 = arith.constant 0 : i32
    %dma_start3A_76 = arith.constant 0 : i32
    %dma_start3A_77 = arith.constant 0 : i32
    %dma_start3A_78 = tpu.memref_slice %arg40[%dma_start3A_75, %dma_start3A_76, %dma_start3A_77] : memref<2x128x8xf32, #tpu.memory_space<vmem>> -> memref<1x128x8xf32, #tpu.memory_space<vmem>>
    %dma_start3A_79 = tpu.memref_squeeze %dma_start3A_78 : memref<1x128x8xf32, #tpu.memory_space<vmem>> -> memref<128x8xf32, #tpu.memory_space<vmem>>
    %dma_start3A_80 = arith.constant 0 : i32
    %dma_start3A_81 = tpu.memref_slice %arg32[%dma_start3A_74, %dma_start3A_80] : memref<50x128xi32, #tpu.memory_space<vmem>> -> memref<1x128xi32, #tpu.memory_space<vmem>>
    %dma_start3A_82 = tpu.memref_squeeze %dma_start3A_81 : memref<1x128xi32, #tpu.memory_space<vmem>> -> memref<128xi32, #tpu.memory_space<vmem>>
    %dma_start3A_83 = arith.constant 0 : i32
    %dma_start3A_84 = arith.constant 0 : i32
    %dma_start3A_85 = tpu.memref_slice %arg16[%dma_start3A_83, %dma_start3A_84] : memref<1024x8xf32, #tpu.memory_space<hbm>> -> memref<1024x8xf32, #tpu.memory_space<hbm>>
    tpu.enqueue_indirect_dma source(%dma_start3A_85 : memref<1024x8xf32, #tpu.memory_space<hbm>>) target(%dma_start3A_79 : memref<128x8xf32, #tpu.memory_space<vmem>>) offsets(%dma_start3A_82 : memref<128xi32, #tpu.memory_space<vmem>>) semaphore(%arg42 : memref<!tpu.dma_semaphore, #tpu.memory_space<semaphore_mem>>)
    %dma_start3A_86 = arith.constant 0 : i32
    %dma_start3A_87 = arith.constant 0 : i32
    %dma_start3A_88 = arith.constant 0 : i32
    %dma_start3A_89 = arith.constant 0 : i32
    %dma_start3A_90 = tpu.memref_slice %arg41[%dma_start3A_87, %dma_start3A_88, %dma_start3A_89] : memref<2x128x8xf32, #tpu.memory_space<vmem>> -> memref<1x128x8xf32, #tpu.memory_space<vmem>>
    %dma_start3A_91 = tpu.memref_squeeze %dma_start3A_90 : memref<1x128x8xf32, #tpu.memory_space<vmem>> -> memref<128x8xf32, #tpu.memory_space<vmem>>
    %dma_start3A_92 = arith.constant 0 : i32
    %dma_start3A_93 = tpu.memref_slice %arg33[%dma_start3A_86, %dma_start3A_92] : memref<50x128xi32, #tpu.memory_space<vmem>> -> memref<1x128xi32, #tpu.memory_space<vmem>>
    %dma_start3A_94 = tpu.memref_squeeze %dma_start3A_93 : memref<1x128xi32, #tpu.memory_space<vmem>> -> memref<128xi32, #tpu.memory_space<vmem>>
    %dma_start3A_95 = arith.constant 0 : i32
    %dma_start3A_96 = arith.constant 0 : i32
    %dma_start3A_97 = tpu.memref_slice %arg17[%dma_start3A_95, %dma_start3A_96] : memref<1024x8xf32, #tpu.memory_space<hbm>> -> memref<1024x8xf32, #tpu.memory_space<hbm>>
    tpu.enqueue_indirect_dma source(%dma_start3A_97 : memref<1024x8xf32, #tpu.memory_space<hbm>>) target(%dma_start3A_91 : memref<128x8xf32, #tpu.memory_space<vmem>>) offsets(%dma_start3A_94 : memref<128xi32, #tpu.memory_space<vmem>>) semaphore(%arg42 : memref<!tpu.dma_semaphore, #tpu.memory_space<semaphore_mem>>)
    %scan3A = arith.constant 0 : i32
    %scan3A_98 = arith.constant 0 : i32
    %scan3A_99 = arith.constant 25 : i32
    %scan3A_100 = arith.addi %scan3A_98, %scan3A_99 : i32
    %scan3A_101 = arith.constant 1 : i32
    scf.for %scan3A_314 = %scan3A_98 to %scan3A_100 step %scan3A_101  : i32 {
      %mul3A_315 = arith.constant 2 : i32
      %mul3A_316 = arith.muli %scan3A_314, %mul3A_315 : i32
      %gt3A = arith.constant 0 : i32
      %gt3A_317 = arith.cmpi sgt, %scan3A_314, %gt3A : i32
      %convert_element_type3A = arith.extui %gt3A_317 : i1 to i32
      %cond3A = arith.constant 0 : i32
      %cond3A_318 = arith.cmpi ne, %convert_element_type3A, %cond3A : i32
      scf.if %cond3A_318 {
        %sub3A = arith.constant 1 : i32
        %sub3A_805 = arith.subi %mul3A_316, %sub3A : i32
        %mul3A_806 = arith.constant 128 : i32
        %mul3A_807 = arith.muli %sub3A_805, %mul3A_806 : i32
        %add3A_808 = arith.addi %mul3A_2, %mul3A_807 : i32
        %dma_wait3A_809 = arith.constant 1 : i32
        %dma_wait3A_810 = arith.constant 0 : i32
        %dma_wait3A_811 = arith.constant 0 : i32
        %dma_wait3A_812 = tpu.memref_slice %arg34[%dma_wait3A_809, %dma_wait3A_810, %dma_wait3A_811] : memref<2x128x8xf32, #tpu.memory_space<vmem>> -> memref<1x128x8xf32, #tpu.memory_space<vmem>>
        %dma_wait3A_813 = tpu.memref_squeeze %dma_wait3A_812 : memref<1x128x8xf32, #tpu.memory_space<vmem>> -> memref<128x8xf32, #tpu.memory_space<vmem>>
        %dma_wait3A_814 = arith.constant 0 : i32
        %dma_wait3A_815 = tpu.memref_slice %arg18[%add3A_808, %dma_wait3A_814] : memref<204800x8xf32, #tpu.memory_space<hbm>> -> memref<128x8xf32, #tpu.memory_space<hbm>>
        %dma_wait3A_816 = arith.constant 0 : i32
        %dma_wait3A_817 = tpu.memref_slice %arg18[%add3A_808, %dma_wait3A_816] : memref<204800x8xf32, #tpu.memory_space<hbm>> -> memref<128x8xf32, #tpu.memory_space<hbm>>
        %dma_wait3A_818 = arith.constant 0 : i32
        %dma_wait3A_819 = arith.constant 0 : i32
        %dma_wait3A_820 = tpu.memref_slice %arg34[%dma_wait3A_809, %dma_wait3A_818, %dma_wait3A_819] : memref<2x128x8xf32, #tpu.memory_space<vmem>> -> memref<1x128x8xf32, #tpu.memory_space<vmem>>
        %dma_wait3A_821 = tpu.memref_squeeze %dma_wait3A_820 : memref<1x128x8xf32, #tpu.memory_space<vmem>> -> memref<128x8xf32, #tpu.memory_space<vmem>>
        tpu.wait_dma2 semaphore(%arg45 : memref<!tpu.dma_semaphore, #tpu.memory_space<semaphore_mem>>) src(%dma_wait3A_821 : memref<128x8xf32, #tpu.memory_space<vmem>>) dst(%dma_wait3A_817 : memref<128x8xf32, #tpu.memory_space<hbm>>)
        %dma_wait3A_822 = arith.constant 1 : i32
        %dma_wait3A_823 = arith.constant 0 : i32
        %dma_wait3A_824 = arith.constant 0 : i32
        %dma_wait3A_825 = tpu.memref_slice %arg35[%dma_wait3A_822, %dma_wait3A_823, %dma_wait3A_824] : memref<2x128x8xf32, #tpu.memory_space<vmem>> -> memref<1x128x8xf32, #tpu.memory_space<vmem>>
        %dma_wait3A_826 = tpu.memref_squeeze %dma_wait3A_825 : memref<1x128x8xf32, #tpu.memory_space<vmem>> -> memref<128x8xf32, #tpu.memory_space<vmem>>
        %dma_wait3A_827 = arith.constant 0 : i32
        %dma_wait3A_828 = tpu.memref_slice %arg19[%add3A_808, %dma_wait3A_827] : memref<204800x8xf32, #tpu.memory_space<hbm>> -> memref<128x8xf32, #tpu.memory_space<hbm>>
        %dma_wait3A_829 = arith.constant 0 : i32
        %dma_wait3A_830 = tpu.memref_slice %arg19[%add3A_808, %dma_wait3A_829] : memref<204800x8xf32, #tpu.memory_space<hbm>> -> memref<128x8xf32, #tpu.memory_space<hbm>>
        %dma_wait3A_831 = arith.constant 0 : i32
        %dma_wait3A_832 = arith.constant 0 : i32
        %dma_wait3A_833 = tpu.memref_slice %arg35[%dma_wait3A_822, %dma_wait3A_831, %dma_wait3A_832] : memref<2x128x8xf32, #tpu.memory_space<vmem>> -> memref<1x128x8xf32, #tpu.memory_space<vmem>>
        %dma_wait3A_834 = tpu.memref_squeeze %dma_wait3A_833 : memref<1x128x8xf32, #tpu.memory_space<vmem>> -> memref<128x8xf32, #tpu.memory_space<vmem>>
        tpu.wait_dma2 semaphore(%arg45 : memref<!tpu.dma_semaphore, #tpu.memory_space<semaphore_mem>>) src(%dma_wait3A_834 : memref<128x8xf32, #tpu.memory_space<vmem>>) dst(%dma_wait3A_830 : memref<128x8xf32, #tpu.memory_space<hbm>>)
        %dma_wait3A_835 = arith.constant 1 : i32
        %dma_wait3A_836 = arith.constant 0 : i32
        %dma_wait3A_837 = arith.constant 0 : i32
        %dma_wait3A_838 = tpu.memref_slice %arg36[%dma_wait3A_835, %dma_wait3A_836, %dma_wait3A_837] : memref<2x128x8xf32, #tpu.memory_space<vmem>> -> memref<1x128x8xf32, #tpu.memory_space<vmem>>
        %dma_wait3A_839 = tpu.memref_squeeze %dma_wait3A_838 : memref<1x128x8xf32, #tpu.memory_space<vmem>> -> memref<128x8xf32, #tpu.memory_space<vmem>>
        %dma_wait3A_840 = arith.constant 0 : i32
        %dma_wait3A_841 = tpu.memref_slice %arg20[%add3A_808, %dma_wait3A_840] : memref<204800x8xf32, #tpu.memory_space<hbm>> -> memref<128x8xf32, #tpu.memory_space<hbm>>
        %dma_wait3A_842 = arith.constant 0 : i32
        %dma_wait3A_843 = tpu.memref_slice %arg20[%add3A_808, %dma_wait3A_842] : memref<204800x8xf32, #tpu.memory_space<hbm>> -> memref<128x8xf32, #tpu.memory_space<hbm>>
        %dma_wait3A_844 = arith.constant 0 : i32
        %dma_wait3A_845 = arith.constant 0 : i32
        %dma_wait3A_846 = tpu.memref_slice %arg36[%dma_wait3A_835, %dma_wait3A_844, %dma_wait3A_845] : memref<2x128x8xf32, #tpu.memory_space<vmem>> -> memref<1x128x8xf32, #tpu.memory_space<vmem>>
        %dma_wait3A_847 = tpu.memref_squeeze %dma_wait3A_846 : memref<1x128x8xf32, #tpu.memory_space<vmem>> -> memref<128x8xf32, #tpu.memory_space<vmem>>
        tpu.wait_dma2 semaphore(%arg45 : memref<!tpu.dma_semaphore, #tpu.memory_space<semaphore_mem>>) src(%dma_wait3A_847 : memref<128x8xf32, #tpu.memory_space<vmem>>) dst(%dma_wait3A_843 : memref<128x8xf32, #tpu.memory_space<hbm>>)
        %dma_wait3A_848 = arith.constant 1 : i32
        %dma_wait3A_849 = arith.constant 0 : i32
        %dma_wait3A_850 = arith.constant 0 : i32
        %dma_wait3A_851 = tpu.memref_slice %arg37[%dma_wait3A_848, %dma_wait3A_849, %dma_wait3A_850] : memref<2x128x8xf32, #tpu.memory_space<vmem>> -> memref<1x128x8xf32, #tpu.memory_space<vmem>>
        %dma_wait3A_852 = tpu.memref_squeeze %dma_wait3A_851 : memref<1x128x8xf32, #tpu.memory_space<vmem>> -> memref<128x8xf32, #tpu.memory_space<vmem>>
        %dma_wait3A_853 = arith.constant 0 : i32
        %dma_wait3A_854 = tpu.memref_slice %arg21[%add3A_808, %dma_wait3A_853] : memref<204800x8xf32, #tpu.memory_space<hbm>> -> memref<128x8xf32, #tpu.memory_space<hbm>>
        %dma_wait3A_855 = arith.constant 0 : i32
        %dma_wait3A_856 = tpu.memref_slice %arg21[%add3A_808, %dma_wait3A_855] : memref<204800x8xf32, #tpu.memory_space<hbm>> -> memref<128x8xf32, #tpu.memory_space<hbm>>
        %dma_wait3A_857 = arith.constant 0 : i32
        %dma_wait3A_858 = arith.constant 0 : i32
        %dma_wait3A_859 = tpu.memref_slice %arg37[%dma_wait3A_848, %dma_wait3A_857, %dma_wait3A_858] : memref<2x128x8xf32, #tpu.memory_space<vmem>> -> memref<1x128x8xf32, #tpu.memory_space<vmem>>
        %dma_wait3A_860 = tpu.memref_squeeze %dma_wait3A_859 : memref<1x128x8xf32, #tpu.memory_space<vmem>> -> memref<128x8xf32, #tpu.memory_space<vmem>>
        tpu.wait_dma2 semaphore(%arg45 : memref<!tpu.dma_semaphore, #tpu.memory_space<semaphore_mem>>) src(%dma_wait3A_860 : memref<128x8xf32, #tpu.memory_space<vmem>>) dst(%dma_wait3A_856 : memref<128x8xf32, #tpu.memory_space<hbm>>)
        %dma_wait3A_861 = arith.constant 1 : i32
        %dma_wait3A_862 = arith.constant 0 : i32
        %dma_wait3A_863 = arith.constant 0 : i32
        %dma_wait3A_864 = tpu.memref_slice %arg38[%dma_wait3A_861, %dma_wait3A_862, %dma_wait3A_863] : memref<2x128x8xf32, #tpu.memory_space<vmem>> -> memref<1x128x8xf32, #tpu.memory_space<vmem>>
        %dma_wait3A_865 = tpu.memref_squeeze %dma_wait3A_864 : memref<1x128x8xf32, #tpu.memory_space<vmem>> -> memref<128x8xf32, #tpu.memory_space<vmem>>
        %dma_wait3A_866 = arith.constant 0 : i32
        %dma_wait3A_867 = tpu.memref_slice %arg22[%add3A_808, %dma_wait3A_866] : memref<204800x8xf32, #tpu.memory_space<hbm>> -> memref<128x8xf32, #tpu.memory_space<hbm>>
        %dma_wait3A_868 = arith.constant 0 : i32
        %dma_wait3A_869 = tpu.memref_slice %arg22[%add3A_808, %dma_wait3A_868] : memref<204800x8xf32, #tpu.memory_space<hbm>> -> memref<128x8xf32, #tpu.memory_space<hbm>>
        %dma_wait3A_870 = arith.constant 0 : i32
        %dma_wait3A_871 = arith.constant 0 : i32
        %dma_wait3A_872 = tpu.memref_slice %arg38[%dma_wait3A_861, %dma_wait3A_870, %dma_wait3A_871] : memref<2x128x8xf32, #tpu.memory_space<vmem>> -> memref<1x128x8xf32, #tpu.memory_space<vmem>>
        %dma_wait3A_873 = tpu.memref_squeeze %dma_wait3A_872 : memref<1x128x8xf32, #tpu.memory_space<vmem>> -> memref<128x8xf32, #tpu.memory_space<vmem>>
        tpu.wait_dma2 semaphore(%arg45 : memref<!tpu.dma_semaphore, #tpu.memory_space<semaphore_mem>>) src(%dma_wait3A_873 : memref<128x8xf32, #tpu.memory_space<vmem>>) dst(%dma_wait3A_869 : memref<128x8xf32, #tpu.memory_space<hbm>>)
        %dma_wait3A_874 = arith.constant 1 : i32
        %dma_wait3A_875 = arith.constant 0 : i32
        %dma_wait3A_876 = arith.constant 0 : i32
        %dma_wait3A_877 = tpu.memref_slice %arg39[%dma_wait3A_874, %dma_wait3A_875, %dma_wait3A_876] : memref<2x128x8xf32, #tpu.memory_space<vmem>> -> memref<1x128x8xf32, #tpu.memory_space<vmem>>
        %dma_wait3A_878 = tpu.memref_squeeze %dma_wait3A_877 : memref<1x128x8xf32, #tpu.memory_space<vmem>> -> memref<128x8xf32, #tpu.memory_space<vmem>>
        %dma_wait3A_879 = arith.constant 0 : i32
        %dma_wait3A_880 = tpu.memref_slice %arg23[%add3A_808, %dma_wait3A_879] : memref<204800x8xf32, #tpu.memory_space<hbm>> -> memref<128x8xf32, #tpu.memory_space<hbm>>
        %dma_wait3A_881 = arith.constant 0 : i32
        %dma_wait3A_882 = tpu.memref_slice %arg23[%add3A_808, %dma_wait3A_881] : memref<204800x8xf32, #tpu.memory_space<hbm>> -> memref<128x8xf32, #tpu.memory_space<hbm>>
        %dma_wait3A_883 = arith.constant 0 : i32
        %dma_wait3A_884 = arith.constant 0 : i32
        %dma_wait3A_885 = tpu.memref_slice %arg39[%dma_wait3A_874, %dma_wait3A_883, %dma_wait3A_884] : memref<2x128x8xf32, #tpu.memory_space<vmem>> -> memref<1x128x8xf32, #tpu.memory_space<vmem>>
        %dma_wait3A_886 = tpu.memref_squeeze %dma_wait3A_885 : memref<1x128x8xf32, #tpu.memory_space<vmem>> -> memref<128x8xf32, #tpu.memory_space<vmem>>
        tpu.wait_dma2 semaphore(%arg45 : memref<!tpu.dma_semaphore, #tpu.memory_space<semaphore_mem>>) src(%dma_wait3A_886 : memref<128x8xf32, #tpu.memory_space<vmem>>) dst(%dma_wait3A_882 : memref<128x8xf32, #tpu.memory_space<hbm>>)
        %dma_wait3A_887 = arith.constant 1 : i32
        %dma_wait3A_888 = arith.constant 0 : i32
        %dma_wait3A_889 = arith.constant 0 : i32
        %dma_wait3A_890 = tpu.memref_slice %arg40[%dma_wait3A_887, %dma_wait3A_888, %dma_wait3A_889] : memref<2x128x8xf32, #tpu.memory_space<vmem>> -> memref<1x128x8xf32, #tpu.memory_space<vmem>>
        %dma_wait3A_891 = tpu.memref_squeeze %dma_wait3A_890 : memref<1x128x8xf32, #tpu.memory_space<vmem>> -> memref<128x8xf32, #tpu.memory_space<vmem>>
        %dma_wait3A_892 = arith.constant 0 : i32
        %dma_wait3A_893 = tpu.memref_slice %arg24[%add3A_808, %dma_wait3A_892] : memref<204800x8xf32, #tpu.memory_space<hbm>> -> memref<128x8xf32, #tpu.memory_space<hbm>>
        %dma_wait3A_894 = arith.constant 0 : i32
        %dma_wait3A_895 = tpu.memref_slice %arg24[%add3A_808, %dma_wait3A_894] : memref<204800x8xf32, #tpu.memory_space<hbm>> -> memref<128x8xf32, #tpu.memory_space<hbm>>
        %dma_wait3A_896 = arith.constant 0 : i32
        %dma_wait3A_897 = arith.constant 0 : i32
        %dma_wait3A_898 = tpu.memref_slice %arg40[%dma_wait3A_887, %dma_wait3A_896, %dma_wait3A_897] : memref<2x128x8xf32, #tpu.memory_space<vmem>> -> memref<1x128x8xf32, #tpu.memory_space<vmem>>
        %dma_wait3A_899 = tpu.memref_squeeze %dma_wait3A_898 : memref<1x128x8xf32, #tpu.memory_space<vmem>> -> memref<128x8xf32, #tpu.memory_space<vmem>>
        tpu.wait_dma2 semaphore(%arg45 : memref<!tpu.dma_semaphore, #tpu.memory_space<semaphore_mem>>) src(%dma_wait3A_899 : memref<128x8xf32, #tpu.memory_space<vmem>>) dst(%dma_wait3A_895 : memref<128x8xf32, #tpu.memory_space<hbm>>)
        %dma_wait3A_900 = arith.constant 1 : i32
        %dma_wait3A_901 = arith.constant 0 : i32
        %dma_wait3A_902 = arith.constant 0 : i32
        %dma_wait3A_903 = tpu.memref_slice %arg41[%dma_wait3A_900, %dma_wait3A_901, %dma_wait3A_902] : memref<2x128x8xf32, #tpu.memory_space<vmem>> -> memref<1x128x8xf32, #tpu.memory_space<vmem>>
        %dma_wait3A_904 = tpu.memref_squeeze %dma_wait3A_903 : memref<1x128x8xf32, #tpu.memory_space<vmem>> -> memref<128x8xf32, #tpu.memory_space<vmem>>
        %dma_wait3A_905 = arith.constant 0 : i32
        %dma_wait3A_906 = tpu.memref_slice %arg25[%add3A_808, %dma_wait3A_905] : memref<204800x8xf32, #tpu.memory_space<hbm>> -> memref<128x8xf32, #tpu.memory_space<hbm>>
        %dma_wait3A_907 = arith.constant 0 : i32
        %dma_wait3A_908 = tpu.memref_slice %arg25[%add3A_808, %dma_wait3A_907] : memref<204800x8xf32, #tpu.memory_space<hbm>> -> memref<128x8xf32, #tpu.memory_space<hbm>>
        %dma_wait3A_909 = arith.constant 0 : i32
        %dma_wait3A_910 = arith.constant 0 : i32
        %dma_wait3A_911 = tpu.memref_slice %arg41[%dma_wait3A_900, %dma_wait3A_909, %dma_wait3A_910] : memref<2x128x8xf32, #tpu.memory_space<vmem>> -> memref<1x128x8xf32, #tpu.memory_space<vmem>>
        %dma_wait3A_912 = tpu.memref_squeeze %dma_wait3A_911 : memref<1x128x8xf32, #tpu.memory_space<vmem>> -> memref<128x8xf32, #tpu.memory_space<vmem>>
        tpu.wait_dma2 semaphore(%arg45 : memref<!tpu.dma_semaphore, #tpu.memory_space<semaphore_mem>>) src(%dma_wait3A_912 : memref<128x8xf32, #tpu.memory_space<vmem>>) dst(%dma_wait3A_908 : memref<128x8xf32, #tpu.memory_space<hbm>>)
      } else {
      }
      %add3A_319 = arith.constant 1 : i32
      %add3A_320 = arith.addi %mul3A_316, %add3A_319 : i32
      %dma_start3A_321 = arith.constant 1 : i32
      %dma_start3A_322 = arith.constant 0 : i32
      %dma_start3A_323 = arith.constant 0 : i32
      %dma_start3A_324 = tpu.memref_slice %arg34[%dma_start3A_321, %dma_start3A_322, %dma_start3A_323] : memref<2x128x8xf32, #tpu.memory_space<vmem>> -> memref<1x128x8xf32, #tpu.memory_space<vmem>>
      %dma_start3A_325 = tpu.memref_squeeze %dma_start3A_324 : memref<1x128x8xf32, #tpu.memory_space<vmem>> -> memref<128x8xf32, #tpu.memory_space<vmem>>
      %dma_start3A_326 = arith.constant 0 : i32
      %dma_start3A_327 = tpu.memref_slice %arg26[%add3A_320, %dma_start3A_326] : memref<50x128xi32, #tpu.memory_space<vmem>> -> memref<1x128xi32, #tpu.memory_space<vmem>>
      %dma_start3A_328 = tpu.memref_squeeze %dma_start3A_327 : memref<1x128xi32, #tpu.memory_space<vmem>> -> memref<128xi32, #tpu.memory_space<vmem>>
      %dma_start3A_329 = arith.constant 0 : i32
      %dma_start3A_330 = arith.constant 0 : i32
      %dma_start3A_331 = tpu.memref_slice %arg10[%dma_start3A_329, %dma_start3A_330] : memref<100000x8xf32, #tpu.memory_space<hbm>> -> memref<100000x8xf32, #tpu.memory_space<hbm>>
      tpu.enqueue_indirect_dma source(%dma_start3A_331 : memref<100000x8xf32, #tpu.memory_space<hbm>>) target(%dma_start3A_325 : memref<128x8xf32, #tpu.memory_space<vmem>>) offsets(%dma_start3A_328 : memref<128xi32, #tpu.memory_space<vmem>>) semaphore(%arg43 : memref<!tpu.dma_semaphore, #tpu.memory_space<semaphore_mem>>)
      %dma_start3A_332 = arith.constant 1 : i32
      %dma_start3A_333 = arith.constant 0 : i32
      %dma_start3A_334 = arith.constant 0 : i32
      %dma_start3A_335 = tpu.memref_slice %arg35[%dma_start3A_332, %dma_start3A_333, %dma_start3A_334] : memref<2x128x8xf32, #tpu.memory_space<vmem>> -> memref<1x128x8xf32, #tpu.memory_space<vmem>>
      %dma_start3A_336 = tpu.memref_squeeze %dma_start3A_335 : memref<1x128x8xf32, #tpu.memory_space<vmem>> -> memref<128x8xf32, #tpu.memory_space<vmem>>
      %dma_start3A_337 = arith.constant 0 : i32
      %dma_start3A_338 = tpu.memref_slice %arg27[%add3A_320, %dma_start3A_337] : memref<50x128xi32, #tpu.memory_space<vmem>> -> memref<1x128xi32, #tpu.memory_space<vmem>>
      %dma_start3A_339 = tpu.memref_squeeze %dma_start3A_338 : memref<1x128xi32, #tpu.memory_space<vmem>> -> memref<128xi32, #tpu.memory_space<vmem>>
      %dma_start3A_340 = arith.constant 0 : i32
      %dma_start3A_341 = arith.constant 0 : i32
      %dma_start3A_342 = tpu.memref_slice %arg11[%dma_start3A_340, %dma_start3A_341] : memref<1024x8xf32, #tpu.memory_space<hbm>> -> memref<1024x8xf32, #tpu.memory_space<hbm>>
      tpu.enqueue_indirect_dma source(%dma_start3A_342 : memref<1024x8xf32, #tpu.memory_space<hbm>>) target(%dma_start3A_336 : memref<128x8xf32, #tpu.memory_space<vmem>>) offsets(%dma_start3A_339 : memref<128xi32, #tpu.memory_space<vmem>>) semaphore(%arg43 : memref<!tpu.dma_semaphore, #tpu.memory_space<semaphore_mem>>)
      %dma_start3A_343 = arith.constant 1 : i32
      %dma_start3A_344 = arith.constant 0 : i32
      %dma_start3A_345 = arith.constant 0 : i32
      %dma_start3A_346 = tpu.memref_slice %arg36[%dma_start3A_343, %dma_start3A_344, %dma_start3A_345] : memref<2x128x8xf32, #tpu.memory_space<vmem>> -> memref<1x128x8xf32, #tpu.memory_space<vmem>>
      %dma_start3A_347 = tpu.memref_squeeze %dma_start3A_346 : memref<1x128x8xf32, #tpu.memory_space<vmem>> -> memref<128x8xf32, #tpu.memory_space<vmem>>
      %dma_start3A_348 = arith.constant 0 : i32
      %dma_start3A_349 = tpu.memref_slice %arg28[%add3A_320, %dma_start3A_348] : memref<50x128xi32, #tpu.memory_space<vmem>> -> memref<1x128xi32, #tpu.memory_space<vmem>>
      %dma_start3A_350 = tpu.memref_squeeze %dma_start3A_349 : memref<1x128xi32, #tpu.memory_space<vmem>> -> memref<128xi32, #tpu.memory_space<vmem>>
      %dma_start3A_351 = arith.constant 0 : i32
      %dma_start3A_352 = arith.constant 0 : i32
      %dma_start3A_353 = tpu.memref_slice %arg12[%dma_start3A_351, %dma_start3A_352] : memref<1024x8xf32, #tpu.memory_space<hbm>> -> memref<1024x8xf32, #tpu.memory_space<hbm>>
      tpu.enqueue_indirect_dma source(%dma_start3A_353 : memref<1024x8xf32, #tpu.memory_space<hbm>>) target(%dma_start3A_347 : memref<128x8xf32, #tpu.memory_space<vmem>>) offsets(%dma_start3A_350 : memref<128xi32, #tpu.memory_space<vmem>>) semaphore(%arg43 : memref<!tpu.dma_semaphore, #tpu.memory_space<semaphore_mem>>)
      %dma_start3A_354 = arith.constant 1 : i32
      %dma_start3A_355 = arith.constant 0 : i32
      %dma_start3A_356 = arith.constant 0 : i32
      %dma_start3A_357 = tpu.memref_slice %arg37[%dma_start3A_354, %dma_start3A_355, %dma_start3A_356] : memref<2x128x8xf32, #tpu.memory_space<vmem>> -> memref<1x128x8xf32, #tpu.memory_space<vmem>>
      %dma_start3A_358 = tpu.memref_squeeze %dma_start3A_357 : memref<1x128x8xf32, #tpu.memory_space<vmem>> -> memref<128x8xf32, #tpu.memory_space<vmem>>
      %dma_start3A_359 = arith.constant 0 : i32
      %dma_start3A_360 = tpu.memref_slice %arg29[%add3A_320, %dma_start3A_359] : memref<50x128xi32, #tpu.memory_space<vmem>> -> memref<1x128xi32, #tpu.memory_space<vmem>>
      %dma_start3A_361 = tpu.memref_squeeze %dma_start3A_360 : memref<1x128xi32, #tpu.memory_space<vmem>> -> memref<128xi32, #tpu.memory_space<vmem>>
      %dma_start3A_362 = arith.constant 0 : i32
      %dma_start3A_363 = arith.constant 0 : i32
      %dma_start3A_364 = tpu.memref_slice %arg13[%dma_start3A_362, %dma_start3A_363] : memref<1024x8xf32, #tpu.memory_space<hbm>> -> memref<1024x8xf32, #tpu.memory_space<hbm>>
      tpu.enqueue_indirect_dma source(%dma_start3A_364 : memref<1024x8xf32, #tpu.memory_space<hbm>>) target(%dma_start3A_358 : memref<128x8xf32, #tpu.memory_space<vmem>>) offsets(%dma_start3A_361 : memref<128xi32, #tpu.memory_space<vmem>>) semaphore(%arg43 : memref<!tpu.dma_semaphore, #tpu.memory_space<semaphore_mem>>)
      %dma_start3A_365 = arith.constant 1 : i32
      %dma_start3A_366 = arith.constant 0 : i32
      %dma_start3A_367 = arith.constant 0 : i32
      %dma_start3A_368 = tpu.memref_slice %arg38[%dma_start3A_365, %dma_start3A_366, %dma_start3A_367] : memref<2x128x8xf32, #tpu.memory_space<vmem>> -> memref<1x128x8xf32, #tpu.memory_space<vmem>>
      %dma_start3A_369 = tpu.memref_squeeze %dma_start3A_368 : memref<1x128x8xf32, #tpu.memory_space<vmem>> -> memref<128x8xf32, #tpu.memory_space<vmem>>
      %dma_start3A_370 = arith.constant 0 : i32
      %dma_start3A_371 = tpu.memref_slice %arg30[%add3A_320, %dma_start3A_370] : memref<50x128xi32, #tpu.memory_space<vmem>> -> memref<1x128xi32, #tpu.memory_space<vmem>>
      %dma_start3A_372 = tpu.memref_squeeze %dma_start3A_371 : memref<1x128xi32, #tpu.memory_space<vmem>> -> memref<128xi32, #tpu.memory_space<vmem>>
      %dma_start3A_373 = arith.constant 0 : i32
      %dma_start3A_374 = arith.constant 0 : i32
      %dma_start3A_375 = tpu.memref_slice %arg14[%dma_start3A_373, %dma_start3A_374] : memref<1024x8xf32, #tpu.memory_space<hbm>> -> memref<1024x8xf32, #tpu.memory_space<hbm>>
      tpu.enqueue_indirect_dma source(%dma_start3A_375 : memref<1024x8xf32, #tpu.memory_space<hbm>>) target(%dma_start3A_369 : memref<128x8xf32, #tpu.memory_space<vmem>>) offsets(%dma_start3A_372 : memref<128xi32, #tpu.memory_space<vmem>>) semaphore(%arg43 : memref<!tpu.dma_semaphore, #tpu.memory_space<semaphore_mem>>)
      %dma_start3A_376 = arith.constant 1 : i32
      %dma_start3A_377 = arith.constant 0 : i32
      %dma_start3A_378 = arith.constant 0 : i32
      %dma_start3A_379 = tpu.memref_slice %arg39[%dma_start3A_376, %dma_start3A_377, %dma_start3A_378] : memref<2x128x8xf32, #tpu.memory_space<vmem>> -> memref<1x128x8xf32, #tpu.memory_space<vmem>>
      %dma_start3A_380 = tpu.memref_squeeze %dma_start3A_379 : memref<1x128x8xf32, #tpu.memory_space<vmem>> -> memref<128x8xf32, #tpu.memory_space<vmem>>
      %dma_start3A_381 = arith.constant 0 : i32
      %dma_start3A_382 = tpu.memref_slice %arg31[%add3A_320, %dma_start3A_381] : memref<50x128xi32, #tpu.memory_space<vmem>> -> memref<1x128xi32, #tpu.memory_space<vmem>>
      %dma_start3A_383 = tpu.memref_squeeze %dma_start3A_382 : memref<1x128xi32, #tpu.memory_space<vmem>> -> memref<128xi32, #tpu.memory_space<vmem>>
      %dma_start3A_384 = arith.constant 0 : i32
      %dma_start3A_385 = arith.constant 0 : i32
      %dma_start3A_386 = tpu.memref_slice %arg15[%dma_start3A_384, %dma_start3A_385] : memref<1024x8xf32, #tpu.memory_space<hbm>> -> memref<1024x8xf32, #tpu.memory_space<hbm>>
      tpu.enqueue_indirect_dma source(%dma_start3A_386 : memref<1024x8xf32, #tpu.memory_space<hbm>>) target(%dma_start3A_380 : memref<128x8xf32, #tpu.memory_space<vmem>>) offsets(%dma_start3A_383 : memref<128xi32, #tpu.memory_space<vmem>>) semaphore(%arg43 : memref<!tpu.dma_semaphore, #tpu.memory_space<semaphore_mem>>)
      %dma_start3A_387 = arith.constant 1 : i32
      %dma_start3A_388 = arith.constant 0 : i32
      %dma_start3A_389 = arith.constant 0 : i32
      %dma_start3A_390 = tpu.memref_slice %arg40[%dma_start3A_387, %dma_start3A_388, %dma_start3A_389] : memref<2x128x8xf32, #tpu.memory_space<vmem>> -> memref<1x128x8xf32, #tpu.memory_space<vmem>>
      %dma_start3A_391 = tpu.memref_squeeze %dma_start3A_390 : memref<1x128x8xf32, #tpu.memory_space<vmem>> -> memref<128x8xf32, #tpu.memory_space<vmem>>
      %dma_start3A_392 = arith.constant 0 : i32
      %dma_start3A_393 = tpu.memref_slice %arg32[%add3A_320, %dma_start3A_392] : memref<50x128xi32, #tpu.memory_space<vmem>> -> memref<1x128xi32, #tpu.memory_space<vmem>>
      %dma_start3A_394 = tpu.memref_squeeze %dma_start3A_393 : memref<1x128xi32, #tpu.memory_space<vmem>> -> memref<128xi32, #tpu.memory_space<vmem>>
      %dma_start3A_395 = arith.constant 0 : i32
      %dma_start3A_396 = arith.constant 0 : i32
      %dma_start3A_397 = tpu.memref_slice %arg16[%dma_start3A_395, %dma_start3A_396] : memref<1024x8xf32, #tpu.memory_space<hbm>> -> memref<1024x8xf32, #tpu.memory_space<hbm>>
      tpu.enqueue_indirect_dma source(%dma_start3A_397 : memref<1024x8xf32, #tpu.memory_space<hbm>>) target(%dma_start3A_391 : memref<128x8xf32, #tpu.memory_space<vmem>>) offsets(%dma_start3A_394 : memref<128xi32, #tpu.memory_space<vmem>>) semaphore(%arg43 : memref<!tpu.dma_semaphore, #tpu.memory_space<semaphore_mem>>)
      %dma_start3A_398 = arith.constant 1 : i32
      %dma_start3A_399 = arith.constant 0 : i32
      %dma_start3A_400 = arith.constant 0 : i32
      %dma_start3A_401 = tpu.memref_slice %arg41[%dma_start3A_398, %dma_start3A_399, %dma_start3A_400] : memref<2x128x8xf32, #tpu.memory_space<vmem>> -> memref<1x128x8xf32, #tpu.memory_space<vmem>>
      %dma_start3A_402 = tpu.memref_squeeze %dma_start3A_401 : memref<1x128x8xf32, #tpu.memory_space<vmem>> -> memref<128x8xf32, #tpu.memory_space<vmem>>
      %dma_start3A_403 = arith.constant 0 : i32
      %dma_start3A_404 = tpu.memref_slice %arg33[%add3A_320, %dma_start3A_403] : memref<50x128xi32, #tpu.memory_space<vmem>> -> memref<1x128xi32, #tpu.memory_space<vmem>>
      %dma_start3A_405 = tpu.memref_squeeze %dma_start3A_404 : memref<1x128xi32, #tpu.memory_space<vmem>> -> memref<128xi32, #tpu.memory_space<vmem>>
      %dma_start3A_406 = arith.constant 0 : i32
      %dma_start3A_407 = arith.constant 0 : i32
      %dma_start3A_408 = tpu.memref_slice %arg17[%dma_start3A_406, %dma_start3A_407] : memref<1024x8xf32, #tpu.memory_space<hbm>> -> memref<1024x8xf32, #tpu.memory_space<hbm>>
      tpu.enqueue_indirect_dma source(%dma_start3A_408 : memref<1024x8xf32, #tpu.memory_space<hbm>>) target(%dma_start3A_402 : memref<128x8xf32, #tpu.memory_space<vmem>>) offsets(%dma_start3A_405 : memref<128xi32, #tpu.memory_space<vmem>>) semaphore(%arg43 : memref<!tpu.dma_semaphore, #tpu.memory_space<semaphore_mem>>)
      %dma_wait3A_409 = arith.constant 0 : i32
      %dma_wait3A_410 = arith.constant 0 : i32
      %dma_wait3A_411 = arith.constant 0 : i32
      %dma_wait3A_412 = tpu.memref_slice %arg34[%dma_wait3A_409, %dma_wait3A_410, %dma_wait3A_411] : memref<2x128x8xf32, #tpu.memory_space<vmem>> -> memref<1x128x8xf32, #tpu.memory_space<vmem>>
      %dma_wait3A_413 = tpu.memref_squeeze %dma_wait3A_412 : memref<1x128x8xf32, #tpu.memory_space<vmem>> -> memref<128x8xf32, #tpu.memory_space<vmem>>
      %dma_wait3A_414 = arith.constant 0 : i32
      %dma_wait3A_415 = tpu.memref_slice %arg26[%mul3A_316, %dma_wait3A_414] : memref<50x128xi32, #tpu.memory_space<vmem>> -> memref<1x128xi32, #tpu.memory_space<vmem>>
      %dma_wait3A_416 = tpu.memref_squeeze %dma_wait3A_415 : memref<1x128xi32, #tpu.memory_space<vmem>> -> memref<128xi32, #tpu.memory_space<vmem>>
      %dma_wait3A_417 = arith.constant 0 : i32
      %dma_wait3A_418 = arith.constant 0 : i32
      %dma_wait3A_419 = tpu.memref_slice %arg10[%dma_wait3A_417, %dma_wait3A_418] : memref<100000x8xf32, #tpu.memory_space<hbm>> -> memref<100000x8xf32, #tpu.memory_space<hbm>>
      tpu.wait_indirect_dma semaphore(%arg42 : memref<!tpu.dma_semaphore, #tpu.memory_space<semaphore_mem>>) src(%dma_wait3A_419 : memref<100000x8xf32, #tpu.memory_space<hbm>>) dst(%dma_wait3A_413 : memref<128x8xf32, #tpu.memory_space<vmem>>)
      %dma_wait3A_420 = arith.constant 0 : i32
      %dma_wait3A_421 = arith.constant 0 : i32
      %dma_wait3A_422 = arith.constant 0 : i32
      %dma_wait3A_423 = tpu.memref_slice %arg35[%dma_wait3A_420, %dma_wait3A_421, %dma_wait3A_422] : memref<2x128x8xf32, #tpu.memory_space<vmem>> -> memref<1x128x8xf32, #tpu.memory_space<vmem>>
      %dma_wait3A_424 = tpu.memref_squeeze %dma_wait3A_423 : memref<1x128x8xf32, #tpu.memory_space<vmem>> -> memref<128x8xf32, #tpu.memory_space<vmem>>
      %dma_wait3A_425 = arith.constant 0 : i32
      %dma_wait3A_426 = tpu.memref_slice %arg27[%mul3A_316, %dma_wait3A_425] : memref<50x128xi32, #tpu.memory_space<vmem>> -> memref<1x128xi32, #tpu.memory_space<vmem>>
      %dma_wait3A_427 = tpu.memref_squeeze %dma_wait3A_426 : memref<1x128xi32, #tpu.memory_space<vmem>> -> memref<128xi32, #tpu.memory_space<vmem>>
      %dma_wait3A_428 = arith.constant 0 : i32
      %dma_wait3A_429 = arith.constant 0 : i32
      %dma_wait3A_430 = tpu.memref_slice %arg11[%dma_wait3A_428, %dma_wait3A_429] : memref<1024x8xf32, #tpu.memory_space<hbm>> -> memref<1024x8xf32, #tpu.memory_space<hbm>>
      tpu.wait_indirect_dma semaphore(%arg42 : memref<!tpu.dma_semaphore, #tpu.memory_space<semaphore_mem>>) src(%dma_wait3A_430 : memref<1024x8xf32, #tpu.memory_space<hbm>>) dst(%dma_wait3A_424 : memref<128x8xf32, #tpu.memory_space<vmem>>)
      %dma_wait3A_431 = arith.constant 0 : i32
      %dma_wait3A_432 = arith.constant 0 : i32
      %dma_wait3A_433 = arith.constant 0 : i32
      %dma_wait3A_434 = tpu.memref_slice %arg36[%dma_wait3A_431, %dma_wait3A_432, %dma_wait3A_433] : memref<2x128x8xf32, #tpu.memory_space<vmem>> -> memref<1x128x8xf32, #tpu.memory_space<vmem>>
      %dma_wait3A_435 = tpu.memref_squeeze %dma_wait3A_434 : memref<1x128x8xf32, #tpu.memory_space<vmem>> -> memref<128x8xf32, #tpu.memory_space<vmem>>
      %dma_wait3A_436 = arith.constant 0 : i32
      %dma_wait3A_437 = tpu.memref_slice %arg28[%mul3A_316, %dma_wait3A_436] : memref<50x128xi32, #tpu.memory_space<vmem>> -> memref<1x128xi32, #tpu.memory_space<vmem>>
      %dma_wait3A_438 = tpu.memref_squeeze %dma_wait3A_437 : memref<1x128xi32, #tpu.memory_space<vmem>> -> memref<128xi32, #tpu.memory_space<vmem>>
      %dma_wait3A_439 = arith.constant 0 : i32
      %dma_wait3A_440 = arith.constant 0 : i32
      %dma_wait3A_441 = tpu.memref_slice %arg12[%dma_wait3A_439, %dma_wait3A_440] : memref<1024x8xf32, #tpu.memory_space<hbm>> -> memref<1024x8xf32, #tpu.memory_space<hbm>>
      tpu.wait_indirect_dma semaphore(%arg42 : memref<!tpu.dma_semaphore, #tpu.memory_space<semaphore_mem>>) src(%dma_wait3A_441 : memref<1024x8xf32, #tpu.memory_space<hbm>>) dst(%dma_wait3A_435 : memref<128x8xf32, #tpu.memory_space<vmem>>)
      %dma_wait3A_442 = arith.constant 0 : i32
      %dma_wait3A_443 = arith.constant 0 : i32
      %dma_wait3A_444 = arith.constant 0 : i32
      %dma_wait3A_445 = tpu.memref_slice %arg37[%dma_wait3A_442, %dma_wait3A_443, %dma_wait3A_444] : memref<2x128x8xf32, #tpu.memory_space<vmem>> -> memref<1x128x8xf32, #tpu.memory_space<vmem>>
      %dma_wait3A_446 = tpu.memref_squeeze %dma_wait3A_445 : memref<1x128x8xf32, #tpu.memory_space<vmem>> -> memref<128x8xf32, #tpu.memory_space<vmem>>
      %dma_wait3A_447 = arith.constant 0 : i32
      %dma_wait3A_448 = tpu.memref_slice %arg29[%mul3A_316, %dma_wait3A_447] : memref<50x128xi32, #tpu.memory_space<vmem>> -> memref<1x128xi32, #tpu.memory_space<vmem>>
      %dma_wait3A_449 = tpu.memref_squeeze %dma_wait3A_448 : memref<1x128xi32, #tpu.memory_space<vmem>> -> memref<128xi32, #tpu.memory_space<vmem>>
      %dma_wait3A_450 = arith.constant 0 : i32
      %dma_wait3A_451 = arith.constant 0 : i32
      %dma_wait3A_452 = tpu.memref_slice %arg13[%dma_wait3A_450, %dma_wait3A_451] : memref<1024x8xf32, #tpu.memory_space<hbm>> -> memref<1024x8xf32, #tpu.memory_space<hbm>>
      tpu.wait_indirect_dma semaphore(%arg42 : memref<!tpu.dma_semaphore, #tpu.memory_space<semaphore_mem>>) src(%dma_wait3A_452 : memref<1024x8xf32, #tpu.memory_space<hbm>>) dst(%dma_wait3A_446 : memref<128x8xf32, #tpu.memory_space<vmem>>)
      %dma_wait3A_453 = arith.constant 0 : i32
      %dma_wait3A_454 = arith.constant 0 : i32
      %dma_wait3A_455 = arith.constant 0 : i32
      %dma_wait3A_456 = tpu.memref_slice %arg38[%dma_wait3A_453, %dma_wait3A_454, %dma_wait3A_455] : memref<2x128x8xf32, #tpu.memory_space<vmem>> -> memref<1x128x8xf32, #tpu.memory_space<vmem>>
      %dma_wait3A_457 = tpu.memref_squeeze %dma_wait3A_456 : memref<1x128x8xf32, #tpu.memory_space<vmem>> -> memref<128x8xf32, #tpu.memory_space<vmem>>
      %dma_wait3A_458 = arith.constant 0 : i32
      %dma_wait3A_459 = tpu.memref_slice %arg30[%mul3A_316, %dma_wait3A_458] : memref<50x128xi32, #tpu.memory_space<vmem>> -> memref<1x128xi32, #tpu.memory_space<vmem>>
      %dma_wait3A_460 = tpu.memref_squeeze %dma_wait3A_459 : memref<1x128xi32, #tpu.memory_space<vmem>> -> memref<128xi32, #tpu.memory_space<vmem>>
      %dma_wait3A_461 = arith.constant 0 : i32
      %dma_wait3A_462 = arith.constant 0 : i32
      %dma_wait3A_463 = tpu.memref_slice %arg14[%dma_wait3A_461, %dma_wait3A_462] : memref<1024x8xf32, #tpu.memory_space<hbm>> -> memref<1024x8xf32, #tpu.memory_space<hbm>>
      tpu.wait_indirect_dma semaphore(%arg42 : memref<!tpu.dma_semaphore, #tpu.memory_space<semaphore_mem>>) src(%dma_wait3A_463 : memref<1024x8xf32, #tpu.memory_space<hbm>>) dst(%dma_wait3A_457 : memref<128x8xf32, #tpu.memory_space<vmem>>)
      %dma_wait3A_464 = arith.constant 0 : i32
      %dma_wait3A_465 = arith.constant 0 : i32
      %dma_wait3A_466 = arith.constant 0 : i32
      %dma_wait3A_467 = tpu.memref_slice %arg39[%dma_wait3A_464, %dma_wait3A_465, %dma_wait3A_466] : memref<2x128x8xf32, #tpu.memory_space<vmem>> -> memref<1x128x8xf32, #tpu.memory_space<vmem>>
      %dma_wait3A_468 = tpu.memref_squeeze %dma_wait3A_467 : memref<1x128x8xf32, #tpu.memory_space<vmem>> -> memref<128x8xf32, #tpu.memory_space<vmem>>
      %dma_wait3A_469 = arith.constant 0 : i32
      %dma_wait3A_470 = tpu.memref_slice %arg31[%mul3A_316, %dma_wait3A_469] : memref<50x128xi32, #tpu.memory_space<vmem>> -> memref<1x128xi32, #tpu.memory_space<vmem>>
      %dma_wait3A_471 = tpu.memref_squeeze %dma_wait3A_470 : memref<1x128xi32, #tpu.memory_space<vmem>> -> memref<128xi32, #tpu.memory_space<vmem>>
      %dma_wait3A_472 = arith.constant 0 : i32
      %dma_wait3A_473 = arith.constant 0 : i32
      %dma_wait3A_474 = tpu.memref_slice %arg15[%dma_wait3A_472, %dma_wait3A_473] : memref<1024x8xf32, #tpu.memory_space<hbm>> -> memref<1024x8xf32, #tpu.memory_space<hbm>>
      tpu.wait_indirect_dma semaphore(%arg42 : memref<!tpu.dma_semaphore, #tpu.memory_space<semaphore_mem>>) src(%dma_wait3A_474 : memref<1024x8xf32, #tpu.memory_space<hbm>>) dst(%dma_wait3A_468 : memref<128x8xf32, #tpu.memory_space<vmem>>)
      %dma_wait3A_475 = arith.constant 0 : i32
      %dma_wait3A_476 = arith.constant 0 : i32
      %dma_wait3A_477 = arith.constant 0 : i32
      %dma_wait3A_478 = tpu.memref_slice %arg40[%dma_wait3A_475, %dma_wait3A_476, %dma_wait3A_477] : memref<2x128x8xf32, #tpu.memory_space<vmem>> -> memref<1x128x8xf32, #tpu.memory_space<vmem>>
      %dma_wait3A_479 = tpu.memref_squeeze %dma_wait3A_478 : memref<1x128x8xf32, #tpu.memory_space<vmem>> -> memref<128x8xf32, #tpu.memory_space<vmem>>
      %dma_wait3A_480 = arith.constant 0 : i32
      %dma_wait3A_481 = tpu.memref_slice %arg32[%mul3A_316, %dma_wait3A_480] : memref<50x128xi32, #tpu.memory_space<vmem>> -> memref<1x128xi32, #tpu.memory_space<vmem>>
      %dma_wait3A_482 = tpu.memref_squeeze %dma_wait3A_481 : memref<1x128xi32, #tpu.memory_space<vmem>> -> memref<128xi32, #tpu.memory_space<vmem>>
      %dma_wait3A_483 = arith.constant 0 : i32
      %dma_wait3A_484 = arith.constant 0 : i32
      %dma_wait3A_485 = tpu.memref_slice %arg16[%dma_wait3A_483, %dma_wait3A_484] : memref<1024x8xf32, #tpu.memory_space<hbm>> -> memref<1024x8xf32, #tpu.memory_space<hbm>>
      tpu.wait_indirect_dma semaphore(%arg42 : memref<!tpu.dma_semaphore, #tpu.memory_space<semaphore_mem>>) src(%dma_wait3A_485 : memref<1024x8xf32, #tpu.memory_space<hbm>>) dst(%dma_wait3A_479 : memref<128x8xf32, #tpu.memory_space<vmem>>)
      %dma_wait3A_486 = arith.constant 0 : i32
      %dma_wait3A_487 = arith.constant 0 : i32
      %dma_wait3A_488 = arith.constant 0 : i32
      %dma_wait3A_489 = tpu.memref_slice %arg41[%dma_wait3A_486, %dma_wait3A_487, %dma_wait3A_488] : memref<2x128x8xf32, #tpu.memory_space<vmem>> -> memref<1x128x8xf32, #tpu.memory_space<vmem>>
      %dma_wait3A_490 = tpu.memref_squeeze %dma_wait3A_489 : memref<1x128x8xf32, #tpu.memory_space<vmem>> -> memref<128x8xf32, #tpu.memory_space<vmem>>
      %dma_wait3A_491 = arith.constant 0 : i32
      %dma_wait3A_492 = tpu.memref_slice %arg33[%mul3A_316, %dma_wait3A_491] : memref<50x128xi32, #tpu.memory_space<vmem>> -> memref<1x128xi32, #tpu.memory_space<vmem>>
      %dma_wait3A_493 = tpu.memref_squeeze %dma_wait3A_492 : memref<1x128xi32, #tpu.memory_space<vmem>> -> memref<128xi32, #tpu.memory_space<vmem>>
      %dma_wait3A_494 = arith.constant 0 : i32
      %dma_wait3A_495 = arith.constant 0 : i32
      %dma_wait3A_496 = tpu.memref_slice %arg17[%dma_wait3A_494, %dma_wait3A_495] : memref<1024x8xf32, #tpu.memory_space<hbm>> -> memref<1024x8xf32, #tpu.memory_space<hbm>>
      tpu.wait_indirect_dma semaphore(%arg42 : memref<!tpu.dma_semaphore, #tpu.memory_space<semaphore_mem>>) src(%dma_wait3A_496 : memref<1024x8xf32, #tpu.memory_space<hbm>>) dst(%dma_wait3A_490 : memref<128x8xf32, #tpu.memory_space<vmem>>)
      %mul3A_497 = arith.constant 128 : i32
      %mul3A_498 = arith.muli %mul3A_316, %mul3A_497 : i32
      %add3A_499 = arith.addi %mul3A_2, %mul3A_498 : i32
      %dma_start3A_500 = arith.constant 0 : i32
      %dma_start3A_501 = arith.constant 0 : i32
      %dma_start3A_502 = arith.constant 0 : i32
      %dma_start3A_503 = tpu.memref_slice %arg34[%dma_start3A_500, %dma_start3A_501, %dma_start3A_502] : memref<2x128x8xf32, #tpu.memory_space<vmem>> -> memref<1x128x8xf32, #tpu.memory_space<vmem>>
      %dma_start3A_504 = tpu.memref_squeeze %dma_start3A_503 : memref<1x128x8xf32, #tpu.memory_space<vmem>> -> memref<128x8xf32, #tpu.memory_space<vmem>>
      %dma_start3A_505 = arith.constant 0 : i32
      %dma_start3A_506 = tpu.memref_slice %arg18[%add3A_499, %dma_start3A_505] : memref<204800x8xf32, #tpu.memory_space<hbm>> -> memref<128x8xf32, #tpu.memory_space<hbm>>
      %dma_start3A_507 = arith.constant 0 : i32
      %dma_start3A_508 = tpu.memref_slice %arg18[%add3A_499, %dma_start3A_507] : memref<204800x8xf32, #tpu.memory_space<hbm>> -> memref<128x8xf32, #tpu.memory_space<hbm>>
      %dma_start3A_509 = arith.constant 0 : i32
      %dma_start3A_510 = arith.constant 0 : i32
      %dma_start3A_511 = tpu.memref_slice %arg34[%dma_start3A_500, %dma_start3A_509, %dma_start3A_510] : memref<2x128x8xf32, #tpu.memory_space<vmem>> -> memref<1x128x8xf32, #tpu.memory_space<vmem>>
      %dma_start3A_512 = tpu.memref_squeeze %dma_start3A_511 : memref<1x128x8xf32, #tpu.memory_space<vmem>> -> memref<128x8xf32, #tpu.memory_space<vmem>>
      tpu.enqueue_dma source(%dma_start3A_512 : memref<128x8xf32, #tpu.memory_space<vmem>>) target(%dma_start3A_508 : memref<128x8xf32, #tpu.memory_space<hbm>>) target_semaphore(%arg44 : memref<!tpu.dma_semaphore, #tpu.memory_space<semaphore_mem>>)
      %dma_start3A_513 = arith.constant 0 : i32
      %dma_start3A_514 = arith.constant 0 : i32
      %dma_start3A_515 = arith.constant 0 : i32
      %dma_start3A_516 = tpu.memref_slice %arg35[%dma_start3A_513, %dma_start3A_514, %dma_start3A_515] : memref<2x128x8xf32, #tpu.memory_space<vmem>> -> memref<1x128x8xf32, #tpu.memory_space<vmem>>
      %dma_start3A_517 = tpu.memref_squeeze %dma_start3A_516 : memref<1x128x8xf32, #tpu.memory_space<vmem>> -> memref<128x8xf32, #tpu.memory_space<vmem>>
      %dma_start3A_518 = arith.constant 0 : i32
      %dma_start3A_519 = tpu.memref_slice %arg19[%add3A_499, %dma_start3A_518] : memref<204800x8xf32, #tpu.memory_space<hbm>> -> memref<128x8xf32, #tpu.memory_space<hbm>>
      %dma_start3A_520 = arith.constant 0 : i32
      %dma_start3A_521 = tpu.memref_slice %arg19[%add3A_499, %dma_start3A_520] : memref<204800x8xf32, #tpu.memory_space<hbm>> -> memref<128x8xf32, #tpu.memory_space<hbm>>
      %dma_start3A_522 = arith.constant 0 : i32
      %dma_start3A_523 = arith.constant 0 : i32
      %dma_start3A_524 = tpu.memref_slice %arg35[%dma_start3A_513, %dma_start3A_522, %dma_start3A_523] : memref<2x128x8xf32, #tpu.memory_space<vmem>> -> memref<1x128x8xf32, #tpu.memory_space<vmem>>
      %dma_start3A_525 = tpu.memref_squeeze %dma_start3A_524 : memref<1x128x8xf32, #tpu.memory_space<vmem>> -> memref<128x8xf32, #tpu.memory_space<vmem>>
      tpu.enqueue_dma source(%dma_start3A_525 : memref<128x8xf32, #tpu.memory_space<vmem>>) target(%dma_start3A_521 : memref<128x8xf32, #tpu.memory_space<hbm>>) target_semaphore(%arg44 : memref<!tpu.dma_semaphore, #tpu.memory_space<semaphore_mem>>)
      %dma_start3A_526 = arith.constant 0 : i32
      %dma_start3A_527 = arith.constant 0 : i32
      %dma_start3A_528 = arith.constant 0 : i32
      %dma_start3A_529 = tpu.memref_slice %arg36[%dma_start3A_526, %dma_start3A_527, %dma_start3A_528] : memref<2x128x8xf32, #tpu.memory_space<vmem>> -> memref<1x128x8xf32, #tpu.memory_space<vmem>>
      %dma_start3A_530 = tpu.memref_squeeze %dma_start3A_529 : memref<1x128x8xf32, #tpu.memory_space<vmem>> -> memref<128x8xf32, #tpu.memory_space<vmem>>
      %dma_start3A_531 = arith.constant 0 : i32
      %dma_start3A_532 = tpu.memref_slice %arg20[%add3A_499, %dma_start3A_531] : memref<204800x8xf32, #tpu.memory_space<hbm>> -> memref<128x8xf32, #tpu.memory_space<hbm>>
      %dma_start3A_533 = arith.constant 0 : i32
      %dma_start3A_534 = tpu.memref_slice %arg20[%add3A_499, %dma_start3A_533] : memref<204800x8xf32, #tpu.memory_space<hbm>> -> memref<128x8xf32, #tpu.memory_space<hbm>>
      %dma_start3A_535 = arith.constant 0 : i32
      %dma_start3A_536 = arith.constant 0 : i32
      %dma_start3A_537 = tpu.memref_slice %arg36[%dma_start3A_526, %dma_start3A_535, %dma_start3A_536] : memref<2x128x8xf32, #tpu.memory_space<vmem>> -> memref<1x128x8xf32, #tpu.memory_space<vmem>>
      %dma_start3A_538 = tpu.memref_squeeze %dma_start3A_537 : memref<1x128x8xf32, #tpu.memory_space<vmem>> -> memref<128x8xf32, #tpu.memory_space<vmem>>
      tpu.enqueue_dma source(%dma_start3A_538 : memref<128x8xf32, #tpu.memory_space<vmem>>) target(%dma_start3A_534 : memref<128x8xf32, #tpu.memory_space<hbm>>) target_semaphore(%arg44 : memref<!tpu.dma_semaphore, #tpu.memory_space<semaphore_mem>>)
      %dma_start3A_539 = arith.constant 0 : i32
      %dma_start3A_540 = arith.constant 0 : i32
      %dma_start3A_541 = arith.constant 0 : i32
      %dma_start3A_542 = tpu.memref_slice %arg37[%dma_start3A_539, %dma_start3A_540, %dma_start3A_541] : memref<2x128x8xf32, #tpu.memory_space<vmem>> -> memref<1x128x8xf32, #tpu.memory_space<vmem>>
      %dma_start3A_543 = tpu.memref_squeeze %dma_start3A_542 : memref<1x128x8xf32, #tpu.memory_space<vmem>> -> memref<128x8xf32, #tpu.memory_space<vmem>>
      %dma_start3A_544 = arith.constant 0 : i32
      %dma_start3A_545 = tpu.memref_slice %arg21[%add3A_499, %dma_start3A_544] : memref<204800x8xf32, #tpu.memory_space<hbm>> -> memref<128x8xf32, #tpu.memory_space<hbm>>
      %dma_start3A_546 = arith.constant 0 : i32
      %dma_start3A_547 = tpu.memref_slice %arg21[%add3A_499, %dma_start3A_546] : memref<204800x8xf32, #tpu.memory_space<hbm>> -> memref<128x8xf32, #tpu.memory_space<hbm>>
      %dma_start3A_548 = arith.constant 0 : i32
      %dma_start3A_549 = arith.constant 0 : i32
      %dma_start3A_550 = tpu.memref_slice %arg37[%dma_start3A_539, %dma_start3A_548, %dma_start3A_549] : memref<2x128x8xf32, #tpu.memory_space<vmem>> -> memref<1x128x8xf32, #tpu.memory_space<vmem>>
      %dma_start3A_551 = tpu.memref_squeeze %dma_start3A_550 : memref<1x128x8xf32, #tpu.memory_space<vmem>> -> memref<128x8xf32, #tpu.memory_space<vmem>>
      tpu.enqueue_dma source(%dma_start3A_551 : memref<128x8xf32, #tpu.memory_space<vmem>>) target(%dma_start3A_547 : memref<128x8xf32, #tpu.memory_space<hbm>>) target_semaphore(%arg44 : memref<!tpu.dma_semaphore, #tpu.memory_space<semaphore_mem>>)
      %dma_start3A_552 = arith.constant 0 : i32
      %dma_start3A_553 = arith.constant 0 : i32
      %dma_start3A_554 = arith.constant 0 : i32
      %dma_start3A_555 = tpu.memref_slice %arg38[%dma_start3A_552, %dma_start3A_553, %dma_start3A_554] : memref<2x128x8xf32, #tpu.memory_space<vmem>> -> memref<1x128x8xf32, #tpu.memory_space<vmem>>
      %dma_start3A_556 = tpu.memref_squeeze %dma_start3A_555 : memref<1x128x8xf32, #tpu.memory_space<vmem>> -> memref<128x8xf32, #tpu.memory_space<vmem>>
      %dma_start3A_557 = arith.constant 0 : i32
      %dma_start3A_558 = tpu.memref_slice %arg22[%add3A_499, %dma_start3A_557] : memref<204800x8xf32, #tpu.memory_space<hbm>> -> memref<128x8xf32, #tpu.memory_space<hbm>>
      %dma_start3A_559 = arith.constant 0 : i32
      %dma_start3A_560 = tpu.memref_slice %arg22[%add3A_499, %dma_start3A_559] : memref<204800x8xf32, #tpu.memory_space<hbm>> -> memref<128x8xf32, #tpu.memory_space<hbm>>
      %dma_start3A_561 = arith.constant 0 : i32
      %dma_start3A_562 = arith.constant 0 : i32
      %dma_start3A_563 = tpu.memref_slice %arg38[%dma_start3A_552, %dma_start3A_561, %dma_start3A_562] : memref<2x128x8xf32, #tpu.memory_space<vmem>> -> memref<1x128x8xf32, #tpu.memory_space<vmem>>
      %dma_start3A_564 = tpu.memref_squeeze %dma_start3A_563 : memref<1x128x8xf32, #tpu.memory_space<vmem>> -> memref<128x8xf32, #tpu.memory_space<vmem>>
      tpu.enqueue_dma source(%dma_start3A_564 : memref<128x8xf32, #tpu.memory_space<vmem>>) target(%dma_start3A_560 : memref<128x8xf32, #tpu.memory_space<hbm>>) target_semaphore(%arg44 : memref<!tpu.dma_semaphore, #tpu.memory_space<semaphore_mem>>)
      %dma_start3A_565 = arith.constant 0 : i32
      %dma_start3A_566 = arith.constant 0 : i32
      %dma_start3A_567 = arith.constant 0 : i32
      %dma_start3A_568 = tpu.memref_slice %arg39[%dma_start3A_565, %dma_start3A_566, %dma_start3A_567] : memref<2x128x8xf32, #tpu.memory_space<vmem>> -> memref<1x128x8xf32, #tpu.memory_space<vmem>>
      %dma_start3A_569 = tpu.memref_squeeze %dma_start3A_568 : memref<1x128x8xf32, #tpu.memory_space<vmem>> -> memref<128x8xf32, #tpu.memory_space<vmem>>
      %dma_start3A_570 = arith.constant 0 : i32
      %dma_start3A_571 = tpu.memref_slice %arg23[%add3A_499, %dma_start3A_570] : memref<204800x8xf32, #tpu.memory_space<hbm>> -> memref<128x8xf32, #tpu.memory_space<hbm>>
      %dma_start3A_572 = arith.constant 0 : i32
      %dma_start3A_573 = tpu.memref_slice %arg23[%add3A_499, %dma_start3A_572] : memref<204800x8xf32, #tpu.memory_space<hbm>> -> memref<128x8xf32, #tpu.memory_space<hbm>>
      %dma_start3A_574 = arith.constant 0 : i32
      %dma_start3A_575 = arith.constant 0 : i32
      %dma_start3A_576 = tpu.memref_slice %arg39[%dma_start3A_565, %dma_start3A_574, %dma_start3A_575] : memref<2x128x8xf32, #tpu.memory_space<vmem>> -> memref<1x128x8xf32, #tpu.memory_space<vmem>>
      %dma_start3A_577 = tpu.memref_squeeze %dma_start3A_576 : memref<1x128x8xf32, #tpu.memory_space<vmem>> -> memref<128x8xf32, #tpu.memory_space<vmem>>
      tpu.enqueue_dma source(%dma_start3A_577 : memref<128x8xf32, #tpu.memory_space<vmem>>) target(%dma_start3A_573 : memref<128x8xf32, #tpu.memory_space<hbm>>) target_semaphore(%arg44 : memref<!tpu.dma_semaphore, #tpu.memory_space<semaphore_mem>>)
      %dma_start3A_578 = arith.constant 0 : i32
      %dma_start3A_579 = arith.constant 0 : i32
      %dma_start3A_580 = arith.constant 0 : i32
      %dma_start3A_581 = tpu.memref_slice %arg40[%dma_start3A_578, %dma_start3A_579, %dma_start3A_580] : memref<2x128x8xf32, #tpu.memory_space<vmem>> -> memref<1x128x8xf32, #tpu.memory_space<vmem>>
      %dma_start3A_582 = tpu.memref_squeeze %dma_start3A_581 : memref<1x128x8xf32, #tpu.memory_space<vmem>> -> memref<128x8xf32, #tpu.memory_space<vmem>>
      %dma_start3A_583 = arith.constant 0 : i32
      %dma_start3A_584 = tpu.memref_slice %arg24[%add3A_499, %dma_start3A_583] : memref<204800x8xf32, #tpu.memory_space<hbm>> -> memref<128x8xf32, #tpu.memory_space<hbm>>
      %dma_start3A_585 = arith.constant 0 : i32
      %dma_start3A_586 = tpu.memref_slice %arg24[%add3A_499, %dma_start3A_585] : memref<204800x8xf32, #tpu.memory_space<hbm>> -> memref<128x8xf32, #tpu.memory_space<hbm>>
      %dma_start3A_587 = arith.constant 0 : i32
      %dma_start3A_588 = arith.constant 0 : i32
      %dma_start3A_589 = tpu.memref_slice %arg40[%dma_start3A_578, %dma_start3A_587, %dma_start3A_588] : memref<2x128x8xf32, #tpu.memory_space<vmem>> -> memref<1x128x8xf32, #tpu.memory_space<vmem>>
      %dma_start3A_590 = tpu.memref_squeeze %dma_start3A_589 : memref<1x128x8xf32, #tpu.memory_space<vmem>> -> memref<128x8xf32, #tpu.memory_space<vmem>>
      tpu.enqueue_dma source(%dma_start3A_590 : memref<128x8xf32, #tpu.memory_space<vmem>>) target(%dma_start3A_586 : memref<128x8xf32, #tpu.memory_space<hbm>>) target_semaphore(%arg44 : memref<!tpu.dma_semaphore, #tpu.memory_space<semaphore_mem>>)
      %dma_start3A_591 = arith.constant 0 : i32
      %dma_start3A_592 = arith.constant 0 : i32
      %dma_start3A_593 = arith.constant 0 : i32
      %dma_start3A_594 = tpu.memref_slice %arg41[%dma_start3A_591, %dma_start3A_592, %dma_start3A_593] : memref<2x128x8xf32, #tpu.memory_space<vmem>> -> memref<1x128x8xf32, #tpu.memory_space<vmem>>
      %dma_start3A_595 = tpu.memref_squeeze %dma_start3A_594 : memref<1x128x8xf32, #tpu.memory_space<vmem>> -> memref<128x8xf32, #tpu.memory_space<vmem>>
      %dma_start3A_596 = arith.constant 0 : i32
      %dma_start3A_597 = tpu.memref_slice %arg25[%add3A_499, %dma_start3A_596] : memref<204800x8xf32, #tpu.memory_space<hbm>> -> memref<128x8xf32, #tpu.memory_space<hbm>>
      %dma_start3A_598 = arith.constant 0 : i32
      %dma_start3A_599 = tpu.memref_slice %arg25[%add3A_499, %dma_start3A_598] : memref<204800x8xf32, #tpu.memory_space<hbm>> -> memref<128x8xf32, #tpu.memory_space<hbm>>
      %dma_start3A_600 = arith.constant 0 : i32
      %dma_start3A_601 = arith.constant 0 : i32
      %dma_start3A_602 = tpu.memref_slice %arg41[%dma_start3A_591, %dma_start3A_600, %dma_start3A_601] : memref<2x128x8xf32, #tpu.memory_space<vmem>> -> memref<1x128x8xf32, #tpu.memory_space<vmem>>
      %dma_start3A_603 = tpu.memref_squeeze %dma_start3A_602 : memref<1x128x8xf32, #tpu.memory_space<vmem>> -> memref<128x8xf32, #tpu.memory_space<vmem>>
      tpu.enqueue_dma source(%dma_start3A_603 : memref<128x8xf32, #tpu.memory_space<vmem>>) target(%dma_start3A_599 : memref<128x8xf32, #tpu.memory_space<hbm>>) target_semaphore(%arg44 : memref<!tpu.dma_semaphore, #tpu.memory_space<semaphore_mem>>)
      %lt3A = arith.constant 24 : i32
      %lt3A_604 = arith.cmpi slt, %scan3A_314, %lt3A : i32
      %convert_element_type3A_605 = arith.extui %lt3A_604 : i1 to i32
      %cond3A_606 = arith.constant 0 : i32
      %cond3A_607 = arith.cmpi ne, %convert_element_type3A_605, %cond3A_606 : i32
      scf.if %cond3A_607 {
        %mul3A_805 = arith.constant 128 : i32
        %mul3A_806 = arith.muli %mul3A_316, %mul3A_805 : i32
        %add3A_807 = arith.addi %mul3A_2, %mul3A_806 : i32
        %dma_wait3A_808 = arith.constant 0 : i32
        %dma_wait3A_809 = arith.constant 0 : i32
        %dma_wait3A_810 = arith.constant 0 : i32
        %dma_wait3A_811 = tpu.memref_slice %arg34[%dma_wait3A_808, %dma_wait3A_809, %dma_wait3A_810] : memref<2x128x8xf32, #tpu.memory_space<vmem>> -> memref<1x128x8xf32, #tpu.memory_space<vmem>>
        %dma_wait3A_812 = tpu.memref_squeeze %dma_wait3A_811 : memref<1x128x8xf32, #tpu.memory_space<vmem>> -> memref<128x8xf32, #tpu.memory_space<vmem>>
        %dma_wait3A_813 = arith.constant 0 : i32
        %dma_wait3A_814 = tpu.memref_slice %arg18[%add3A_807, %dma_wait3A_813] : memref<204800x8xf32, #tpu.memory_space<hbm>> -> memref<128x8xf32, #tpu.memory_space<hbm>>
        %dma_wait3A_815 = arith.constant 0 : i32
        %dma_wait3A_816 = tpu.memref_slice %arg18[%add3A_807, %dma_wait3A_815] : memref<204800x8xf32, #tpu.memory_space<hbm>> -> memref<128x8xf32, #tpu.memory_space<hbm>>
        %dma_wait3A_817 = arith.constant 0 : i32
        %dma_wait3A_818 = arith.constant 0 : i32
        %dma_wait3A_819 = tpu.memref_slice %arg34[%dma_wait3A_808, %dma_wait3A_817, %dma_wait3A_818] : memref<2x128x8xf32, #tpu.memory_space<vmem>> -> memref<1x128x8xf32, #tpu.memory_space<vmem>>
        %dma_wait3A_820 = tpu.memref_squeeze %dma_wait3A_819 : memref<1x128x8xf32, #tpu.memory_space<vmem>> -> memref<128x8xf32, #tpu.memory_space<vmem>>
        tpu.wait_dma2 semaphore(%arg44 : memref<!tpu.dma_semaphore, #tpu.memory_space<semaphore_mem>>) src(%dma_wait3A_820 : memref<128x8xf32, #tpu.memory_space<vmem>>) dst(%dma_wait3A_816 : memref<128x8xf32, #tpu.memory_space<hbm>>)
        %dma_wait3A_821 = arith.constant 0 : i32
        %dma_wait3A_822 = arith.constant 0 : i32
        %dma_wait3A_823 = arith.constant 0 : i32
        %dma_wait3A_824 = tpu.memref_slice %arg35[%dma_wait3A_821, %dma_wait3A_822, %dma_wait3A_823] : memref<2x128x8xf32, #tpu.memory_space<vmem>> -> memref<1x128x8xf32, #tpu.memory_space<vmem>>
        %dma_wait3A_825 = tpu.memref_squeeze %dma_wait3A_824 : memref<1x128x8xf32, #tpu.memory_space<vmem>> -> memref<128x8xf32, #tpu.memory_space<vmem>>
        %dma_wait3A_826 = arith.constant 0 : i32
        %dma_wait3A_827 = tpu.memref_slice %arg19[%add3A_807, %dma_wait3A_826] : memref<204800x8xf32, #tpu.memory_space<hbm>> -> memref<128x8xf32, #tpu.memory_space<hbm>>
        %dma_wait3A_828 = arith.constant 0 : i32
        %dma_wait3A_829 = tpu.memref_slice %arg19[%add3A_807, %dma_wait3A_828] : memref<204800x8xf32, #tpu.memory_space<hbm>> -> memref<128x8xf32, #tpu.memory_space<hbm>>
        %dma_wait3A_830 = arith.constant 0 : i32
        %dma_wait3A_831 = arith.constant 0 : i32
        %dma_wait3A_832 = tpu.memref_slice %arg35[%dma_wait3A_821, %dma_wait3A_830, %dma_wait3A_831] : memref<2x128x8xf32, #tpu.memory_space<vmem>> -> memref<1x128x8xf32, #tpu.memory_space<vmem>>
        %dma_wait3A_833 = tpu.memref_squeeze %dma_wait3A_832 : memref<1x128x8xf32, #tpu.memory_space<vmem>> -> memref<128x8xf32, #tpu.memory_space<vmem>>
        tpu.wait_dma2 semaphore(%arg44 : memref<!tpu.dma_semaphore, #tpu.memory_space<semaphore_mem>>) src(%dma_wait3A_833 : memref<128x8xf32, #tpu.memory_space<vmem>>) dst(%dma_wait3A_829 : memref<128x8xf32, #tpu.memory_space<hbm>>)
        %dma_wait3A_834 = arith.constant 0 : i32
        %dma_wait3A_835 = arith.constant 0 : i32
        %dma_wait3A_836 = arith.constant 0 : i32
        %dma_wait3A_837 = tpu.memref_slice %arg36[%dma_wait3A_834, %dma_wait3A_835, %dma_wait3A_836] : memref<2x128x8xf32, #tpu.memory_space<vmem>> -> memref<1x128x8xf32, #tpu.memory_space<vmem>>
        %dma_wait3A_838 = tpu.memref_squeeze %dma_wait3A_837 : memref<1x128x8xf32, #tpu.memory_space<vmem>> -> memref<128x8xf32, #tpu.memory_space<vmem>>
        %dma_wait3A_839 = arith.constant 0 : i32
        %dma_wait3A_840 = tpu.memref_slice %arg20[%add3A_807, %dma_wait3A_839] : memref<204800x8xf32, #tpu.memory_space<hbm>> -> memref<128x8xf32, #tpu.memory_space<hbm>>
        %dma_wait3A_841 = arith.constant 0 : i32
        %dma_wait3A_842 = tpu.memref_slice %arg20[%add3A_807, %dma_wait3A_841] : memref<204800x8xf32, #tpu.memory_space<hbm>> -> memref<128x8xf32, #tpu.memory_space<hbm>>
        %dma_wait3A_843 = arith.constant 0 : i32
        %dma_wait3A_844 = arith.constant 0 : i32
        %dma_wait3A_845 = tpu.memref_slice %arg36[%dma_wait3A_834, %dma_wait3A_843, %dma_wait3A_844] : memref<2x128x8xf32, #tpu.memory_space<vmem>> -> memref<1x128x8xf32, #tpu.memory_space<vmem>>
        %dma_wait3A_846 = tpu.memref_squeeze %dma_wait3A_845 : memref<1x128x8xf32, #tpu.memory_space<vmem>> -> memref<128x8xf32, #tpu.memory_space<vmem>>
        tpu.wait_dma2 semaphore(%arg44 : memref<!tpu.dma_semaphore, #tpu.memory_space<semaphore_mem>>) src(%dma_wait3A_846 : memref<128x8xf32, #tpu.memory_space<vmem>>) dst(%dma_wait3A_842 : memref<128x8xf32, #tpu.memory_space<hbm>>)
        %dma_wait3A_847 = arith.constant 0 : i32
        %dma_wait3A_848 = arith.constant 0 : i32
        %dma_wait3A_849 = arith.constant 0 : i32
        %dma_wait3A_850 = tpu.memref_slice %arg37[%dma_wait3A_847, %dma_wait3A_848, %dma_wait3A_849] : memref<2x128x8xf32, #tpu.memory_space<vmem>> -> memref<1x128x8xf32, #tpu.memory_space<vmem>>
        %dma_wait3A_851 = tpu.memref_squeeze %dma_wait3A_850 : memref<1x128x8xf32, #tpu.memory_space<vmem>> -> memref<128x8xf32, #tpu.memory_space<vmem>>
        %dma_wait3A_852 = arith.constant 0 : i32
        %dma_wait3A_853 = tpu.memref_slice %arg21[%add3A_807, %dma_wait3A_852] : memref<204800x8xf32, #tpu.memory_space<hbm>> -> memref<128x8xf32, #tpu.memory_space<hbm>>
        %dma_wait3A_854 = arith.constant 0 : i32
        %dma_wait3A_855 = tpu.memref_slice %arg21[%add3A_807, %dma_wait3A_854] : memref<204800x8xf32, #tpu.memory_space<hbm>> -> memref<128x8xf32, #tpu.memory_space<hbm>>
        %dma_wait3A_856 = arith.constant 0 : i32
        %dma_wait3A_857 = arith.constant 0 : i32
        %dma_wait3A_858 = tpu.memref_slice %arg37[%dma_wait3A_847, %dma_wait3A_856, %dma_wait3A_857] : memref<2x128x8xf32, #tpu.memory_space<vmem>> -> memref<1x128x8xf32, #tpu.memory_space<vmem>>
        %dma_wait3A_859 = tpu.memref_squeeze %dma_wait3A_858 : memref<1x128x8xf32, #tpu.memory_space<vmem>> -> memref<128x8xf32, #tpu.memory_space<vmem>>
        tpu.wait_dma2 semaphore(%arg44 : memref<!tpu.dma_semaphore, #tpu.memory_space<semaphore_mem>>) src(%dma_wait3A_859 : memref<128x8xf32, #tpu.memory_space<vmem>>) dst(%dma_wait3A_855 : memref<128x8xf32, #tpu.memory_space<hbm>>)
        %dma_wait3A_860 = arith.constant 0 : i32
        %dma_wait3A_861 = arith.constant 0 : i32
        %dma_wait3A_862 = arith.constant 0 : i32
        %dma_wait3A_863 = tpu.memref_slice %arg38[%dma_wait3A_860, %dma_wait3A_861, %dma_wait3A_862] : memref<2x128x8xf32, #tpu.memory_space<vmem>> -> memref<1x128x8xf32, #tpu.memory_space<vmem>>
        %dma_wait3A_864 = tpu.memref_squeeze %dma_wait3A_863 : memref<1x128x8xf32, #tpu.memory_space<vmem>> -> memref<128x8xf32, #tpu.memory_space<vmem>>
        %dma_wait3A_865 = arith.constant 0 : i32
        %dma_wait3A_866 = tpu.memref_slice %arg22[%add3A_807, %dma_wait3A_865] : memref<204800x8xf32, #tpu.memory_space<hbm>> -> memref<128x8xf32, #tpu.memory_space<hbm>>
        %dma_wait3A_867 = arith.constant 0 : i32
        %dma_wait3A_868 = tpu.memref_slice %arg22[%add3A_807, %dma_wait3A_867] : memref<204800x8xf32, #tpu.memory_space<hbm>> -> memref<128x8xf32, #tpu.memory_space<hbm>>
        %dma_wait3A_869 = arith.constant 0 : i32
        %dma_wait3A_870 = arith.constant 0 : i32
        %dma_wait3A_871 = tpu.memref_slice %arg38[%dma_wait3A_860, %dma_wait3A_869, %dma_wait3A_870] : memref<2x128x8xf32, #tpu.memory_space<vmem>> -> memref<1x128x8xf32, #tpu.memory_space<vmem>>
        %dma_wait3A_872 = tpu.memref_squeeze %dma_wait3A_871 : memref<1x128x8xf32, #tpu.memory_space<vmem>> -> memref<128x8xf32, #tpu.memory_space<vmem>>
        tpu.wait_dma2 semaphore(%arg44 : memref<!tpu.dma_semaphore, #tpu.memory_space<semaphore_mem>>) src(%dma_wait3A_872 : memref<128x8xf32, #tpu.memory_space<vmem>>) dst(%dma_wait3A_868 : memref<128x8xf32, #tpu.memory_space<hbm>>)
        %dma_wait3A_873 = arith.constant 0 : i32
        %dma_wait3A_874 = arith.constant 0 : i32
        %dma_wait3A_875 = arith.constant 0 : i32
        %dma_wait3A_876 = tpu.memref_slice %arg39[%dma_wait3A_873, %dma_wait3A_874, %dma_wait3A_875] : memref<2x128x8xf32, #tpu.memory_space<vmem>> -> memref<1x128x8xf32, #tpu.memory_space<vmem>>
        %dma_wait3A_877 = tpu.memref_squeeze %dma_wait3A_876 : memref<1x128x8xf32, #tpu.memory_space<vmem>> -> memref<128x8xf32, #tpu.memory_space<vmem>>
        %dma_wait3A_878 = arith.constant 0 : i32
        %dma_wait3A_879 = tpu.memref_slice %arg23[%add3A_807, %dma_wait3A_878] : memref<204800x8xf32, #tpu.memory_space<hbm>> -> memref<128x8xf32, #tpu.memory_space<hbm>>
        %dma_wait3A_880 = arith.constant 0 : i32
        %dma_wait3A_881 = tpu.memref_slice %arg23[%add3A_807, %dma_wait3A_880] : memref<204800x8xf32, #tpu.memory_space<hbm>> -> memref<128x8xf32, #tpu.memory_space<hbm>>
        %dma_wait3A_882 = arith.constant 0 : i32
        %dma_wait3A_883 = arith.constant 0 : i32
        %dma_wait3A_884 = tpu.memref_slice %arg39[%dma_wait3A_873, %dma_wait3A_882, %dma_wait3A_883] : memref<2x128x8xf32, #tpu.memory_space<vmem>> -> memref<1x128x8xf32, #tpu.memory_space<vmem>>
        %dma_wait3A_885 = tpu.memref_squeeze %dma_wait3A_884 : memref<1x128x8xf32, #tpu.memory_space<vmem>> -> memref<128x8xf32, #tpu.memory_space<vmem>>
        tpu.wait_dma2 semaphore(%arg44 : memref<!tpu.dma_semaphore, #tpu.memory_space<semaphore_mem>>) src(%dma_wait3A_885 : memref<128x8xf32, #tpu.memory_space<vmem>>) dst(%dma_wait3A_881 : memref<128x8xf32, #tpu.memory_space<hbm>>)
        %dma_wait3A_886 = arith.constant 0 : i32
        %dma_wait3A_887 = arith.constant 0 : i32
        %dma_wait3A_888 = arith.constant 0 : i32
        %dma_wait3A_889 = tpu.memref_slice %arg40[%dma_wait3A_886, %dma_wait3A_887, %dma_wait3A_888] : memref<2x128x8xf32, #tpu.memory_space<vmem>> -> memref<1x128x8xf32, #tpu.memory_space<vmem>>
        %dma_wait3A_890 = tpu.memref_squeeze %dma_wait3A_889 : memref<1x128x8xf32, #tpu.memory_space<vmem>> -> memref<128x8xf32, #tpu.memory_space<vmem>>
        %dma_wait3A_891 = arith.constant 0 : i32
        %dma_wait3A_892 = tpu.memref_slice %arg24[%add3A_807, %dma_wait3A_891] : memref<204800x8xf32, #tpu.memory_space<hbm>> -> memref<128x8xf32, #tpu.memory_space<hbm>>
        %dma_wait3A_893 = arith.constant 0 : i32
        %dma_wait3A_894 = tpu.memref_slice %arg24[%add3A_807, %dma_wait3A_893] : memref<204800x8xf32, #tpu.memory_space<hbm>> -> memref<128x8xf32, #tpu.memory_space<hbm>>
        %dma_wait3A_895 = arith.constant 0 : i32
        %dma_wait3A_896 = arith.constant 0 : i32
        %dma_wait3A_897 = tpu.memref_slice %arg40[%dma_wait3A_886, %dma_wait3A_895, %dma_wait3A_896] : memref<2x128x8xf32, #tpu.memory_space<vmem>> -> memref<1x128x8xf32, #tpu.memory_space<vmem>>
        %dma_wait3A_898 = tpu.memref_squeeze %dma_wait3A_897 : memref<1x128x8xf32, #tpu.memory_space<vmem>> -> memref<128x8xf32, #tpu.memory_space<vmem>>
        tpu.wait_dma2 semaphore(%arg44 : memref<!tpu.dma_semaphore, #tpu.memory_space<semaphore_mem>>) src(%dma_wait3A_898 : memref<128x8xf32, #tpu.memory_space<vmem>>) dst(%dma_wait3A_894 : memref<128x8xf32, #tpu.memory_space<hbm>>)
        %dma_wait3A_899 = arith.constant 0 : i32
        %dma_wait3A_900 = arith.constant 0 : i32
        %dma_wait3A_901 = arith.constant 0 : i32
        %dma_wait3A_902 = tpu.memref_slice %arg41[%dma_wait3A_899, %dma_wait3A_900, %dma_wait3A_901] : memref<2x128x8xf32, #tpu.memory_space<vmem>> -> memref<1x128x8xf32, #tpu.memory_space<vmem>>
        %dma_wait3A_903 = tpu.memref_squeeze %dma_wait3A_902 : memref<1x128x8xf32, #tpu.memory_space<vmem>> -> memref<128x8xf32, #tpu.memory_space<vmem>>
        %dma_wait3A_904 = arith.constant 0 : i32
        %dma_wait3A_905 = tpu.memref_slice %arg25[%add3A_807, %dma_wait3A_904] : memref<204800x8xf32, #tpu.memory_space<hbm>> -> memref<128x8xf32, #tpu.memory_space<hbm>>
        %dma_wait3A_906 = arith.constant 0 : i32
        %dma_wait3A_907 = tpu.memref_slice %arg25[%add3A_807, %dma_wait3A_906] : memref<204800x8xf32, #tpu.memory_space<hbm>> -> memref<128x8xf32, #tpu.memory_space<hbm>>
        %dma_wait3A_908 = arith.constant 0 : i32
        %dma_wait3A_909 = arith.constant 0 : i32
        %dma_wait3A_910 = tpu.memref_slice %arg41[%dma_wait3A_899, %dma_wait3A_908, %dma_wait3A_909] : memref<2x128x8xf32, #tpu.memory_space<vmem>> -> memref<1x128x8xf32, #tpu.memory_space<vmem>>
        %dma_wait3A_911 = tpu.memref_squeeze %dma_wait3A_910 : memref<1x128x8xf32, #tpu.memory_space<vmem>> -> memref<128x8xf32, #tpu.memory_space<vmem>>
        tpu.wait_dma2 semaphore(%arg44 : memref<!tpu.dma_semaphore, #tpu.memory_space<semaphore_mem>>) src(%dma_wait3A_911 : memref<128x8xf32, #tpu.memory_space<vmem>>) dst(%dma_wait3A_907 : memref<128x8xf32, #tpu.memory_space<hbm>>)
        %add3A_912 = arith.constant 2 : i32
        %add3A_913 = arith.addi %mul3A_316, %add3A_912 : i32
        %dma_start3A_914 = arith.constant 0 : i32
        %dma_start3A_915 = arith.constant 0 : i32
        %dma_start3A_916 = arith.constant 0 : i32
        %dma_start3A_917 = tpu.memref_slice %arg34[%dma_start3A_914, %dma_start3A_915, %dma_start3A_916] : memref<2x128x8xf32, #tpu.memory_space<vmem>> -> memref<1x128x8xf32, #tpu.memory_space<vmem>>
        %dma_start3A_918 = tpu.memref_squeeze %dma_start3A_917 : memref<1x128x8xf32, #tpu.memory_space<vmem>> -> memref<128x8xf32, #tpu.memory_space<vmem>>
        %dma_start3A_919 = arith.constant 0 : i32
        %dma_start3A_920 = tpu.memref_slice %arg26[%add3A_913, %dma_start3A_919] : memref<50x128xi32, #tpu.memory_space<vmem>> -> memref<1x128xi32, #tpu.memory_space<vmem>>
        %dma_start3A_921 = tpu.memref_squeeze %dma_start3A_920 : memref<1x128xi32, #tpu.memory_space<vmem>> -> memref<128xi32, #tpu.memory_space<vmem>>
        %dma_start3A_922 = arith.constant 0 : i32
        %dma_start3A_923 = arith.constant 0 : i32
        %dma_start3A_924 = tpu.memref_slice %arg10[%dma_start3A_922, %dma_start3A_923] : memref<100000x8xf32, #tpu.memory_space<hbm>> -> memref<100000x8xf32, #tpu.memory_space<hbm>>
        tpu.enqueue_indirect_dma source(%dma_start3A_924 : memref<100000x8xf32, #tpu.memory_space<hbm>>) target(%dma_start3A_918 : memref<128x8xf32, #tpu.memory_space<vmem>>) offsets(%dma_start3A_921 : memref<128xi32, #tpu.memory_space<vmem>>) semaphore(%arg42 : memref<!tpu.dma_semaphore, #tpu.memory_space<semaphore_mem>>)
        %dma_start3A_925 = arith.constant 0 : i32
        %dma_start3A_926 = arith.constant 0 : i32
        %dma_start3A_927 = arith.constant 0 : i32
        %dma_start3A_928 = tpu.memref_slice %arg35[%dma_start3A_925, %dma_start3A_926, %dma_start3A_927] : memref<2x128x8xf32, #tpu.memory_space<vmem>> -> memref<1x128x8xf32, #tpu.memory_space<vmem>>
        %dma_start3A_929 = tpu.memref_squeeze %dma_start3A_928 : memref<1x128x8xf32, #tpu.memory_space<vmem>> -> memref<128x8xf32, #tpu.memory_space<vmem>>
        %dma_start3A_930 = arith.constant 0 : i32
        %dma_start3A_931 = tpu.memref_slice %arg27[%add3A_913, %dma_start3A_930] : memref<50x128xi32, #tpu.memory_space<vmem>> -> memref<1x128xi32, #tpu.memory_space<vmem>>
        %dma_start3A_932 = tpu.memref_squeeze %dma_start3A_931 : memref<1x128xi32, #tpu.memory_space<vmem>> -> memref<128xi32, #tpu.memory_space<vmem>>
        %dma_start3A_933 = arith.constant 0 : i32
        %dma_start3A_934 = arith.constant 0 : i32
        %dma_start3A_935 = tpu.memref_slice %arg11[%dma_start3A_933, %dma_start3A_934] : memref<1024x8xf32, #tpu.memory_space<hbm>> -> memref<1024x8xf32, #tpu.memory_space<hbm>>
        tpu.enqueue_indirect_dma source(%dma_start3A_935 : memref<1024x8xf32, #tpu.memory_space<hbm>>) target(%dma_start3A_929 : memref<128x8xf32, #tpu.memory_space<vmem>>) offsets(%dma_start3A_932 : memref<128xi32, #tpu.memory_space<vmem>>) semaphore(%arg42 : memref<!tpu.dma_semaphore, #tpu.memory_space<semaphore_mem>>)
        %dma_start3A_936 = arith.constant 0 : i32
        %dma_start3A_937 = arith.constant 0 : i32
        %dma_start3A_938 = arith.constant 0 : i32
        %dma_start3A_939 = tpu.memref_slice %arg36[%dma_start3A_936, %dma_start3A_937, %dma_start3A_938] : memref<2x128x8xf32, #tpu.memory_space<vmem>> -> memref<1x128x8xf32, #tpu.memory_space<vmem>>
        %dma_start3A_940 = tpu.memref_squeeze %dma_start3A_939 : memref<1x128x8xf32, #tpu.memory_space<vmem>> -> memref<128x8xf32, #tpu.memory_space<vmem>>
        %dma_start3A_941 = arith.constant 0 : i32
        %dma_start3A_942 = tpu.memref_slice %arg28[%add3A_913, %dma_start3A_941] : memref<50x128xi32, #tpu.memory_space<vmem>> -> memref<1x128xi32, #tpu.memory_space<vmem>>
        %dma_start3A_943 = tpu.memref_squeeze %dma_start3A_942 : memref<1x128xi32, #tpu.memory_space<vmem>> -> memref<128xi32, #tpu.memory_space<vmem>>
        %dma_start3A_944 = arith.constant 0 : i32
        %dma_start3A_945 = arith.constant 0 : i32
        %dma_start3A_946 = tpu.memref_slice %arg12[%dma_start3A_944, %dma_start3A_945] : memref<1024x8xf32, #tpu.memory_space<hbm>> -> memref<1024x8xf32, #tpu.memory_space<hbm>>
        tpu.enqueue_indirect_dma source(%dma_start3A_946 : memref<1024x8xf32, #tpu.memory_space<hbm>>) target(%dma_start3A_940 : memref<128x8xf32, #tpu.memory_space<vmem>>) offsets(%dma_start3A_943 : memref<128xi32, #tpu.memory_space<vmem>>) semaphore(%arg42 : memref<!tpu.dma_semaphore, #tpu.memory_space<semaphore_mem>>)
        %dma_start3A_947 = arith.constant 0 : i32
        %dma_start3A_948 = arith.constant 0 : i32
        %dma_start3A_949 = arith.constant 0 : i32
        %dma_start3A_950 = tpu.memref_slice %arg37[%dma_start3A_947, %dma_start3A_948, %dma_start3A_949] : memref<2x128x8xf32, #tpu.memory_space<vmem>> -> memref<1x128x8xf32, #tpu.memory_space<vmem>>
        %dma_start3A_951 = tpu.memref_squeeze %dma_start3A_950 : memref<1x128x8xf32, #tpu.memory_space<vmem>> -> memref<128x8xf32, #tpu.memory_space<vmem>>
        %dma_start3A_952 = arith.constant 0 : i32
        %dma_start3A_953 = tpu.memref_slice %arg29[%add3A_913, %dma_start3A_952] : memref<50x128xi32, #tpu.memory_space<vmem>> -> memref<1x128xi32, #tpu.memory_space<vmem>>
        %dma_start3A_954 = tpu.memref_squeeze %dma_start3A_953 : memref<1x128xi32, #tpu.memory_space<vmem>> -> memref<128xi32, #tpu.memory_space<vmem>>
        %dma_start3A_955 = arith.constant 0 : i32
        %dma_start3A_956 = arith.constant 0 : i32
        %dma_start3A_957 = tpu.memref_slice %arg13[%dma_start3A_955, %dma_start3A_956] : memref<1024x8xf32, #tpu.memory_space<hbm>> -> memref<1024x8xf32, #tpu.memory_space<hbm>>
        tpu.enqueue_indirect_dma source(%dma_start3A_957 : memref<1024x8xf32, #tpu.memory_space<hbm>>) target(%dma_start3A_951 : memref<128x8xf32, #tpu.memory_space<vmem>>) offsets(%dma_start3A_954 : memref<128xi32, #tpu.memory_space<vmem>>) semaphore(%arg42 : memref<!tpu.dma_semaphore, #tpu.memory_space<semaphore_mem>>)
        %dma_start3A_958 = arith.constant 0 : i32
        %dma_start3A_959 = arith.constant 0 : i32
        %dma_start3A_960 = arith.constant 0 : i32
        %dma_start3A_961 = tpu.memref_slice %arg38[%dma_start3A_958, %dma_start3A_959, %dma_start3A_960] : memref<2x128x8xf32, #tpu.memory_space<vmem>> -> memref<1x128x8xf32, #tpu.memory_space<vmem>>
        %dma_start3A_962 = tpu.memref_squeeze %dma_start3A_961 : memref<1x128x8xf32, #tpu.memory_space<vmem>> -> memref<128x8xf32, #tpu.memory_space<vmem>>
        %dma_start3A_963 = arith.constant 0 : i32
        %dma_start3A_964 = tpu.memref_slice %arg30[%add3A_913, %dma_start3A_963] : memref<50x128xi32, #tpu.memory_space<vmem>> -> memref<1x128xi32, #tpu.memory_space<vmem>>
        %dma_start3A_965 = tpu.memref_squeeze %dma_start3A_964 : memref<1x128xi32, #tpu.memory_space<vmem>> -> memref<128xi32, #tpu.memory_space<vmem>>
        %dma_start3A_966 = arith.constant 0 : i32
        %dma_start3A_967 = arith.constant 0 : i32
        %dma_start3A_968 = tpu.memref_slice %arg14[%dma_start3A_966, %dma_start3A_967] : memref<1024x8xf32, #tpu.memory_space<hbm>> -> memref<1024x8xf32, #tpu.memory_space<hbm>>
        tpu.enqueue_indirect_dma source(%dma_start3A_968 : memref<1024x8xf32, #tpu.memory_space<hbm>>) target(%dma_start3A_962 : memref<128x8xf32, #tpu.memory_space<vmem>>) offsets(%dma_start3A_965 : memref<128xi32, #tpu.memory_space<vmem>>) semaphore(%arg42 : memref<!tpu.dma_semaphore, #tpu.memory_space<semaphore_mem>>)
        %dma_start3A_969 = arith.constant 0 : i32
        %dma_start3A_970 = arith.constant 0 : i32
        %dma_start3A_971 = arith.constant 0 : i32
        %dma_start3A_972 = tpu.memref_slice %arg39[%dma_start3A_969, %dma_start3A_970, %dma_start3A_971] : memref<2x128x8xf32, #tpu.memory_space<vmem>> -> memref<1x128x8xf32, #tpu.memory_space<vmem>>
        %dma_start3A_973 = tpu.memref_squeeze %dma_start3A_972 : memref<1x128x8xf32, #tpu.memory_space<vmem>> -> memref<128x8xf32, #tpu.memory_space<vmem>>
        %dma_start3A_974 = arith.constant 0 : i32
        %dma_start3A_975 = tpu.memref_slice %arg31[%add3A_913, %dma_start3A_974] : memref<50x128xi32, #tpu.memory_space<vmem>> -> memref<1x128xi32, #tpu.memory_space<vmem>>
        %dma_start3A_976 = tpu.memref_squeeze %dma_start3A_975 : memref<1x128xi32, #tpu.memory_space<vmem>> -> memref<128xi32, #tpu.memory_space<vmem>>
        %dma_start3A_977 = arith.constant 0 : i32
        %dma_start3A_978 = arith.constant 0 : i32
        %dma_start3A_979 = tpu.memref_slice %arg15[%dma_start3A_977, %dma_start3A_978] : memref<1024x8xf32, #tpu.memory_space<hbm>> -> memref<1024x8xf32, #tpu.memory_space<hbm>>
        tpu.enqueue_indirect_dma source(%dma_start3A_979 : memref<1024x8xf32, #tpu.memory_space<hbm>>) target(%dma_start3A_973 : memref<128x8xf32, #tpu.memory_space<vmem>>) offsets(%dma_start3A_976 : memref<128xi32, #tpu.memory_space<vmem>>) semaphore(%arg42 : memref<!tpu.dma_semaphore, #tpu.memory_space<semaphore_mem>>)
        %dma_start3A_980 = arith.constant 0 : i32
        %dma_start3A_981 = arith.constant 0 : i32
        %dma_start3A_982 = arith.constant 0 : i32
        %dma_start3A_983 = tpu.memref_slice %arg40[%dma_start3A_980, %dma_start3A_981, %dma_start3A_982] : memref<2x128x8xf32, #tpu.memory_space<vmem>> -> memref<1x128x8xf32, #tpu.memory_space<vmem>>
        %dma_start3A_984 = tpu.memref_squeeze %dma_start3A_983 : memref<1x128x8xf32, #tpu.memory_space<vmem>> -> memref<128x8xf32, #tpu.memory_space<vmem>>
        %dma_start3A_985 = arith.constant 0 : i32
        %dma_start3A_986 = tpu.memref_slice %arg32[%add3A_913, %dma_start3A_985] : memref<50x128xi32, #tpu.memory_space<vmem>> -> memref<1x128xi32, #tpu.memory_space<vmem>>
        %dma_start3A_987 = tpu.memref_squeeze %dma_start3A_986 : memref<1x128xi32, #tpu.memory_space<vmem>> -> memref<128xi32, #tpu.memory_space<vmem>>
        %dma_start3A_988 = arith.constant 0 : i32
        %dma_start3A_989 = arith.constant 0 : i32
        %dma_start3A_990 = tpu.memref_slice %arg16[%dma_start3A_988, %dma_start3A_989] : memref<1024x8xf32, #tpu.memory_space<hbm>> -> memref<1024x8xf32, #tpu.memory_space<hbm>>
        tpu.enqueue_indirect_dma source(%dma_start3A_990 : memref<1024x8xf32, #tpu.memory_space<hbm>>) target(%dma_start3A_984 : memref<128x8xf32, #tpu.memory_space<vmem>>) offsets(%dma_start3A_987 : memref<128xi32, #tpu.memory_space<vmem>>) semaphore(%arg42 : memref<!tpu.dma_semaphore, #tpu.memory_space<semaphore_mem>>)
        %dma_start3A_991 = arith.constant 0 : i32
        %dma_start3A_992 = arith.constant 0 : i32
        %dma_start3A_993 = arith.constant 0 : i32
        %dma_start3A_994 = tpu.memref_slice %arg41[%dma_start3A_991, %dma_start3A_992, %dma_start3A_993] : memref<2x128x8xf32, #tpu.memory_space<vmem>> -> memref<1x128x8xf32, #tpu.memory_space<vmem>>
        %dma_start3A_995 = tpu.memref_squeeze %dma_start3A_994 : memref<1x128x8xf32, #tpu.memory_space<vmem>> -> memref<128x8xf32, #tpu.memory_space<vmem>>
        %dma_start3A_996 = arith.constant 0 : i32
        %dma_start3A_997 = tpu.memref_slice %arg33[%add3A_913, %dma_start3A_996] : memref<50x128xi32, #tpu.memory_space<vmem>> -> memref<1x128xi32, #tpu.memory_space<vmem>>
        %dma_start3A_998 = tpu.memref_squeeze %dma_start3A_997 : memref<1x128xi32, #tpu.memory_space<vmem>> -> memref<128xi32, #tpu.memory_space<vmem>>
        %dma_start3A_999 = arith.constant 0 : i32
        %dma_start3A_1000 = arith.constant 0 : i32
        %dma_start3A_1001 = tpu.memref_slice %arg17[%dma_start3A_999, %dma_start3A_1000] : memref<1024x8xf32, #tpu.memory_space<hbm>> -> memref<1024x8xf32, #tpu.memory_space<hbm>>
        tpu.enqueue_indirect_dma source(%dma_start3A_1001 : memref<1024x8xf32, #tpu.memory_space<hbm>>) target(%dma_start3A_995 : memref<128x8xf32, #tpu.memory_space<vmem>>) offsets(%dma_start3A_998 : memref<128xi32, #tpu.memory_space<vmem>>) semaphore(%arg42 : memref<!tpu.dma_semaphore, #tpu.memory_space<semaphore_mem>>)
      } else {
      }
      %add3A_608 = arith.constant 1 : i32
      %add3A_609 = arith.addi %mul3A_316, %add3A_608 : i32
      %dma_wait3A_610 = arith.constant 1 : i32
      %dma_wait3A_611 = arith.constant 0 : i32
      %dma_wait3A_612 = arith.constant 0 : i32
      %dma_wait3A_613 = tpu.memref_slice %arg34[%dma_wait3A_610, %dma_wait3A_611, %dma_wait3A_612] : memref<2x128x8xf32, #tpu.memory_space<vmem>> -> memref<1x128x8xf32, #tpu.memory_space<vmem>>
      %dma_wait3A_614 = tpu.memref_squeeze %dma_wait3A_613 : memref<1x128x8xf32, #tpu.memory_space<vmem>> -> memref<128x8xf32, #tpu.memory_space<vmem>>
      %dma_wait3A_615 = arith.constant 0 : i32
      %dma_wait3A_616 = tpu.memref_slice %arg26[%add3A_609, %dma_wait3A_615] : memref<50x128xi32, #tpu.memory_space<vmem>> -> memref<1x128xi32, #tpu.memory_space<vmem>>
      %dma_wait3A_617 = tpu.memref_squeeze %dma_wait3A_616 : memref<1x128xi32, #tpu.memory_space<vmem>> -> memref<128xi32, #tpu.memory_space<vmem>>
      %dma_wait3A_618 = arith.constant 0 : i32
      %dma_wait3A_619 = arith.constant 0 : i32
      %dma_wait3A_620 = tpu.memref_slice %arg10[%dma_wait3A_618, %dma_wait3A_619] : memref<100000x8xf32, #tpu.memory_space<hbm>> -> memref<100000x8xf32, #tpu.memory_space<hbm>>
      tpu.wait_indirect_dma semaphore(%arg43 : memref<!tpu.dma_semaphore, #tpu.memory_space<semaphore_mem>>) src(%dma_wait3A_620 : memref<100000x8xf32, #tpu.memory_space<hbm>>) dst(%dma_wait3A_614 : memref<128x8xf32, #tpu.memory_space<vmem>>)
      %dma_wait3A_621 = arith.constant 1 : i32
      %dma_wait3A_622 = arith.constant 0 : i32
      %dma_wait3A_623 = arith.constant 0 : i32
      %dma_wait3A_624 = tpu.memref_slice %arg35[%dma_wait3A_621, %dma_wait3A_622, %dma_wait3A_623] : memref<2x128x8xf32, #tpu.memory_space<vmem>> -> memref<1x128x8xf32, #tpu.memory_space<vmem>>
      %dma_wait3A_625 = tpu.memref_squeeze %dma_wait3A_624 : memref<1x128x8xf32, #tpu.memory_space<vmem>> -> memref<128x8xf32, #tpu.memory_space<vmem>>
      %dma_wait3A_626 = arith.constant 0 : i32
      %dma_wait3A_627 = tpu.memref_slice %arg27[%add3A_609, %dma_wait3A_626] : memref<50x128xi32, #tpu.memory_space<vmem>> -> memref<1x128xi32, #tpu.memory_space<vmem>>
      %dma_wait3A_628 = tpu.memref_squeeze %dma_wait3A_627 : memref<1x128xi32, #tpu.memory_space<vmem>> -> memref<128xi32, #tpu.memory_space<vmem>>
      %dma_wait3A_629 = arith.constant 0 : i32
      %dma_wait3A_630 = arith.constant 0 : i32
      %dma_wait3A_631 = tpu.memref_slice %arg11[%dma_wait3A_629, %dma_wait3A_630] : memref<1024x8xf32, #tpu.memory_space<hbm>> -> memref<1024x8xf32, #tpu.memory_space<hbm>>
      tpu.wait_indirect_dma semaphore(%arg43 : memref<!tpu.dma_semaphore, #tpu.memory_space<semaphore_mem>>) src(%dma_wait3A_631 : memref<1024x8xf32, #tpu.memory_space<hbm>>) dst(%dma_wait3A_625 : memref<128x8xf32, #tpu.memory_space<vmem>>)
      %dma_wait3A_632 = arith.constant 1 : i32
      %dma_wait3A_633 = arith.constant 0 : i32
      %dma_wait3A_634 = arith.constant 0 : i32
      %dma_wait3A_635 = tpu.memref_slice %arg36[%dma_wait3A_632, %dma_wait3A_633, %dma_wait3A_634] : memref<2x128x8xf32, #tpu.memory_space<vmem>> -> memref<1x128x8xf32, #tpu.memory_space<vmem>>
      %dma_wait3A_636 = tpu.memref_squeeze %dma_wait3A_635 : memref<1x128x8xf32, #tpu.memory_space<vmem>> -> memref<128x8xf32, #tpu.memory_space<vmem>>
      %dma_wait3A_637 = arith.constant 0 : i32
      %dma_wait3A_638 = tpu.memref_slice %arg28[%add3A_609, %dma_wait3A_637] : memref<50x128xi32, #tpu.memory_space<vmem>> -> memref<1x128xi32, #tpu.memory_space<vmem>>
      %dma_wait3A_639 = tpu.memref_squeeze %dma_wait3A_638 : memref<1x128xi32, #tpu.memory_space<vmem>> -> memref<128xi32, #tpu.memory_space<vmem>>
      %dma_wait3A_640 = arith.constant 0 : i32
      %dma_wait3A_641 = arith.constant 0 : i32
      %dma_wait3A_642 = tpu.memref_slice %arg12[%dma_wait3A_640, %dma_wait3A_641] : memref<1024x8xf32, #tpu.memory_space<hbm>> -> memref<1024x8xf32, #tpu.memory_space<hbm>>
      tpu.wait_indirect_dma semaphore(%arg43 : memref<!tpu.dma_semaphore, #tpu.memory_space<semaphore_mem>>) src(%dma_wait3A_642 : memref<1024x8xf32, #tpu.memory_space<hbm>>) dst(%dma_wait3A_636 : memref<128x8xf32, #tpu.memory_space<vmem>>)
      %dma_wait3A_643 = arith.constant 1 : i32
      %dma_wait3A_644 = arith.constant 0 : i32
      %dma_wait3A_645 = arith.constant 0 : i32
      %dma_wait3A_646 = tpu.memref_slice %arg37[%dma_wait3A_643, %dma_wait3A_644, %dma_wait3A_645] : memref<2x128x8xf32, #tpu.memory_space<vmem>> -> memref<1x128x8xf32, #tpu.memory_space<vmem>>
      %dma_wait3A_647 = tpu.memref_squeeze %dma_wait3A_646 : memref<1x128x8xf32, #tpu.memory_space<vmem>> -> memref<128x8xf32, #tpu.memory_space<vmem>>
      %dma_wait3A_648 = arith.constant 0 : i32
      %dma_wait3A_649 = tpu.memref_slice %arg29[%add3A_609, %dma_wait3A_648] : memref<50x128xi32, #tpu.memory_space<vmem>> -> memref<1x128xi32, #tpu.memory_space<vmem>>
      %dma_wait3A_650 = tpu.memref_squeeze %dma_wait3A_649 : memref<1x128xi32, #tpu.memory_space<vmem>> -> memref<128xi32, #tpu.memory_space<vmem>>
      %dma_wait3A_651 = arith.constant 0 : i32
      %dma_wait3A_652 = arith.constant 0 : i32
      %dma_wait3A_653 = tpu.memref_slice %arg13[%dma_wait3A_651, %dma_wait3A_652] : memref<1024x8xf32, #tpu.memory_space<hbm>> -> memref<1024x8xf32, #tpu.memory_space<hbm>>
      tpu.wait_indirect_dma semaphore(%arg43 : memref<!tpu.dma_semaphore, #tpu.memory_space<semaphore_mem>>) src(%dma_wait3A_653 : memref<1024x8xf32, #tpu.memory_space<hbm>>) dst(%dma_wait3A_647 : memref<128x8xf32, #tpu.memory_space<vmem>>)
      %dma_wait3A_654 = arith.constant 1 : i32
      %dma_wait3A_655 = arith.constant 0 : i32
      %dma_wait3A_656 = arith.constant 0 : i32
      %dma_wait3A_657 = tpu.memref_slice %arg38[%dma_wait3A_654, %dma_wait3A_655, %dma_wait3A_656] : memref<2x128x8xf32, #tpu.memory_space<vmem>> -> memref<1x128x8xf32, #tpu.memory_space<vmem>>
      %dma_wait3A_658 = tpu.memref_squeeze %dma_wait3A_657 : memref<1x128x8xf32, #tpu.memory_space<vmem>> -> memref<128x8xf32, #tpu.memory_space<vmem>>
      %dma_wait3A_659 = arith.constant 0 : i32
      %dma_wait3A_660 = tpu.memref_slice %arg30[%add3A_609, %dma_wait3A_659] : memref<50x128xi32, #tpu.memory_space<vmem>> -> memref<1x128xi32, #tpu.memory_space<vmem>>
      %dma_wait3A_661 = tpu.memref_squeeze %dma_wait3A_660 : memref<1x128xi32, #tpu.memory_space<vmem>> -> memref<128xi32, #tpu.memory_space<vmem>>
      %dma_wait3A_662 = arith.constant 0 : i32
      %dma_wait3A_663 = arith.constant 0 : i32
      %dma_wait3A_664 = tpu.memref_slice %arg14[%dma_wait3A_662, %dma_wait3A_663] : memref<1024x8xf32, #tpu.memory_space<hbm>> -> memref<1024x8xf32, #tpu.memory_space<hbm>>
      tpu.wait_indirect_dma semaphore(%arg43 : memref<!tpu.dma_semaphore, #tpu.memory_space<semaphore_mem>>) src(%dma_wait3A_664 : memref<1024x8xf32, #tpu.memory_space<hbm>>) dst(%dma_wait3A_658 : memref<128x8xf32, #tpu.memory_space<vmem>>)
      %dma_wait3A_665 = arith.constant 1 : i32
      %dma_wait3A_666 = arith.constant 0 : i32
      %dma_wait3A_667 = arith.constant 0 : i32
      %dma_wait3A_668 = tpu.memref_slice %arg39[%dma_wait3A_665, %dma_wait3A_666, %dma_wait3A_667] : memref<2x128x8xf32, #tpu.memory_space<vmem>> -> memref<1x128x8xf32, #tpu.memory_space<vmem>>
      %dma_wait3A_669 = tpu.memref_squeeze %dma_wait3A_668 : memref<1x128x8xf32, #tpu.memory_space<vmem>> -> memref<128x8xf32, #tpu.memory_space<vmem>>
      %dma_wait3A_670 = arith.constant 0 : i32
      %dma_wait3A_671 = tpu.memref_slice %arg31[%add3A_609, %dma_wait3A_670] : memref<50x128xi32, #tpu.memory_space<vmem>> -> memref<1x128xi32, #tpu.memory_space<vmem>>
      %dma_wait3A_672 = tpu.memref_squeeze %dma_wait3A_671 : memref<1x128xi32, #tpu.memory_space<vmem>> -> memref<128xi32, #tpu.memory_space<vmem>>
      %dma_wait3A_673 = arith.constant 0 : i32
      %dma_wait3A_674 = arith.constant 0 : i32
      %dma_wait3A_675 = tpu.memref_slice %arg15[%dma_wait3A_673, %dma_wait3A_674] : memref<1024x8xf32, #tpu.memory_space<hbm>> -> memref<1024x8xf32, #tpu.memory_space<hbm>>
      tpu.wait_indirect_dma semaphore(%arg43 : memref<!tpu.dma_semaphore, #tpu.memory_space<semaphore_mem>>) src(%dma_wait3A_675 : memref<1024x8xf32, #tpu.memory_space<hbm>>) dst(%dma_wait3A_669 : memref<128x8xf32, #tpu.memory_space<vmem>>)
      %dma_wait3A_676 = arith.constant 1 : i32
      %dma_wait3A_677 = arith.constant 0 : i32
      %dma_wait3A_678 = arith.constant 0 : i32
      %dma_wait3A_679 = tpu.memref_slice %arg40[%dma_wait3A_676, %dma_wait3A_677, %dma_wait3A_678] : memref<2x128x8xf32, #tpu.memory_space<vmem>> -> memref<1x128x8xf32, #tpu.memory_space<vmem>>
      %dma_wait3A_680 = tpu.memref_squeeze %dma_wait3A_679 : memref<1x128x8xf32, #tpu.memory_space<vmem>> -> memref<128x8xf32, #tpu.memory_space<vmem>>
      %dma_wait3A_681 = arith.constant 0 : i32
      %dma_wait3A_682 = tpu.memref_slice %arg32[%add3A_609, %dma_wait3A_681] : memref<50x128xi32, #tpu.memory_space<vmem>> -> memref<1x128xi32, #tpu.memory_space<vmem>>
      %dma_wait3A_683 = tpu.memref_squeeze %dma_wait3A_682 : memref<1x128xi32, #tpu.memory_space<vmem>> -> memref<128xi32, #tpu.memory_space<vmem>>
      %dma_wait3A_684 = arith.constant 0 : i32
      %dma_wait3A_685 = arith.constant 0 : i32
      %dma_wait3A_686 = tpu.memref_slice %arg16[%dma_wait3A_684, %dma_wait3A_685] : memref<1024x8xf32, #tpu.memory_space<hbm>> -> memref<1024x8xf32, #tpu.memory_space<hbm>>
      tpu.wait_indirect_dma semaphore(%arg43 : memref<!tpu.dma_semaphore, #tpu.memory_space<semaphore_mem>>) src(%dma_wait3A_686 : memref<1024x8xf32, #tpu.memory_space<hbm>>) dst(%dma_wait3A_680 : memref<128x8xf32, #tpu.memory_space<vmem>>)
      %dma_wait3A_687 = arith.constant 1 : i32
      %dma_wait3A_688 = arith.constant 0 : i32
      %dma_wait3A_689 = arith.constant 0 : i32
      %dma_wait3A_690 = tpu.memref_slice %arg41[%dma_wait3A_687, %dma_wait3A_688, %dma_wait3A_689] : memref<2x128x8xf32, #tpu.memory_space<vmem>> -> memref<1x128x8xf32, #tpu.memory_space<vmem>>
      %dma_wait3A_691 = tpu.memref_squeeze %dma_wait3A_690 : memref<1x128x8xf32, #tpu.memory_space<vmem>> -> memref<128x8xf32, #tpu.memory_space<vmem>>
      %dma_wait3A_692 = arith.constant 0 : i32
      %dma_wait3A_693 = tpu.memref_slice %arg33[%add3A_609, %dma_wait3A_692] : memref<50x128xi32, #tpu.memory_space<vmem>> -> memref<1x128xi32, #tpu.memory_space<vmem>>
      %dma_wait3A_694 = tpu.memref_squeeze %dma_wait3A_693 : memref<1x128xi32, #tpu.memory_space<vmem>> -> memref<128xi32, #tpu.memory_space<vmem>>
      %dma_wait3A_695 = arith.constant 0 : i32
      %dma_wait3A_696 = arith.constant 0 : i32
      %dma_wait3A_697 = tpu.memref_slice %arg17[%dma_wait3A_695, %dma_wait3A_696] : memref<1024x8xf32, #tpu.memory_space<hbm>> -> memref<1024x8xf32, #tpu.memory_space<hbm>>
      tpu.wait_indirect_dma semaphore(%arg43 : memref<!tpu.dma_semaphore, #tpu.memory_space<semaphore_mem>>) src(%dma_wait3A_697 : memref<1024x8xf32, #tpu.memory_space<hbm>>) dst(%dma_wait3A_691 : memref<128x8xf32, #tpu.memory_space<vmem>>)
      %mul3A_698 = arith.constant 128 : i32
      %mul3A_699 = arith.muli %add3A_609, %mul3A_698 : i32
      %add3A_700 = arith.addi %mul3A_2, %mul3A_699 : i32
      %dma_start3A_701 = arith.constant 1 : i32
      %dma_start3A_702 = arith.constant 0 : i32
      %dma_start3A_703 = arith.constant 0 : i32
      %dma_start3A_704 = tpu.memref_slice %arg34[%dma_start3A_701, %dma_start3A_702, %dma_start3A_703] : memref<2x128x8xf32, #tpu.memory_space<vmem>> -> memref<1x128x8xf32, #tpu.memory_space<vmem>>
      %dma_start3A_705 = tpu.memref_squeeze %dma_start3A_704 : memref<1x128x8xf32, #tpu.memory_space<vmem>> -> memref<128x8xf32, #tpu.memory_space<vmem>>
      %dma_start3A_706 = arith.constant 0 : i32
      %dma_start3A_707 = tpu.memref_slice %arg18[%add3A_700, %dma_start3A_706] : memref<204800x8xf32, #tpu.memory_space<hbm>> -> memref<128x8xf32, #tpu.memory_space<hbm>>
      %dma_start3A_708 = arith.constant 0 : i32
      %dma_start3A_709 = tpu.memref_slice %arg18[%add3A_700, %dma_start3A_708] : memref<204800x8xf32, #tpu.memory_space<hbm>> -> memref<128x8xf32, #tpu.memory_space<hbm>>
      %dma_start3A_710 = arith.constant 0 : i32
      %dma_start3A_711 = arith.constant 0 : i32
      %dma_start3A_712 = tpu.memref_slice %arg34[%dma_start3A_701, %dma_start3A_710, %dma_start3A_711] : memref<2x128x8xf32, #tpu.memory_space<vmem>> -> memref<1x128x8xf32, #tpu.memory_space<vmem>>
      %dma_start3A_713 = tpu.memref_squeeze %dma_start3A_712 : memref<1x128x8xf32, #tpu.memory_space<vmem>> -> memref<128x8xf32, #tpu.memory_space<vmem>>
      tpu.enqueue_dma source(%dma_start3A_713 : memref<128x8xf32, #tpu.memory_space<vmem>>) target(%dma_start3A_709 : memref<128x8xf32, #tpu.memory_space<hbm>>) target_semaphore(%arg45 : memref<!tpu.dma_semaphore, #tpu.memory_space<semaphore_mem>>)
      %dma_start3A_714 = arith.constant 1 : i32
      %dma_start3A_715 = arith.constant 0 : i32
      %dma_start3A_716 = arith.constant 0 : i32
      %dma_start3A_717 = tpu.memref_slice %arg35[%dma_start3A_714, %dma_start3A_715, %dma_start3A_716] : memref<2x128x8xf32, #tpu.memory_space<vmem>> -> memref<1x128x8xf32, #tpu.memory_space<vmem>>
      %dma_start3A_718 = tpu.memref_squeeze %dma_start3A_717 : memref<1x128x8xf32, #tpu.memory_space<vmem>> -> memref<128x8xf32, #tpu.memory_space<vmem>>
      %dma_start3A_719 = arith.constant 0 : i32
      %dma_start3A_720 = tpu.memref_slice %arg19[%add3A_700, %dma_start3A_719] : memref<204800x8xf32, #tpu.memory_space<hbm>> -> memref<128x8xf32, #tpu.memory_space<hbm>>
      %dma_start3A_721 = arith.constant 0 : i32
      %dma_start3A_722 = tpu.memref_slice %arg19[%add3A_700, %dma_start3A_721] : memref<204800x8xf32, #tpu.memory_space<hbm>> -> memref<128x8xf32, #tpu.memory_space<hbm>>
      %dma_start3A_723 = arith.constant 0 : i32
      %dma_start3A_724 = arith.constant 0 : i32
      %dma_start3A_725 = tpu.memref_slice %arg35[%dma_start3A_714, %dma_start3A_723, %dma_start3A_724] : memref<2x128x8xf32, #tpu.memory_space<vmem>> -> memref<1x128x8xf32, #tpu.memory_space<vmem>>
      %dma_start3A_726 = tpu.memref_squeeze %dma_start3A_725 : memref<1x128x8xf32, #tpu.memory_space<vmem>> -> memref<128x8xf32, #tpu.memory_space<vmem>>
      tpu.enqueue_dma source(%dma_start3A_726 : memref<128x8xf32, #tpu.memory_space<vmem>>) target(%dma_start3A_722 : memref<128x8xf32, #tpu.memory_space<hbm>>) target_semaphore(%arg45 : memref<!tpu.dma_semaphore, #tpu.memory_space<semaphore_mem>>)
      %dma_start3A_727 = arith.constant 1 : i32
      %dma_start3A_728 = arith.constant 0 : i32
      %dma_start3A_729 = arith.constant 0 : i32
      %dma_start3A_730 = tpu.memref_slice %arg36[%dma_start3A_727, %dma_start3A_728, %dma_start3A_729] : memref<2x128x8xf32, #tpu.memory_space<vmem>> -> memref<1x128x8xf32, #tpu.memory_space<vmem>>
      %dma_start3A_731 = tpu.memref_squeeze %dma_start3A_730 : memref<1x128x8xf32, #tpu.memory_space<vmem>> -> memref<128x8xf32, #tpu.memory_space<vmem>>
      %dma_start3A_732 = arith.constant 0 : i32
      %dma_start3A_733 = tpu.memref_slice %arg20[%add3A_700, %dma_start3A_732] : memref<204800x8xf32, #tpu.memory_space<hbm>> -> memref<128x8xf32, #tpu.memory_space<hbm>>
      %dma_start3A_734 = arith.constant 0 : i32
      %dma_start3A_735 = tpu.memref_slice %arg20[%add3A_700, %dma_start3A_734] : memref<204800x8xf32, #tpu.memory_space<hbm>> -> memref<128x8xf32, #tpu.memory_space<hbm>>
      %dma_start3A_736 = arith.constant 0 : i32
      %dma_start3A_737 = arith.constant 0 : i32
      %dma_start3A_738 = tpu.memref_slice %arg36[%dma_start3A_727, %dma_start3A_736, %dma_start3A_737] : memref<2x128x8xf32, #tpu.memory_space<vmem>> -> memref<1x128x8xf32, #tpu.memory_space<vmem>>
      %dma_start3A_739 = tpu.memref_squeeze %dma_start3A_738 : memref<1x128x8xf32, #tpu.memory_space<vmem>> -> memref<128x8xf32, #tpu.memory_space<vmem>>
      tpu.enqueue_dma source(%dma_start3A_739 : memref<128x8xf32, #tpu.memory_space<vmem>>) target(%dma_start3A_735 : memref<128x8xf32, #tpu.memory_space<hbm>>) target_semaphore(%arg45 : memref<!tpu.dma_semaphore, #tpu.memory_space<semaphore_mem>>)
      %dma_start3A_740 = arith.constant 1 : i32
      %dma_start3A_741 = arith.constant 0 : i32
      %dma_start3A_742 = arith.constant 0 : i32
      %dma_start3A_743 = tpu.memref_slice %arg37[%dma_start3A_740, %dma_start3A_741, %dma_start3A_742] : memref<2x128x8xf32, #tpu.memory_space<vmem>> -> memref<1x128x8xf32, #tpu.memory_space<vmem>>
      %dma_start3A_744 = tpu.memref_squeeze %dma_start3A_743 : memref<1x128x8xf32, #tpu.memory_space<vmem>> -> memref<128x8xf32, #tpu.memory_space<vmem>>
      %dma_start3A_745 = arith.constant 0 : i32
      %dma_start3A_746 = tpu.memref_slice %arg21[%add3A_700, %dma_start3A_745] : memref<204800x8xf32, #tpu.memory_space<hbm>> -> memref<128x8xf32, #tpu.memory_space<hbm>>
      %dma_start3A_747 = arith.constant 0 : i32
      %dma_start3A_748 = tpu.memref_slice %arg21[%add3A_700, %dma_start3A_747] : memref<204800x8xf32, #tpu.memory_space<hbm>> -> memref<128x8xf32, #tpu.memory_space<hbm>>
      %dma_start3A_749 = arith.constant 0 : i32
      %dma_start3A_750 = arith.constant 0 : i32
      %dma_start3A_751 = tpu.memref_slice %arg37[%dma_start3A_740, %dma_start3A_749, %dma_start3A_750] : memref<2x128x8xf32, #tpu.memory_space<vmem>> -> memref<1x128x8xf32, #tpu.memory_space<vmem>>
      %dma_start3A_752 = tpu.memref_squeeze %dma_start3A_751 : memref<1x128x8xf32, #tpu.memory_space<vmem>> -> memref<128x8xf32, #tpu.memory_space<vmem>>
      tpu.enqueue_dma source(%dma_start3A_752 : memref<128x8xf32, #tpu.memory_space<vmem>>) target(%dma_start3A_748 : memref<128x8xf32, #tpu.memory_space<hbm>>) target_semaphore(%arg45 : memref<!tpu.dma_semaphore, #tpu.memory_space<semaphore_mem>>)
      %dma_start3A_753 = arith.constant 1 : i32
      %dma_start3A_754 = arith.constant 0 : i32
      %dma_start3A_755 = arith.constant 0 : i32
      %dma_start3A_756 = tpu.memref_slice %arg38[%dma_start3A_753, %dma_start3A_754, %dma_start3A_755] : memref<2x128x8xf32, #tpu.memory_space<vmem>> -> memref<1x128x8xf32, #tpu.memory_space<vmem>>
      %dma_start3A_757 = tpu.memref_squeeze %dma_start3A_756 : memref<1x128x8xf32, #tpu.memory_space<vmem>> -> memref<128x8xf32, #tpu.memory_space<vmem>>
      %dma_start3A_758 = arith.constant 0 : i32
      %dma_start3A_759 = tpu.memref_slice %arg22[%add3A_700, %dma_start3A_758] : memref<204800x8xf32, #tpu.memory_space<hbm>> -> memref<128x8xf32, #tpu.memory_space<hbm>>
      %dma_start3A_760 = arith.constant 0 : i32
      %dma_start3A_761 = tpu.memref_slice %arg22[%add3A_700, %dma_start3A_760] : memref<204800x8xf32, #tpu.memory_space<hbm>> -> memref<128x8xf32, #tpu.memory_space<hbm>>
      %dma_start3A_762 = arith.constant 0 : i32
      %dma_start3A_763 = arith.constant 0 : i32
      %dma_start3A_764 = tpu.memref_slice %arg38[%dma_start3A_753, %dma_start3A_762, %dma_start3A_763] : memref<2x128x8xf32, #tpu.memory_space<vmem>> -> memref<1x128x8xf32, #tpu.memory_space<vmem>>
      %dma_start3A_765 = tpu.memref_squeeze %dma_start3A_764 : memref<1x128x8xf32, #tpu.memory_space<vmem>> -> memref<128x8xf32, #tpu.memory_space<vmem>>
      tpu.enqueue_dma source(%dma_start3A_765 : memref<128x8xf32, #tpu.memory_space<vmem>>) target(%dma_start3A_761 : memref<128x8xf32, #tpu.memory_space<hbm>>) target_semaphore(%arg45 : memref<!tpu.dma_semaphore, #tpu.memory_space<semaphore_mem>>)
      %dma_start3A_766 = arith.constant 1 : i32
      %dma_start3A_767 = arith.constant 0 : i32
      %dma_start3A_768 = arith.constant 0 : i32
      %dma_start3A_769 = tpu.memref_slice %arg39[%dma_start3A_766, %dma_start3A_767, %dma_start3A_768] : memref<2x128x8xf32, #tpu.memory_space<vmem>> -> memref<1x128x8xf32, #tpu.memory_space<vmem>>
      %dma_start3A_770 = tpu.memref_squeeze %dma_start3A_769 : memref<1x128x8xf32, #tpu.memory_space<vmem>> -> memref<128x8xf32, #tpu.memory_space<vmem>>
      %dma_start3A_771 = arith.constant 0 : i32
      %dma_start3A_772 = tpu.memref_slice %arg23[%add3A_700, %dma_start3A_771] : memref<204800x8xf32, #tpu.memory_space<hbm>> -> memref<128x8xf32, #tpu.memory_space<hbm>>
      %dma_start3A_773 = arith.constant 0 : i32
      %dma_start3A_774 = tpu.memref_slice %arg23[%add3A_700, %dma_start3A_773] : memref<204800x8xf32, #tpu.memory_space<hbm>> -> memref<128x8xf32, #tpu.memory_space<hbm>>
      %dma_start3A_775 = arith.constant 0 : i32
      %dma_start3A_776 = arith.constant 0 : i32
      %dma_start3A_777 = tpu.memref_slice %arg39[%dma_start3A_766, %dma_start3A_775, %dma_start3A_776] : memref<2x128x8xf32, #tpu.memory_space<vmem>> -> memref<1x128x8xf32, #tpu.memory_space<vmem>>
      %dma_start3A_778 = tpu.memref_squeeze %dma_start3A_777 : memref<1x128x8xf32, #tpu.memory_space<vmem>> -> memref<128x8xf32, #tpu.memory_space<vmem>>
      tpu.enqueue_dma source(%dma_start3A_778 : memref<128x8xf32, #tpu.memory_space<vmem>>) target(%dma_start3A_774 : memref<128x8xf32, #tpu.memory_space<hbm>>) target_semaphore(%arg45 : memref<!tpu.dma_semaphore, #tpu.memory_space<semaphore_mem>>)
      %dma_start3A_779 = arith.constant 1 : i32
      %dma_start3A_780 = arith.constant 0 : i32
      %dma_start3A_781 = arith.constant 0 : i32
      %dma_start3A_782 = tpu.memref_slice %arg40[%dma_start3A_779, %dma_start3A_780, %dma_start3A_781] : memref<2x128x8xf32, #tpu.memory_space<vmem>> -> memref<1x128x8xf32, #tpu.memory_space<vmem>>
      %dma_start3A_783 = tpu.memref_squeeze %dma_start3A_782 : memref<1x128x8xf32, #tpu.memory_space<vmem>> -> memref<128x8xf32, #tpu.memory_space<vmem>>
      %dma_start3A_784 = arith.constant 0 : i32
      %dma_start3A_785 = tpu.memref_slice %arg24[%add3A_700, %dma_start3A_784] : memref<204800x8xf32, #tpu.memory_space<hbm>> -> memref<128x8xf32, #tpu.memory_space<hbm>>
      %dma_start3A_786 = arith.constant 0 : i32
      %dma_start3A_787 = tpu.memref_slice %arg24[%add3A_700, %dma_start3A_786] : memref<204800x8xf32, #tpu.memory_space<hbm>> -> memref<128x8xf32, #tpu.memory_space<hbm>>
      %dma_start3A_788 = arith.constant 0 : i32
      %dma_start3A_789 = arith.constant 0 : i32
      %dma_start3A_790 = tpu.memref_slice %arg40[%dma_start3A_779, %dma_start3A_788, %dma_start3A_789] : memref<2x128x8xf32, #tpu.memory_space<vmem>> -> memref<1x128x8xf32, #tpu.memory_space<vmem>>
      %dma_start3A_791 = tpu.memref_squeeze %dma_start3A_790 : memref<1x128x8xf32, #tpu.memory_space<vmem>> -> memref<128x8xf32, #tpu.memory_space<vmem>>
      tpu.enqueue_dma source(%dma_start3A_791 : memref<128x8xf32, #tpu.memory_space<vmem>>) target(%dma_start3A_787 : memref<128x8xf32, #tpu.memory_space<hbm>>) target_semaphore(%arg45 : memref<!tpu.dma_semaphore, #tpu.memory_space<semaphore_mem>>)
      %dma_start3A_792 = arith.constant 1 : i32
      %dma_start3A_793 = arith.constant 0 : i32
      %dma_start3A_794 = arith.constant 0 : i32
      %dma_start3A_795 = tpu.memref_slice %arg41[%dma_start3A_792, %dma_start3A_793, %dma_start3A_794] : memref<2x128x8xf32, #tpu.memory_space<vmem>> -> memref<1x128x8xf32, #tpu.memory_space<vmem>>
      %dma_start3A_796 = tpu.memref_squeeze %dma_start3A_795 : memref<1x128x8xf32, #tpu.memory_space<vmem>> -> memref<128x8xf32, #tpu.memory_space<vmem>>
      %dma_start3A_797 = arith.constant 0 : i32
      %dma_start3A_798 = tpu.memref_slice %arg25[%add3A_700, %dma_start3A_797] : memref<204800x8xf32, #tpu.memory_space<hbm>> -> memref<128x8xf32, #tpu.memory_space<hbm>>
      %dma_start3A_799 = arith.constant 0 : i32
      %dma_start3A_800 = tpu.memref_slice %arg25[%add3A_700, %dma_start3A_799] : memref<204800x8xf32, #tpu.memory_space<hbm>> -> memref<128x8xf32, #tpu.memory_space<hbm>>
      %dma_start3A_801 = arith.constant 0 : i32
      %dma_start3A_802 = arith.constant 0 : i32
      %dma_start3A_803 = tpu.memref_slice %arg41[%dma_start3A_792, %dma_start3A_801, %dma_start3A_802] : memref<2x128x8xf32, #tpu.memory_space<vmem>> -> memref<1x128x8xf32, #tpu.memory_space<vmem>>
      %dma_start3A_804 = tpu.memref_squeeze %dma_start3A_803 : memref<1x128x8xf32, #tpu.memory_space<vmem>> -> memref<128x8xf32, #tpu.memory_space<vmem>>
      tpu.enqueue_dma source(%dma_start3A_804 : memref<128x8xf32, #tpu.memory_space<vmem>>) target(%dma_start3A_800 : memref<128x8xf32, #tpu.memory_space<hbm>>) target_semaphore(%arg45 : memref<!tpu.dma_semaphore, #tpu.memory_space<semaphore_mem>>)
    }
    %scan3A_102 = arith.constant 25 : i32
    %add3A_103 = arith.constant 6144 : i32
    %add3A_104 = arith.addi %mul3A_2, %add3A_103 : i32
    %dma_wait3A = arith.constant 0 : i32
    %dma_wait3A_105 = arith.constant 0 : i32
    %dma_wait3A_106 = arith.constant 0 : i32
    %dma_wait3A_107 = tpu.memref_slice %arg34[%dma_wait3A, %dma_wait3A_105, %dma_wait3A_106] : memref<2x128x8xf32, #tpu.memory_space<vmem>> -> memref<1x128x8xf32, #tpu.memory_space<vmem>>
    %dma_wait3A_108 = tpu.memref_squeeze %dma_wait3A_107 : memref<1x128x8xf32, #tpu.memory_space<vmem>> -> memref<128x8xf32, #tpu.memory_space<vmem>>
    %dma_wait3A_109 = arith.constant 0 : i32
    %dma_wait3A_110 = tpu.memref_slice %arg18[%add3A_104, %dma_wait3A_109] : memref<204800x8xf32, #tpu.memory_space<hbm>> -> memref<128x8xf32, #tpu.memory_space<hbm>>
    %dma_wait3A_111 = arith.constant 0 : i32
    %dma_wait3A_112 = tpu.memref_slice %arg18[%add3A_104, %dma_wait3A_111] : memref<204800x8xf32, #tpu.memory_space<hbm>> -> memref<128x8xf32, #tpu.memory_space<hbm>>
    %dma_wait3A_113 = arith.constant 0 : i32
    %dma_wait3A_114 = arith.constant 0 : i32
    %dma_wait3A_115 = tpu.memref_slice %arg34[%dma_wait3A, %dma_wait3A_113, %dma_wait3A_114] : memref<2x128x8xf32, #tpu.memory_space<vmem>> -> memref<1x128x8xf32, #tpu.memory_space<vmem>>
    %dma_wait3A_116 = tpu.memref_squeeze %dma_wait3A_115 : memref<1x128x8xf32, #tpu.memory_space<vmem>> -> memref<128x8xf32, #tpu.memory_space<vmem>>
    tpu.wait_dma2 semaphore(%arg44 : memref<!tpu.dma_semaphore, #tpu.memory_space<semaphore_mem>>) src(%dma_wait3A_116 : memref<128x8xf32, #tpu.memory_space<vmem>>) dst(%dma_wait3A_112 : memref<128x8xf32, #tpu.memory_space<hbm>>)
    %dma_wait3A_117 = arith.constant 0 : i32
    %dma_wait3A_118 = arith.constant 0 : i32
    %dma_wait3A_119 = arith.constant 0 : i32
    %dma_wait3A_120 = tpu.memref_slice %arg35[%dma_wait3A_117, %dma_wait3A_118, %dma_wait3A_119] : memref<2x128x8xf32, #tpu.memory_space<vmem>> -> memref<1x128x8xf32, #tpu.memory_space<vmem>>
    %dma_wait3A_121 = tpu.memref_squeeze %dma_wait3A_120 : memref<1x128x8xf32, #tpu.memory_space<vmem>> -> memref<128x8xf32, #tpu.memory_space<vmem>>
    %dma_wait3A_122 = arith.constant 0 : i32
    %dma_wait3A_123 = tpu.memref_slice %arg19[%add3A_104, %dma_wait3A_122] : memref<204800x8xf32, #tpu.memory_space<hbm>> -> memref<128x8xf32, #tpu.memory_space<hbm>>
    %dma_wait3A_124 = arith.constant 0 : i32
    %dma_wait3A_125 = tpu.memref_slice %arg19[%add3A_104, %dma_wait3A_124] : memref<204800x8xf32, #tpu.memory_space<hbm>> -> memref<128x8xf32, #tpu.memory_space<hbm>>
    %dma_wait3A_126 = arith.constant 0 : i32
    %dma_wait3A_127 = arith.constant 0 : i32
    %dma_wait3A_128 = tpu.memref_slice %arg35[%dma_wait3A_117, %dma_wait3A_126, %dma_wait3A_127] : memref<2x128x8xf32, #tpu.memory_space<vmem>> -> memref<1x128x8xf32, #tpu.memory_space<vmem>>
    %dma_wait3A_129 = tpu.memref_squeeze %dma_wait3A_128 : memref<1x128x8xf32, #tpu.memory_space<vmem>> -> memref<128x8xf32, #tpu.memory_space<vmem>>
    tpu.wait_dma2 semaphore(%arg44 : memref<!tpu.dma_semaphore, #tpu.memory_space<semaphore_mem>>) src(%dma_wait3A_129 : memref<128x8xf32, #tpu.memory_space<vmem>>) dst(%dma_wait3A_125 : memref<128x8xf32, #tpu.memory_space<hbm>>)
    %dma_wait3A_130 = arith.constant 0 : i32
    %dma_wait3A_131 = arith.constant 0 : i32
    %dma_wait3A_132 = arith.constant 0 : i32
    %dma_wait3A_133 = tpu.memref_slice %arg36[%dma_wait3A_130, %dma_wait3A_131, %dma_wait3A_132] : memref<2x128x8xf32, #tpu.memory_space<vmem>> -> memref<1x128x8xf32, #tpu.memory_space<vmem>>
    %dma_wait3A_134 = tpu.memref_squeeze %dma_wait3A_133 : memref<1x128x8xf32, #tpu.memory_space<vmem>> -> memref<128x8xf32, #tpu.memory_space<vmem>>
    %dma_wait3A_135 = arith.constant 0 : i32
    %dma_wait3A_136 = tpu.memref_slice %arg20[%add3A_104, %dma_wait3A_135] : memref<204800x8xf32, #tpu.memory_space<hbm>> -> memref<128x8xf32, #tpu.memory_space<hbm>>
    %dma_wait3A_137 = arith.constant 0 : i32
    %dma_wait3A_138 = tpu.memref_slice %arg20[%add3A_104, %dma_wait3A_137] : memref<204800x8xf32, #tpu.memory_space<hbm>> -> memref<128x8xf32, #tpu.memory_space<hbm>>
    %dma_wait3A_139 = arith.constant 0 : i32
    %dma_wait3A_140 = arith.constant 0 : i32
    %dma_wait3A_141 = tpu.memref_slice %arg36[%dma_wait3A_130, %dma_wait3A_139, %dma_wait3A_140] : memref<2x128x8xf32, #tpu.memory_space<vmem>> -> memref<1x128x8xf32, #tpu.memory_space<vmem>>
    %dma_wait3A_142 = tpu.memref_squeeze %dma_wait3A_141 : memref<1x128x8xf32, #tpu.memory_space<vmem>> -> memref<128x8xf32, #tpu.memory_space<vmem>>
    tpu.wait_dma2 semaphore(%arg44 : memref<!tpu.dma_semaphore, #tpu.memory_space<semaphore_mem>>) src(%dma_wait3A_142 : memref<128x8xf32, #tpu.memory_space<vmem>>) dst(%dma_wait3A_138 : memref<128x8xf32, #tpu.memory_space<hbm>>)
    %dma_wait3A_143 = arith.constant 0 : i32
    %dma_wait3A_144 = arith.constant 0 : i32
    %dma_wait3A_145 = arith.constant 0 : i32
    %dma_wait3A_146 = tpu.memref_slice %arg37[%dma_wait3A_143, %dma_wait3A_144, %dma_wait3A_145] : memref<2x128x8xf32, #tpu.memory_space<vmem>> -> memref<1x128x8xf32, #tpu.memory_space<vmem>>
    %dma_wait3A_147 = tpu.memref_squeeze %dma_wait3A_146 : memref<1x128x8xf32, #tpu.memory_space<vmem>> -> memref<128x8xf32, #tpu.memory_space<vmem>>
    %dma_wait3A_148 = arith.constant 0 : i32
    %dma_wait3A_149 = tpu.memref_slice %arg21[%add3A_104, %dma_wait3A_148] : memref<204800x8xf32, #tpu.memory_space<hbm>> -> memref<128x8xf32, #tpu.memory_space<hbm>>
    %dma_wait3A_150 = arith.constant 0 : i32
    %dma_wait3A_151 = tpu.memref_slice %arg21[%add3A_104, %dma_wait3A_150] : memref<204800x8xf32, #tpu.memory_space<hbm>> -> memref<128x8xf32, #tpu.memory_space<hbm>>
    %dma_wait3A_152 = arith.constant 0 : i32
    %dma_wait3A_153 = arith.constant 0 : i32
    %dma_wait3A_154 = tpu.memref_slice %arg37[%dma_wait3A_143, %dma_wait3A_152, %dma_wait3A_153] : memref<2x128x8xf32, #tpu.memory_space<vmem>> -> memref<1x128x8xf32, #tpu.memory_space<vmem>>
    %dma_wait3A_155 = tpu.memref_squeeze %dma_wait3A_154 : memref<1x128x8xf32, #tpu.memory_space<vmem>> -> memref<128x8xf32, #tpu.memory_space<vmem>>
    tpu.wait_dma2 semaphore(%arg44 : memref<!tpu.dma_semaphore, #tpu.memory_space<semaphore_mem>>) src(%dma_wait3A_155 : memref<128x8xf32, #tpu.memory_space<vmem>>) dst(%dma_wait3A_151 : memref<128x8xf32, #tpu.memory_space<hbm>>)
    %dma_wait3A_156 = arith.constant 0 : i32
    %dma_wait3A_157 = arith.constant 0 : i32
    %dma_wait3A_158 = arith.constant 0 : i32
    %dma_wait3A_159 = tpu.memref_slice %arg38[%dma_wait3A_156, %dma_wait3A_157, %dma_wait3A_158] : memref<2x128x8xf32, #tpu.memory_space<vmem>> -> memref<1x128x8xf32, #tpu.memory_space<vmem>>
    %dma_wait3A_160 = tpu.memref_squeeze %dma_wait3A_159 : memref<1x128x8xf32, #tpu.memory_space<vmem>> -> memref<128x8xf32, #tpu.memory_space<vmem>>
    %dma_wait3A_161 = arith.constant 0 : i32
    %dma_wait3A_162 = tpu.memref_slice %arg22[%add3A_104, %dma_wait3A_161] : memref<204800x8xf32, #tpu.memory_space<hbm>> -> memref<128x8xf32, #tpu.memory_space<hbm>>
    %dma_wait3A_163 = arith.constant 0 : i32
    %dma_wait3A_164 = tpu.memref_slice %arg22[%add3A_104, %dma_wait3A_163] : memref<204800x8xf32, #tpu.memory_space<hbm>> -> memref<128x8xf32, #tpu.memory_space<hbm>>
    %dma_wait3A_165 = arith.constant 0 : i32
    %dma_wait3A_166 = arith.constant 0 : i32
    %dma_wait3A_167 = tpu.memref_slice %arg38[%dma_wait3A_156, %dma_wait3A_165, %dma_wait3A_166] : memref<2x128x8xf32, #tpu.memory_space<vmem>> -> memref<1x128x8xf32, #tpu.memory_space<vmem>>
    %dma_wait3A_168 = tpu.memref_squeeze %dma_wait3A_167 : memref<1x128x8xf32, #tpu.memory_space<vmem>> -> memref<128x8xf32, #tpu.memory_space<vmem>>
    tpu.wait_dma2 semaphore(%arg44 : memref<!tpu.dma_semaphore, #tpu.memory_space<semaphore_mem>>) src(%dma_wait3A_168 : memref<128x8xf32, #tpu.memory_space<vmem>>) dst(%dma_wait3A_164 : memref<128x8xf32, #tpu.memory_space<hbm>>)
    %dma_wait3A_169 = arith.constant 0 : i32
    %dma_wait3A_170 = arith.constant 0 : i32
    %dma_wait3A_171 = arith.constant 0 : i32
    %dma_wait3A_172 = tpu.memref_slice %arg39[%dma_wait3A_169, %dma_wait3A_170, %dma_wait3A_171] : memref<2x128x8xf32, #tpu.memory_space<vmem>> -> memref<1x128x8xf32, #tpu.memory_space<vmem>>
    %dma_wait3A_173 = tpu.memref_squeeze %dma_wait3A_172 : memref<1x128x8xf32, #tpu.memory_space<vmem>> -> memref<128x8xf32, #tpu.memory_space<vmem>>
    %dma_wait3A_174 = arith.constant 0 : i32
    %dma_wait3A_175 = tpu.memref_slice %arg23[%add3A_104, %dma_wait3A_174] : memref<204800x8xf32, #tpu.memory_space<hbm>> -> memref<128x8xf32, #tpu.memory_space<hbm>>
    %dma_wait3A_176 = arith.constant 0 : i32
    %dma_wait3A_177 = tpu.memref_slice %arg23[%add3A_104, %dma_wait3A_176] : memref<204800x8xf32, #tpu.memory_space<hbm>> -> memref<128x8xf32, #tpu.memory_space<hbm>>
    %dma_wait3A_178 = arith.constant 0 : i32
    %dma_wait3A_179 = arith.constant 0 : i32
    %dma_wait3A_180 = tpu.memref_slice %arg39[%dma_wait3A_169, %dma_wait3A_178, %dma_wait3A_179] : memref<2x128x8xf32, #tpu.memory_space<vmem>> -> memref<1x128x8xf32, #tpu.memory_space<vmem>>
    %dma_wait3A_181 = tpu.memref_squeeze %dma_wait3A_180 : memref<1x128x8xf32, #tpu.memory_space<vmem>> -> memref<128x8xf32, #tpu.memory_space<vmem>>
    tpu.wait_dma2 semaphore(%arg44 : memref<!tpu.dma_semaphore, #tpu.memory_space<semaphore_mem>>) src(%dma_wait3A_181 : memref<128x8xf32, #tpu.memory_space<vmem>>) dst(%dma_wait3A_177 : memref<128x8xf32, #tpu.memory_space<hbm>>)
    %dma_wait3A_182 = arith.constant 0 : i32
    %dma_wait3A_183 = arith.constant 0 : i32
    %dma_wait3A_184 = arith.constant 0 : i32
    %dma_wait3A_185 = tpu.memref_slice %arg40[%dma_wait3A_182, %dma_wait3A_183, %dma_wait3A_184] : memref<2x128x8xf32, #tpu.memory_space<vmem>> -> memref<1x128x8xf32, #tpu.memory_space<vmem>>
    %dma_wait3A_186 = tpu.memref_squeeze %dma_wait3A_185 : memref<1x128x8xf32, #tpu.memory_space<vmem>> -> memref<128x8xf32, #tpu.memory_space<vmem>>
    %dma_wait3A_187 = arith.constant 0 : i32
    %dma_wait3A_188 = tpu.memref_slice %arg24[%add3A_104, %dma_wait3A_187] : memref<204800x8xf32, #tpu.memory_space<hbm>> -> memref<128x8xf32, #tpu.memory_space<hbm>>
    %dma_wait3A_189 = arith.constant 0 : i32
    %dma_wait3A_190 = tpu.memref_slice %arg24[%add3A_104, %dma_wait3A_189] : memref<204800x8xf32, #tpu.memory_space<hbm>> -> memref<128x8xf32, #tpu.memory_space<hbm>>
    %dma_wait3A_191 = arith.constant 0 : i32
    %dma_wait3A_192 = arith.constant 0 : i32
    %dma_wait3A_193 = tpu.memref_slice %arg40[%dma_wait3A_182, %dma_wait3A_191, %dma_wait3A_192] : memref<2x128x8xf32, #tpu.memory_space<vmem>> -> memref<1x128x8xf32, #tpu.memory_space<vmem>>
    %dma_wait3A_194 = tpu.memref_squeeze %dma_wait3A_193 : memref<1x128x8xf32, #tpu.memory_space<vmem>> -> memref<128x8xf32, #tpu.memory_space<vmem>>
    tpu.wait_dma2 semaphore(%arg44 : memref<!tpu.dma_semaphore, #tpu.memory_space<semaphore_mem>>) src(%dma_wait3A_194 : memref<128x8xf32, #tpu.memory_space<vmem>>) dst(%dma_wait3A_190 : memref<128x8xf32, #tpu.memory_space<hbm>>)
    %dma_wait3A_195 = arith.constant 0 : i32
    %dma_wait3A_196 = arith.constant 0 : i32
    %dma_wait3A_197 = arith.constant 0 : i32
    %dma_wait3A_198 = tpu.memref_slice %arg41[%dma_wait3A_195, %dma_wait3A_196, %dma_wait3A_197] : memref<2x128x8xf32, #tpu.memory_space<vmem>> -> memref<1x128x8xf32, #tpu.memory_space<vmem>>
    %dma_wait3A_199 = tpu.memref_squeeze %dma_wait3A_198 : memref<1x128x8xf32, #tpu.memory_space<vmem>> -> memref<128x8xf32, #tpu.memory_space<vmem>>
    %dma_wait3A_200 = arith.constant 0 : i32
    %dma_wait3A_201 = tpu.memref_slice %arg25[%add3A_104, %dma_wait3A_200] : memref<204800x8xf32, #tpu.memory_space<hbm>> -> memref<128x8xf32, #tpu.memory_space<hbm>>
    %dma_wait3A_202 = arith.constant 0 : i32
    %dma_wait3A_203 = tpu.memref_slice %arg25[%add3A_104, %dma_wait3A_202] : memref<204800x8xf32, #tpu.memory_space<hbm>> -> memref<128x8xf32, #tpu.memory_space<hbm>>
    %dma_wait3A_204 = arith.constant 0 : i32
    %dma_wait3A_205 = arith.constant 0 : i32
    %dma_wait3A_206 = tpu.memref_slice %arg41[%dma_wait3A_195, %dma_wait3A_204, %dma_wait3A_205] : memref<2x128x8xf32, #tpu.memory_space<vmem>> -> memref<1x128x8xf32, #tpu.memory_space<vmem>>
    %dma_wait3A_207 = tpu.memref_squeeze %dma_wait3A_206 : memref<1x128x8xf32, #tpu.memory_space<vmem>> -> memref<128x8xf32, #tpu.memory_space<vmem>>
    tpu.wait_dma2 semaphore(%arg44 : memref<!tpu.dma_semaphore, #tpu.memory_space<semaphore_mem>>) src(%dma_wait3A_207 : memref<128x8xf32, #tpu.memory_space<vmem>>) dst(%dma_wait3A_203 : memref<128x8xf32, #tpu.memory_space<hbm>>)
    %add3A_208 = arith.constant 6272 : i32
    %add3A_209 = arith.addi %mul3A_2, %add3A_208 : i32
    %dma_wait3A_210 = arith.constant 1 : i32
    %dma_wait3A_211 = arith.constant 0 : i32
    %dma_wait3A_212 = arith.constant 0 : i32
    %dma_wait3A_213 = tpu.memref_slice %arg34[%dma_wait3A_210, %dma_wait3A_211, %dma_wait3A_212] : memref<2x128x8xf32, #tpu.memory_space<vmem>> -> memref<1x128x8xf32, #tpu.memory_space<vmem>>
    %dma_wait3A_214 = tpu.memref_squeeze %dma_wait3A_213 : memref<1x128x8xf32, #tpu.memory_space<vmem>> -> memref<128x8xf32, #tpu.memory_space<vmem>>
    %dma_wait3A_215 = arith.constant 0 : i32
    %dma_wait3A_216 = tpu.memref_slice %arg18[%add3A_209, %dma_wait3A_215] : memref<204800x8xf32, #tpu.memory_space<hbm>> -> memref<128x8xf32, #tpu.memory_space<hbm>>
    %dma_wait3A_217 = arith.constant 0 : i32
    %dma_wait3A_218 = tpu.memref_slice %arg18[%add3A_209, %dma_wait3A_217] : memref<204800x8xf32, #tpu.memory_space<hbm>> -> memref<128x8xf32, #tpu.memory_space<hbm>>
    %dma_wait3A_219 = arith.constant 0 : i32
    %dma_wait3A_220 = arith.constant 0 : i32
    %dma_wait3A_221 = tpu.memref_slice %arg34[%dma_wait3A_210, %dma_wait3A_219, %dma_wait3A_220] : memref<2x128x8xf32, #tpu.memory_space<vmem>> -> memref<1x128x8xf32, #tpu.memory_space<vmem>>
    %dma_wait3A_222 = tpu.memref_squeeze %dma_wait3A_221 : memref<1x128x8xf32, #tpu.memory_space<vmem>> -> memref<128x8xf32, #tpu.memory_space<vmem>>
    tpu.wait_dma2 semaphore(%arg45 : memref<!tpu.dma_semaphore, #tpu.memory_space<semaphore_mem>>) src(%dma_wait3A_222 : memref<128x8xf32, #tpu.memory_space<vmem>>) dst(%dma_wait3A_218 : memref<128x8xf32, #tpu.memory_space<hbm>>)
    %dma_wait3A_223 = arith.constant 1 : i32
    %dma_wait3A_224 = arith.constant 0 : i32
    %dma_wait3A_225 = arith.constant 0 : i32
    %dma_wait3A_226 = tpu.memref_slice %arg35[%dma_wait3A_223, %dma_wait3A_224, %dma_wait3A_225] : memref<2x128x8xf32, #tpu.memory_space<vmem>> -> memref<1x128x8xf32, #tpu.memory_space<vmem>>
    %dma_wait3A_227 = tpu.memref_squeeze %dma_wait3A_226 : memref<1x128x8xf32, #tpu.memory_space<vmem>> -> memref<128x8xf32, #tpu.memory_space<vmem>>
    %dma_wait3A_228 = arith.constant 0 : i32
    %dma_wait3A_229 = tpu.memref_slice %arg19[%add3A_209, %dma_wait3A_228] : memref<204800x8xf32, #tpu.memory_space<hbm>> -> memref<128x8xf32, #tpu.memory_space<hbm>>
    %dma_wait3A_230 = arith.constant 0 : i32
    %dma_wait3A_231 = tpu.memref_slice %arg19[%add3A_209, %dma_wait3A_230] : memref<204800x8xf32, #tpu.memory_space<hbm>> -> memref<128x8xf32, #tpu.memory_space<hbm>>
    %dma_wait3A_232 = arith.constant 0 : i32
    %dma_wait3A_233 = arith.constant 0 : i32
    %dma_wait3A_234 = tpu.memref_slice %arg35[%dma_wait3A_223, %dma_wait3A_232, %dma_wait3A_233] : memref<2x128x8xf32, #tpu.memory_space<vmem>> -> memref<1x128x8xf32, #tpu.memory_space<vmem>>
    %dma_wait3A_235 = tpu.memref_squeeze %dma_wait3A_234 : memref<1x128x8xf32, #tpu.memory_space<vmem>> -> memref<128x8xf32, #tpu.memory_space<vmem>>
    tpu.wait_dma2 semaphore(%arg45 : memref<!tpu.dma_semaphore, #tpu.memory_space<semaphore_mem>>) src(%dma_wait3A_235 : memref<128x8xf32, #tpu.memory_space<vmem>>) dst(%dma_wait3A_231 : memref<128x8xf32, #tpu.memory_space<hbm>>)
    %dma_wait3A_236 = arith.constant 1 : i32
    %dma_wait3A_237 = arith.constant 0 : i32
    %dma_wait3A_238 = arith.constant 0 : i32
    %dma_wait3A_239 = tpu.memref_slice %arg36[%dma_wait3A_236, %dma_wait3A_237, %dma_wait3A_238] : memref<2x128x8xf32, #tpu.memory_space<vmem>> -> memref<1x128x8xf32, #tpu.memory_space<vmem>>
    %dma_wait3A_240 = tpu.memref_squeeze %dma_wait3A_239 : memref<1x128x8xf32, #tpu.memory_space<vmem>> -> memref<128x8xf32, #tpu.memory_space<vmem>>
    %dma_wait3A_241 = arith.constant 0 : i32
    %dma_wait3A_242 = tpu.memref_slice %arg20[%add3A_209, %dma_wait3A_241] : memref<204800x8xf32, #tpu.memory_space<hbm>> -> memref<128x8xf32, #tpu.memory_space<hbm>>
    %dma_wait3A_243 = arith.constant 0 : i32
    %dma_wait3A_244 = tpu.memref_slice %arg20[%add3A_209, %dma_wait3A_243] : memref<204800x8xf32, #tpu.memory_space<hbm>> -> memref<128x8xf32, #tpu.memory_space<hbm>>
    %dma_wait3A_245 = arith.constant 0 : i32
    %dma_wait3A_246 = arith.constant 0 : i32
    %dma_wait3A_247 = tpu.memref_slice %arg36[%dma_wait3A_236, %dma_wait3A_245, %dma_wait3A_246] : memref<2x128x8xf32, #tpu.memory_space<vmem>> -> memref<1x128x8xf32, #tpu.memory_space<vmem>>
    %dma_wait3A_248 = tpu.memref_squeeze %dma_wait3A_247 : memref<1x128x8xf32, #tpu.memory_space<vmem>> -> memref<128x8xf32, #tpu.memory_space<vmem>>
    tpu.wait_dma2 semaphore(%arg45 : memref<!tpu.dma_semaphore, #tpu.memory_space<semaphore_mem>>) src(%dma_wait3A_248 : memref<128x8xf32, #tpu.memory_space<vmem>>) dst(%dma_wait3A_244 : memref<128x8xf32, #tpu.memory_space<hbm>>)
    %dma_wait3A_249 = arith.constant 1 : i32
    %dma_wait3A_250 = arith.constant 0 : i32
    %dma_wait3A_251 = arith.constant 0 : i32
    %dma_wait3A_252 = tpu.memref_slice %arg37[%dma_wait3A_249, %dma_wait3A_250, %dma_wait3A_251] : memref<2x128x8xf32, #tpu.memory_space<vmem>> -> memref<1x128x8xf32, #tpu.memory_space<vmem>>
    %dma_wait3A_253 = tpu.memref_squeeze %dma_wait3A_252 : memref<1x128x8xf32, #tpu.memory_space<vmem>> -> memref<128x8xf32, #tpu.memory_space<vmem>>
    %dma_wait3A_254 = arith.constant 0 : i32
    %dma_wait3A_255 = tpu.memref_slice %arg21[%add3A_209, %dma_wait3A_254] : memref<204800x8xf32, #tpu.memory_space<hbm>> -> memref<128x8xf32, #tpu.memory_space<hbm>>
    %dma_wait3A_256 = arith.constant 0 : i32
    %dma_wait3A_257 = tpu.memref_slice %arg21[%add3A_209, %dma_wait3A_256] : memref<204800x8xf32, #tpu.memory_space<hbm>> -> memref<128x8xf32, #tpu.memory_space<hbm>>
    %dma_wait3A_258 = arith.constant 0 : i32
    %dma_wait3A_259 = arith.constant 0 : i32
    %dma_wait3A_260 = tpu.memref_slice %arg37[%dma_wait3A_249, %dma_wait3A_258, %dma_wait3A_259] : memref<2x128x8xf32, #tpu.memory_space<vmem>> -> memref<1x128x8xf32, #tpu.memory_space<vmem>>
    %dma_wait3A_261 = tpu.memref_squeeze %dma_wait3A_260 : memref<1x128x8xf32, #tpu.memory_space<vmem>> -> memref<128x8xf32, #tpu.memory_space<vmem>>
    tpu.wait_dma2 semaphore(%arg45 : memref<!tpu.dma_semaphore, #tpu.memory_space<semaphore_mem>>) src(%dma_wait3A_261 : memref<128x8xf32, #tpu.memory_space<vmem>>) dst(%dma_wait3A_257 : memref<128x8xf32, #tpu.memory_space<hbm>>)
    %dma_wait3A_262 = arith.constant 1 : i32
    %dma_wait3A_263 = arith.constant 0 : i32
    %dma_wait3A_264 = arith.constant 0 : i32
    %dma_wait3A_265 = tpu.memref_slice %arg38[%dma_wait3A_262, %dma_wait3A_263, %dma_wait3A_264] : memref<2x128x8xf32, #tpu.memory_space<vmem>> -> memref<1x128x8xf32, #tpu.memory_space<vmem>>
    %dma_wait3A_266 = tpu.memref_squeeze %dma_wait3A_265 : memref<1x128x8xf32, #tpu.memory_space<vmem>> -> memref<128x8xf32, #tpu.memory_space<vmem>>
    %dma_wait3A_267 = arith.constant 0 : i32
    %dma_wait3A_268 = tpu.memref_slice %arg22[%add3A_209, %dma_wait3A_267] : memref<204800x8xf32, #tpu.memory_space<hbm>> -> memref<128x8xf32, #tpu.memory_space<hbm>>
    %dma_wait3A_269 = arith.constant 0 : i32
    %dma_wait3A_270 = tpu.memref_slice %arg22[%add3A_209, %dma_wait3A_269] : memref<204800x8xf32, #tpu.memory_space<hbm>> -> memref<128x8xf32, #tpu.memory_space<hbm>>
    %dma_wait3A_271 = arith.constant 0 : i32
    %dma_wait3A_272 = arith.constant 0 : i32
    %dma_wait3A_273 = tpu.memref_slice %arg38[%dma_wait3A_262, %dma_wait3A_271, %dma_wait3A_272] : memref<2x128x8xf32, #tpu.memory_space<vmem>> -> memref<1x128x8xf32, #tpu.memory_space<vmem>>
    %dma_wait3A_274 = tpu.memref_squeeze %dma_wait3A_273 : memref<1x128x8xf32, #tpu.memory_space<vmem>> -> memref<128x8xf32, #tpu.memory_space<vmem>>
    tpu.wait_dma2 semaphore(%arg45 : memref<!tpu.dma_semaphore, #tpu.memory_space<semaphore_mem>>) src(%dma_wait3A_274 : memref<128x8xf32, #tpu.memory_space<vmem>>) dst(%dma_wait3A_270 : memref<128x8xf32, #tpu.memory_space<hbm>>)
    %dma_wait3A_275 = arith.constant 1 : i32
    %dma_wait3A_276 = arith.constant 0 : i32
    %dma_wait3A_277 = arith.constant 0 : i32
    %dma_wait3A_278 = tpu.memref_slice %arg39[%dma_wait3A_275, %dma_wait3A_276, %dma_wait3A_277] : memref<2x128x8xf32, #tpu.memory_space<vmem>> -> memref<1x128x8xf32, #tpu.memory_space<vmem>>
    %dma_wait3A_279 = tpu.memref_squeeze %dma_wait3A_278 : memref<1x128x8xf32, #tpu.memory_space<vmem>> -> memref<128x8xf32, #tpu.memory_space<vmem>>
    %dma_wait3A_280 = arith.constant 0 : i32
    %dma_wait3A_281 = tpu.memref_slice %arg23[%add3A_209, %dma_wait3A_280] : memref<204800x8xf32, #tpu.memory_space<hbm>> -> memref<128x8xf32, #tpu.memory_space<hbm>>
    %dma_wait3A_282 = arith.constant 0 : i32
    %dma_wait3A_283 = tpu.memref_slice %arg23[%add3A_209, %dma_wait3A_282] : memref<204800x8xf32, #tpu.memory_space<hbm>> -> memref<128x8xf32, #tpu.memory_space<hbm>>
    %dma_wait3A_284 = arith.constant 0 : i32
    %dma_wait3A_285 = arith.constant 0 : i32
    %dma_wait3A_286 = tpu.memref_slice %arg39[%dma_wait3A_275, %dma_wait3A_284, %dma_wait3A_285] : memref<2x128x8xf32, #tpu.memory_space<vmem>> -> memref<1x128x8xf32, #tpu.memory_space<vmem>>
    %dma_wait3A_287 = tpu.memref_squeeze %dma_wait3A_286 : memref<1x128x8xf32, #tpu.memory_space<vmem>> -> memref<128x8xf32, #tpu.memory_space<vmem>>
    tpu.wait_dma2 semaphore(%arg45 : memref<!tpu.dma_semaphore, #tpu.memory_space<semaphore_mem>>) src(%dma_wait3A_287 : memref<128x8xf32, #tpu.memory_space<vmem>>) dst(%dma_wait3A_283 : memref<128x8xf32, #tpu.memory_space<hbm>>)
    %dma_wait3A_288 = arith.constant 1 : i32
    %dma_wait3A_289 = arith.constant 0 : i32
    %dma_wait3A_290 = arith.constant 0 : i32
    %dma_wait3A_291 = tpu.memref_slice %arg40[%dma_wait3A_288, %dma_wait3A_289, %dma_wait3A_290] : memref<2x128x8xf32, #tpu.memory_space<vmem>> -> memref<1x128x8xf32, #tpu.memory_space<vmem>>
    %dma_wait3A_292 = tpu.memref_squeeze %dma_wait3A_291 : memref<1x128x8xf32, #tpu.memory_space<vmem>> -> memref<128x8xf32, #tpu.memory_space<vmem>>
    %dma_wait3A_293 = arith.constant 0 : i32
    %dma_wait3A_294 = tpu.memref_slice %arg24[%add3A_209, %dma_wait3A_293] : memref<204800x8xf32, #tpu.memory_space<hbm>> -> memref<128x8xf32, #tpu.memory_space<hbm>>
    %dma_wait3A_295 = arith.constant 0 : i32
    %dma_wait3A_296 = tpu.memref_slice %arg24[%add3A_209, %dma_wait3A_295] : memref<204800x8xf32, #tpu.memory_space<hbm>> -> memref<128x8xf32, #tpu.memory_space<hbm>>
    %dma_wait3A_297 = arith.constant 0 : i32
    %dma_wait3A_298 = arith.constant 0 : i32
    %dma_wait3A_299 = tpu.memref_slice %arg40[%dma_wait3A_288, %dma_wait3A_297, %dma_wait3A_298] : memref<2x128x8xf32, #tpu.memory_space<vmem>> -> memref<1x128x8xf32, #tpu.memory_space<vmem>>
    %dma_wait3A_300 = tpu.memref_squeeze %dma_wait3A_299 : memref<1x128x8xf32, #tpu.memory_space<vmem>> -> memref<128x8xf32, #tpu.memory_space<vmem>>
    tpu.wait_dma2 semaphore(%arg45 : memref<!tpu.dma_semaphore, #tpu.memory_space<semaphore_mem>>) src(%dma_wait3A_300 : memref<128x8xf32, #tpu.memory_space<vmem>>) dst(%dma_wait3A_296 : memref<128x8xf32, #tpu.memory_space<hbm>>)
    %dma_wait3A_301 = arith.constant 1 : i32
    %dma_wait3A_302 = arith.constant 0 : i32
    %dma_wait3A_303 = arith.constant 0 : i32
    %dma_wait3A_304 = tpu.memref_slice %arg41[%dma_wait3A_301, %dma_wait3A_302, %dma_wait3A_303] : memref<2x128x8xf32, #tpu.memory_space<vmem>> -> memref<1x128x8xf32, #tpu.memory_space<vmem>>
    %dma_wait3A_305 = tpu.memref_squeeze %dma_wait3A_304 : memref<1x128x8xf32, #tpu.memory_space<vmem>> -> memref<128x8xf32, #tpu.memory_space<vmem>>
    %dma_wait3A_306 = arith.constant 0 : i32
    %dma_wait3A_307 = tpu.memref_slice %arg25[%add3A_209, %dma_wait3A_306] : memref<204800x8xf32, #tpu.memory_space<hbm>> -> memref<128x8xf32, #tpu.memory_space<hbm>>
    %dma_wait3A_308 = arith.constant 0 : i32
    %dma_wait3A_309 = tpu.memref_slice %arg25[%add3A_209, %dma_wait3A_308] : memref<204800x8xf32, #tpu.memory_space<hbm>> -> memref<128x8xf32, #tpu.memory_space<hbm>>
    %dma_wait3A_310 = arith.constant 0 : i32
    %dma_wait3A_311 = arith.constant 0 : i32
    %dma_wait3A_312 = tpu.memref_slice %arg41[%dma_wait3A_301, %dma_wait3A_310, %dma_wait3A_311] : memref<2x128x8xf32, #tpu.memory_space<vmem>> -> memref<1x128x8xf32, #tpu.memory_space<vmem>>
    %dma_wait3A_313 = tpu.memref_squeeze %dma_wait3A_312 : memref<1x128x8xf32, #tpu.memory_space<vmem>> -> memref<128x8xf32, #tpu.memory_space<vmem>>
    tpu.wait_dma2 semaphore(%arg45 : memref<!tpu.dma_semaphore, #tpu.memory_space<semaphore_mem>>) src(%dma_wait3A_313 : memref<128x8xf32, #tpu.memory_space<vmem>>) dst(%dma_wait3A_309 : memref<128x8xf32, #tpu.memory_space<hbm>>)
    return
  }
}

module attributes {stable_mosaic.version = 14 : i64} {
  func.func @_lambda_(%arg0: i32, %arg1: memref<1024x5xf32, #tpu.memory_space<vmem>>, %arg2: memref<5x256xf32, #tpu.memory_space<vmem>>, %arg3: memref<1x256xf32, #tpu.memory_space<vmem>>, %arg4: memref<64x256xf32, #tpu.memory_space<vmem>>, %arg5: memref<1x128xf32, #tpu.memory_space<vmem>>, %arg6: memref<1x128xf32, #tpu.memory_space<vmem>>, %arg7: memref<1024x8xf32, #tpu.memory_space<vmem>>, %arg8: memref<1024x8xf32, #tpu.memory_space<vmem>>, %arg9: memref<1024x8xf32, #tpu.memory_space<vmem>>, %arg10: memref<1024x8xf32, #tpu.memory_space<vmem>>, %arg11: memref<1024x8xf32, #tpu.memory_space<vmem>>, %arg12: memref<1024x8xf32, #tpu.memory_space<vmem>>, %arg13: memref<1024x8xf32, #tpu.memory_space<vmem>>, %arg14: memref<1024x8xf32, #tpu.memory_space<vmem>>, %arg15: memref<1024x128xf32, #tpu.memory_space<vmem>>) attributes {dimension_semantics = [#tpu.dimension_semantics<arbitrary>], iteration_bounds = array<i64: 200>, scalar_prefetch = 0 : i64, scratch_operands = 0 : i64, tpu.core_type = #tpu.core_type<tc>, window_params = [{transform_indices = @transform_0, window_bounds = array<i64: 1024, 5>}, {pipeline_mode = #tpu.pipeline_mode<synchronous>, transform_indices = @transform_1, window_bounds = array<i64: 5, 256>}, {pipeline_mode = #tpu.pipeline_mode<synchronous>, transform_indices = @transform_2, window_bounds = array<i64: 1, 256>}, {pipeline_mode = #tpu.pipeline_mode<synchronous>, transform_indices = @transform_3, window_bounds = array<i64: 64, 256>}, {pipeline_mode = #tpu.pipeline_mode<synchronous>, transform_indices = @transform_4, window_bounds = array<i64: 1, 128>}, {pipeline_mode = #tpu.pipeline_mode<synchronous>, transform_indices = @transform_5, window_bounds = array<i64: 1, 128>}, {transform_indices = @transform_6, window_bounds = array<i64: 1024, 8>}, {transform_indices = @transform_7, window_bounds = array<i64: 1024, 8>}, {transform_indices = @transform_8, window_bounds = array<i64: 1024, 8>}, {transform_indices = @transform_9, window_bounds = array<i64: 1024, 8>}, {transform_indices = @transform_10, window_bounds = array<i64: 1024, 8>}, {transform_indices = @transform_11, window_bounds = array<i64: 1024, 8>}, {transform_indices = @transform_12, window_bounds = array<i64: 1024, 8>}, {transform_indices = @transform_13, window_bounds = array<i64: 1024, 8>}, {transform_indices = @transform_14, window_bounds = array<i64: 1024, 128>}]} {
    %get3A = arith.constant 0 : index
    %get3A_0 = arith.constant 0 : index
    %get3A_1 = vector.load %arg7[%get3A, %get3A_0] : memref<1024x8xf32, #tpu.memory_space<vmem>>, vector<1024x8xf32>
    %get3A_2 = arith.constant 0 : index
    %get3A_3 = arith.constant 0 : index
    %get3A_4 = vector.load %arg8[%get3A_2, %get3A_3] : memref<1024x8xf32, #tpu.memory_space<vmem>>, vector<1024x8xf32>
    %get3A_5 = arith.constant 0 : index
    %get3A_6 = arith.constant 0 : index
    %get3A_7 = vector.load %arg9[%get3A_5, %get3A_6] : memref<1024x8xf32, #tpu.memory_space<vmem>>, vector<1024x8xf32>
    %get3A_8 = arith.constant 0 : index
    %get3A_9 = arith.constant 0 : index
    %get3A_10 = vector.load %arg10[%get3A_8, %get3A_9] : memref<1024x8xf32, #tpu.memory_space<vmem>>, vector<1024x8xf32>
    %get3A_11 = arith.constant 0 : index
    %get3A_12 = arith.constant 0 : index
    %get3A_13 = vector.load %arg11[%get3A_11, %get3A_12] : memref<1024x8xf32, #tpu.memory_space<vmem>>, vector<1024x8xf32>
    %get3A_14 = arith.constant 0 : index
    %get3A_15 = arith.constant 0 : index
    %get3A_16 = vector.load %arg12[%get3A_14, %get3A_15] : memref<1024x8xf32, #tpu.memory_space<vmem>>, vector<1024x8xf32>
    %get3A_17 = arith.constant 0 : index
    %get3A_18 = arith.constant 0 : index
    %get3A_19 = vector.load %arg13[%get3A_17, %get3A_18] : memref<1024x8xf32, #tpu.memory_space<vmem>>, vector<1024x8xf32>
    %get3A_20 = arith.constant 0 : index
    %get3A_21 = arith.constant 0 : index
    %get3A_22 = vector.load %arg14[%get3A_20, %get3A_21] : memref<1024x8xf32, #tpu.memory_space<vmem>>, vector<1024x8xf32>
    %concatenate3A = tpu.concatenate %get3A_1, %get3A_4, %get3A_7, %get3A_10, %get3A_13, %get3A_16, %get3A_19, %get3A_22 in 1 : vector<1024x8xf32>, vector<1024x8xf32>, vector<1024x8xf32>, vector<1024x8xf32>, vector<1024x8xf32>, vector<1024x8xf32>, vector<1024x8xf32>, vector<1024x8xf32> -> vector<1024x64xf32>
    %get3A_23 = arith.constant 0 : index
    %get3A_24 = arith.constant 0 : index
    %get3A_25 = vector.load %arg4[%get3A_23, %get3A_24] : memref<64x256xf32, #tpu.memory_space<vmem>>, vector<64x256xf32>
    %dot_general3A = arith.constant dense<0.000000e+00> : vector<1024x256xf32>
    %dot_general3A_26 = tpu.matmul %concatenate3A, %get3A_25, %dot_general3A {dimension_numbers = #tpu.dot_dimension_numbers<[1], [0], [0], [1], [0, 0, 1, 1], [], []>, transpose_lhs_hint = false} : vector<1024x64xf32>, vector<64x256xf32>, vector<1024x256xf32> -> vector<1024x256xf32>
    %get3A_27 = arith.constant 0 : index
    %get3A_28 = arith.constant 0 : index
    %get3A_29 = vector.load %arg1[%get3A_27, %get3A_28] : memref<1024x5xf32, #tpu.memory_space<vmem>>, vector<1024x5xf32>
    %get3A_30 = arith.constant 0 : index
    %get3A_31 = arith.constant 0 : index
    %get3A_32 = vector.load %arg2[%get3A_30, %get3A_31] : memref<5x256xf32, #tpu.memory_space<vmem>>, vector<5x256xf32>
    %dot_general3A_33 = arith.constant dense<0.000000e+00> : vector<1024x256xf32>
    %dot_general3A_34 = tpu.matmul %get3A_29, %get3A_32, %dot_general3A_33 {dimension_numbers = #tpu.dot_dimension_numbers<[1], [0], [0], [1], [0, 0, 1, 1], [], []>, transpose_lhs_hint = false} : vector<1024x5xf32>, vector<5x256xf32>, vector<1024x256xf32> -> vector<1024x256xf32>
    %add3A = arith.addf %dot_general3A_26, %dot_general3A_34 : vector<1024x256xf32>
    %get3A_35 = arith.constant 0 : index
    %get3A_36 = arith.constant 0 : index
    %get3A_37 = vector.load %arg3[%get3A_35, %get3A_36] : memref<1x256xf32, #tpu.memory_space<vmem>>, vector<1x256xf32>
    %add3A_38 = vector.broadcast %get3A_37 : vector<1x256xf32> to vector<1024x256xf32>
    %add3A_39 = arith.addf %add3A, %add3A_38 : vector<1024x256xf32>
    %slice3A = vector.extract_strided_slice %add3A_39 {offsets = [0, 0], sizes = [1024, 128], strides = [1, 1]} : vector<1024x256xf32> to vector<1024x128xf32>
    %mul3A = arith.constant 1.200000e+00 : f32
    %mul3A_40 = vector.broadcast %mul3A : f32 to vector<1024x128xf32>
    %mul3A_41 = arith.mulf %slice3A, %mul3A_40 : vector<1024x128xf32>
    %logistic3A = arith.negf %mul3A_41 : vector<1024x128xf32>
    %logistic3A_42 = math.exp %logistic3A : vector<1024x128xf32>
    %logistic3A_43 = arith.constant 1.000000e+00 : f32
    %logistic3A_44 = vector.broadcast %logistic3A_43 : f32 to vector<1024x128xf32>
    %logistic3A_45 = arith.addf %logistic3A_44, %logistic3A_42 : vector<1024x128xf32>
    %logistic3A_46 = arith.divf %logistic3A_44, %logistic3A_45 : vector<1024x128xf32>
    %slice3A_47 = vector.extract_strided_slice %add3A_39 {offsets = [0, 128], sizes = [1024, 128], strides = [1, 1]} : vector<1024x256xf32> to vector<1024x128xf32>
    %mul3A_48 = arith.mulf %logistic3A_46, %slice3A_47 : vector<1024x128xf32>
    %reduce_sum3A = arith.constant dense<0.000000e+00> : vector<1024xf32>
    %reduce_sum3A_49 = vector.multi_reduction <add>, %mul3A_48, %reduce_sum3A [1] : vector<1024x128xf32> to vector<1024xf32>
    %broadcast_in_dim3A = vector.shape_cast %reduce_sum3A_49 : vector<1024xf32> to vector<1024x1xf32>
    %div3A = arith.constant 1.280000e+02 : f32
    %div3A_50 = vector.broadcast %div3A : f32 to vector<1024x1xf32>
    %div3A_51 = arith.divf %broadcast_in_dim3A, %div3A_50 : vector<1024x1xf32>
    %sub3A = vector.broadcast %div3A_51 : vector<1024x1xf32> to vector<1024x128xf32>
    %sub3A_52 = arith.subf %mul3A_48, %sub3A : vector<1024x128xf32>
    %mul3A_53 = arith.mulf %sub3A_52, %sub3A_52 : vector<1024x128xf32>
    %reduce_sum3A_54 = arith.constant dense<0.000000e+00> : vector<1024xf32>
    %reduce_sum3A_55 = vector.multi_reduction <add>, %mul3A_53, %reduce_sum3A_54 [1] : vector<1024x128xf32> to vector<1024xf32>
    %broadcast_in_dim3A_56 = vector.shape_cast %reduce_sum3A_55 : vector<1024xf32> to vector<1024x1xf32>
    %div3A_57 = arith.constant 1.280000e+02 : f32
    %div3A_58 = vector.broadcast %div3A_57 : f32 to vector<1024x1xf32>
    %div3A_59 = arith.divf %broadcast_in_dim3A_56, %div3A_58 : vector<1024x1xf32>
    %add3A_60 = arith.constant 9.99999974E-6 : f32
    %add3A_61 = vector.broadcast %add3A_60 : f32 to vector<1024x1xf32>
    %add3A_62 = arith.addf %div3A_59, %add3A_61 : vector<1024x1xf32>
    %rsqrt3A = math.rsqrt %add3A_62 : vector<1024x1xf32>
    %mul3A_63 = vector.broadcast %rsqrt3A : vector<1024x1xf32> to vector<1024x128xf32>
    %mul3A_64 = arith.mulf %sub3A_52, %mul3A_63 : vector<1024x128xf32>
    %get3A_65 = arith.constant 0 : index
    %get3A_66 = arith.constant 0 : index
    %get3A_67 = vector.load %arg5[%get3A_65, %get3A_66] : memref<1x128xf32, #tpu.memory_space<vmem>>, vector<1x128xf32>
    %mul3A_68 = vector.broadcast %get3A_67 : vector<1x128xf32> to vector<1024x128xf32>
    %mul3A_69 = arith.mulf %mul3A_64, %mul3A_68 : vector<1024x128xf32>
    %get3A_70 = arith.constant 0 : index
    %get3A_71 = arith.constant 0 : index
    %get3A_72 = vector.load %arg6[%get3A_70, %get3A_71] : memref<1x128xf32, #tpu.memory_space<vmem>>, vector<1x128xf32>
    %add3A_73 = vector.broadcast %get3A_72 : vector<1x128xf32> to vector<1024x128xf32>
    %add3A_74 = arith.addf %mul3A_69, %add3A_73 : vector<1024x128xf32>
    %swap3A = arith.constant 0 : index
    %swap3A_75 = arith.constant 0 : index
    %swap3A_76 = vector.load %arg15[%swap3A, %swap3A_75] : memref<1024x128xf32, #tpu.memory_space<vmem>>, vector<1024x128xf32>
    tpu.vector_store %arg15[%swap3A, %swap3A_75], %add3A_74 {strides = array<i32>} : memref<1024x128xf32, #tpu.memory_space<vmem>>, vector<1024x128xf32>,
    return
  }
  func.func @transform_0(%arg0: i32) -> (i32, i32) {
    %c0_i32 = arith.constant 0 : i32
    %c0_i32_0 = arith.constant 0 : i32
    return %arg0, %c0_i32 : i32, i32
  }
  func.func @transform_1(%arg0: i32) -> (i32, i32) {
    %c0_i32 = arith.constant 0 : i32
    %c0_i32_0 = arith.constant 0 : i32
    %c0_i32_1 = arith.constant 0 : i32
    return %c0_i32, %c0_i32_0 : i32, i32
  }
  func.func @transform_2(%arg0: i32) -> (i32, i32) {
    %c0_i32 = arith.constant 0 : i32
    %c0_i32_0 = arith.constant 0 : i32
    %c0_i32_1 = arith.constant 0 : i32
    return %c0_i32, %c0_i32_0 : i32, i32
  }
  func.func @transform_3(%arg0: i32) -> (i32, i32) {
    %c0_i32 = arith.constant 0 : i32
    %c0_i32_0 = arith.constant 0 : i32
    %c0_i32_1 = arith.constant 0 : i32
    return %c0_i32, %c0_i32_0 : i32, i32
  }
  func.func @transform_4(%arg0: i32) -> (i32, i32) {
    %c0_i32 = arith.constant 0 : i32
    %c0_i32_0 = arith.constant 0 : i32
    %c0_i32_1 = arith.constant 0 : i32
    return %c0_i32, %c0_i32_0 : i32, i32
  }
  func.func @transform_5(%arg0: i32) -> (i32, i32) {
    %c0_i32 = arith.constant 0 : i32
    %c0_i32_0 = arith.constant 0 : i32
    %c0_i32_1 = arith.constant 0 : i32
    return %c0_i32, %c0_i32_0 : i32, i32
  }
  func.func @transform_6(%arg0: i32) -> (i32, i32) {
    %c0_i32 = arith.constant 0 : i32
    %c0_i32_0 = arith.constant 0 : i32
    return %arg0, %c0_i32 : i32, i32
  }
  func.func @transform_7(%arg0: i32) -> (i32, i32) {
    %c0_i32 = arith.constant 0 : i32
    %c0_i32_0 = arith.constant 0 : i32
    return %arg0, %c0_i32 : i32, i32
  }
  func.func @transform_8(%arg0: i32) -> (i32, i32) {
    %c0_i32 = arith.constant 0 : i32
    %c0_i32_0 = arith.constant 0 : i32
    return %arg0, %c0_i32 : i32, i32
  }
  func.func @transform_9(%arg0: i32) -> (i32, i32) {
    %c0_i32 = arith.constant 0 : i32
    %c0_i32_0 = arith.constant 0 : i32
    return %arg0, %c0_i32 : i32, i32
  }
  func.func @transform_10(%arg0: i32) -> (i32, i32) {
    %c0_i32 = arith.constant 0 : i32
    %c0_i32_0 = arith.constant 0 : i32
    return %arg0, %c0_i32 : i32, i32
  }
  func.func @transform_11(%arg0: i32) -> (i32, i32) {
    %c0_i32 = arith.constant 0 : i32
    %c0_i32_0 = arith.constant 0 : i32
    return %arg0, %c0_i32 : i32, i32
  }
  func.func @transform_12(%arg0: i32) -> (i32, i32) {
    %c0_i32 = arith.constant 0 : i32
    %c0_i32_0 = arith.constant 0 : i32
    return %arg0, %c0_i32 : i32, i32
  }
  func.func @transform_13(%arg0: i32) -> (i32, i32) {
    %c0_i32 = arith.constant 0 : i32
    %c0_i32_0 = arith.constant 0 : i32
    return %arg0, %c0_i32 : i32, i32
  }
  func.func @transform_14(%arg0: i32) -> (i32, i32) {
    %c0_i32 = arith.constant 0 : i32
    %c0_i32_0 = arith.constant 0 : i32
    return %arg0, %c0_i32 : i32, i32
  }
}

</mosaic_0001>

<sc_bundles>
// kernel: addr_enc_gather.3.cloned.1.call-start
scs
__scs_entry_jumppad:
0x0: {  	(pc) =	sbr.rel $0x88, $3  }
0x1: {  	(tag) =	ssettag $0x0;
	lr =	simm.s32 $0x1  }
0x2: {  	[smem:$0x3F88] =	sst lr;
	_ =	strace $0xD0000000  }
0x3: {  	_ = 	snop  }
0x4: {  	_ = 	snop  }
0x5: {  	_ = 	snop  }
0x6: {  	_ = 	snop  }
0x7: {  	_ = 	snop  }
__scs_overlays_trampoline_lowered:
0x8: {  	[smem:$0x3F97] =	sst s0  }
0x9: {  	[smem:$0x3F98] =	sst s1  }
0xa: {  	[smem:$0x3F99] =	sst s2  }
0xb: {  	[smem:$0x3F9A] =	sst s3  }
0xc: {  	[smem:$0x3F9B] =	sst s4  }
0xd: {  	[smem:$0x3F9C] =	sst s5  }
0xe: {  	[smem:$0x3F9D] =	sst s6  }
0xf: {  	[smem:$0x3F9E] =	sst s7  }
0x10: {  	[smem:$0x3F9F] =	sst s8  }
0x11: {  	[smem:$0x3FA0] =	sst s9;
	s0 =	simm.s32 @!p0 $0x0  }
0x12: {  	s1 =	sld [smem:$0x3F86];
	s0 =	simm.s32 @p0 $0x1  }
0x13: {  	[smem:$0x3FA1] =	sst s0;
	s0 =	simm.s32 @!p1 $0x0  }
0x14: {  	s2 =	sld [smem:$0x3F85];
	s0 =	simm.s32 @p1 $0x1  }
0x15: {  	[smem:$0x3FA2] =	sst s0;
	s0 =	simm.s32 @!p2 $0x0  }
0x16: {  	s3 =	sld [smem:$0x3FDB];
	s0 =	simm.s32 @p2 $0x1  }
0x17: {  	s4 =	simm.s32 $0x1BF5;
	[smem:$0x3FA4] =	sst s0  }
0x18: {  	s0 =	sld [smem:$0x3F87];
	_ =	swait.ge [sflag:s4], $0x0  }
0x19: {  	s7 =	sld [smem:$0x3F88]  }
0x1a: {  	s8 =	sadd.s32 $0xFFFFE003, lr  }
0x1b: {  	s9 =	sadd.s32 $0xFFFFFEF7, lr;
	s5 =	simm.s32 $0xFFFFFFFF;
	p2 =	slt.u32 s8, $0xFFFFF086  }
0x1c: {  	p1 =	slt.u32 s9, $0xF7A;
	s5 =	simm.s32 @!p2 $0x0  }
0x1d: {  	s5 =	simm.s32 @p1 $0x1;
	p0 =	seq.s32 s7, s2  }
0x1e: {  	s7 =	smul.u32 @!p0 $0xF7A, s2;
	p2 =	seq.s32 @!p0 s5, $0x0  }
0x1f: {  	s9 =	smul.u32 $0xF7A, s1;
	s8 =	simm.s32 @!p0 $0x1BF5;
	p2 =	por !p2, p0  }
0x20: {  	[sflag:s8] =	ssyncset.s32 @!p0 $0xFFFFF086;
	s6 =	sadd.s32 @!p0 s3, s7;
	s7 =	simm.s32 @!p0 $0x108  }
0x21: {  	s3 =	sadd.s32 s3, s9;
	s6 =	sadd.s32 @!p0 $0x88, s6;
	s7 =	simm.s32 @p2 $0x1082  }
0x22: {  	[simem:s7], [sflag:s8] =	dma.local @!p0 [hbm:s6], $0xF7A  }
0x23: {  	s9 =	sor.u32 $0xD0000000, s2;
	s6 =	simm.s32 $0x108;
	_ =	swait.ge @!p0 [sflag:s8], $0x0  }
0x24: {  	s3 =	sadd.s32 $0x88, s3;
	s6 =	simm.s32 @!p1 $0x1082;
	[sflag:s4] =	ssyncset.s32 $0xFFFFF086  }
0x25: {  	[simem:s6], [sflag:s4] =	dma.local [hbm:s3], $0xF7A  }
0x26: {  	[smem:$0x3F88] =	sst s1;
	(tag) =	ssettag s2;
	_ =	strace s9  }
0x27: {  	s1 =	sld [smem:$0x3F98]  }
0x28: {  	s2 =	sld [smem:$0x3F99]  }
0x29: {  	s4 =	sld [smem:$0x3F9B]  }
0x2a: {  	p0 =	seq.s32 s5, $0x0;
	s5 =	sld [smem:$0x3F9C]  }
0x2b: {  	s6 =	sld [smem:$0x3F9D]  }
0x2c: {  	s7 =	sld [smem:$0x3F9E]  }
0x2d: {  	s3 =	simm.s32 $0x108;
	s8 =	sld [smem:$0x3F9F]  }
0x2e: {  	s3 =	simm.s32 @!p0 $0x1082;
	s9 =	sld [smem:$0x3FA0]  }
0x2f: {  	lr =	sadd.s32 s0, s3;
	s0 =	sld [smem:$0x3F97]  }
0x30: {  	s3 =	sld [smem:$0x3F9A]  }
0x31: {  	[smem:$0x3FA3] =	sst s10  }
0x32: {  	s10 =	sld [smem:$0x3FA1];
	_ =	sdelay $0x3  }
0x33: {  	p0 =	seq.s32 s10, $0x1;
	s10 =	sld [smem:$0x3FA3];
	_ =	sdelay $0x3  }
0x34: {  	[smem:$0x3FA3] =	sst s10  }
0x35: {  	s10 =	sld [smem:$0x3FA2];
	_ =	sdelay $0x3  }
0x36: {  	p1 =	seq.s32 s10, $0x1;
	s10 =	sld [smem:$0x3FA3];
	_ =	sdelay $0x3  }
0x37: {  	[smem:$0x3FA3] =	sst s10  }
0x38: {  	s10 =	sld [smem:$0x3FA4]  }
0x39: {  	_ = 	snop;
	(pc) =	sbr.ind lr, $3  }
0x3a: {  	_ = 	snop  }
0x3b: {  	_ = 	snop  }
0x3c: {  	p2 =	seq.s32 s10, $0x1;
	s10 =	sld [smem:$0x3FA3]  }
0x3d: {  	_ =	shalt  }
0x3e: {  	_ =	shalt  }
0x3f: {  	_ =	shalt  }
0x40: {  	_ =	shalt  }
0x41: {  	_ =	shalt  }
0x42: {  	_ =	shalt  }
0x43: {  	_ =	shalt  }
0x44: {  	_ =	shalt  }
0x45: {  	_ =	shalt  }
0x46: {  	_ =	shalt  }
0x47: {  	_ =	shalt  }
0x48: {  	_ =	shalt  }
0x49: {  	_ =	shalt  }
0x4a: {  	_ =	shalt  }
0x4b: {  	_ =	shalt  }
0x4c: {  	_ =	shalt  }
0x4d: {  	_ =	shalt  }
0x4e: {  	_ =	shalt  }
0x4f: {  	_ =	shalt  }
0x50: {  	_ =	shalt  }
0x51: {  	_ =	shalt  }
0x52: {  	_ =	shalt  }
0x53: {  	_ =	shalt  }
0x54: {  	_ =	shalt  }
0x55: {  	_ =	shalt  }
0x56: {  	_ =	shalt  }
0x57: {  	_ =	shalt  }
0x58: {  	_ =	shalt  }
0x59: {  	_ =	shalt  }
0x5a: {  	_ =	shalt  }
0x5b: {  	_ =	shalt  }
0x5c: {  	_ =	shalt  }
0x5d: {  	_ =	shalt  }
0x5e: {  	_ =	shalt  }
0x5f: {  	_ =	shalt  }
0x60: {  	_ =	shalt  }
0x61: {  	_ =	shalt  }
0x62: {  	_ =	shalt  }
0x63: {  	_ =	shalt  }
0x64: {  	_ =	shalt  }
0x65: {  	_ =	shalt  }
0x66: {  	_ =	shalt  }
0x67: {  	_ =	shalt  }
0x68: {  	_ =	shalt  }
0x69: {  	_ =	shalt  }
0x6a: {  	_ =	shalt  }
0x6b: {  	_ =	shalt  }
0x6c: {  	_ =	shalt  }
0x6d: {  	_ =	shalt  }
0x6e: {  	_ =	shalt  }
0x6f: {  	_ =	shalt  }
0x70: {  	_ =	shalt  }
0x71: {  	_ =	shalt  }
0x72: {  	_ =	shalt  }
0x73: {  	_ =	shalt  }
0x74: {  	_ =	shalt  }
0x75: {  	_ =	shalt  }
0x76: {  	_ =	shalt  }
0x77: {  	_ =	shalt  }
0x78: {  	_ =	shalt  }
0x79: {  	_ =	shalt  }
0x7a: {  	_ =	shalt  }
0x7b: {  	_ =	shalt  }
0x7c: {  	_ =	shalt  }
0x7d: {  	_ =	shalt  }
0x7e: {  	_ =	shalt  }
0x7f: {  	_ =	shalt  }
0x80: {  	_ =	shalt  }
0x81: {  	_ =	shalt  }
0x82: {  	_ =	shalt  }
0x83: {  	_ =	shalt  }
0x84: {  	_ =	shalt  }
0x85: {  	_ =	shalt  }
0x86: {  	_ =	shalt  }
0x87: {  	_ =	shalt  }
.Lfunc_end0:
.L_simem_size_0:
called_computation.1_lowered:
.L_overlay_start_0:
0x88: {  	s2 =	sld [smem:$0x3FD9]  }
0x89: {  	s3 =	sld [smem:$0x3FFE];
	_ =	sdelay $0x1  }
0x8a: {  	s1 =	srdreg.scid  }
0x8b: {  	s0 =	sand.u32 $0x1, s1  }
0x8c: {  	s16 =	sshll.u32 s0, $0xA;
	s2 =	sadd.s32 s3, s2  }
0x8d: {  	s2 =	sadd.s32 s2, s16  }
0x8e: {  	[smem:$0x3FAF] =	sst s2  }
0x8f: {  	_ = 	snop  }
0x90: {  	(tm) =	ssettm $0x1  }
0x91: {  	s17 =	sld [smem:$0x3FFB];
	_ =	sdelay $0x3  }
0x92: {  	_ =	strace s17  }
0x93: {  	s2 =	sld [smem:$0x3FFC];
	_ =	sdelay $0x3  }
0x94: {  	_ =	strace s2  }
0x95: {  	s2 =	sld [smem:$0x3FFD];
	_ =	sdelay $0x3  }
0x96: {  	_ =	strace s2  }
0x97: {  	_ =	strace $0x8FFFFFFF  }
0x98: {  	s18 =	sld [smem:$0x3FDB];
	_ =	sdelay $0x1  }
0x99: {  	s19 =	simm.s32 $_scs_section_size  }
0x9a: {  	s4 =	simm.s32 $_size__tile_overlayer_lowered;
	s5 =	simm.s32 $_tile_overlayer_lowered  }
0x9b: {  	s22 =	simm.s32 $0x1BFF;
	s21 =	sshll.u32 s5, $0x1;
	s2 =	sadd.s32 s19, s18  }
0x9c: {  	s6 =	simm.s32 $0x0;
	s20 =	sshll.u32 s4, $0x1;
	s4 =	sadd.s32 s21, s2  }
0x9d: {  	[timem:s6], [sflag:s22] =	dma.local [hbm:s4], s20  }
0x9e: {  	_ =	swait.ge [sflag:s22], s20  }
0x9f: {  	s3 =	ssub.s32 $0x0, s20;
	[sflag:s22] =	ssyncset.done $0x0  }
0xa0: {  	[sflag:s22] =	ssyncadd.s32 s3;
	_ =	sdelay $0x1  }
0xa1: {  	s23 =	simm.s32 $0x1B8B  }
0xa2: {  	_ =	swait.ge [sflag:s23], $0x1  }
0xa3: {  	[sflag:s23] =	ssyncset.done $0x0  }
0xa4: {  	s25 =	simm.s32 $0x1B8E;
	s24 =	sld [smem:$0x3FFE];
	[sflag:s23] =	ssyncadd.s32 $0xFFFFFFFF  }
0xa5: {  	s26 =	simm.s32 $execute0_lowered;
	[smem:$0x3FD2] =	sst s25  }
0xa6: {  	s4 =	sshll.u32 s26, $0x1;
	_ =	strace $0x80000046;
	[dreg:$0x1] =	wrdreg $0xFFFFFFFF  }
0xa7: {  	s28 =	simm.s32 $_size_execute0_lowered;
	s2 =	sadd.s32 s2, s4;
	[dreg:$0x0] =	wrdreg $0x0  }
0xa8: {  	s4 =	sshll.u32 s28, $0x1;
	[dreg:$0x2] =	wrdreg s2  }
0xa9: {  	[dreg:$0x3] =	wrdreg s4  }
0xaa: {  	[dreg:$0x4] =	wrdreg $0xC0  }
0xab: {  	_ =	task [dreg:s6], $0x5FFFF  }
0xac: {  	[dreg:$0x1] =	wrdreg $0xFFFFFFFF  }
0xad: {  	[dreg:$0x0] =	wrdreg $0x60  }
0xae: {  	[dreg:$0x2] =	wrdreg s24  }
0xaf: {  	[dreg:$0x3] =	wrdreg $0x9  }
0xb0: {  	_ =	task.clear_ibuf [dreg:s6], $0x4FFFF;
	_ =	strace $0x90000046  }
0xb1: {  	s29 =	simm.s32 $0x9;
	_ =	strace $0x80000048  }
0xb2: {  	_ =	swait.ge [sflag:s29], $0x1  }
0xb3: {  	[sflag:s29] =	ssyncadd.s32 $0xFFFFFFFF  }
0xb4: {  	_ =	strace $0x90000048  }
0xb5: {  	_ =	sfence  }
0xb6: {  	s30 =	sld [smem:$0x0];
	_ =	sdelay $0x2  }
0xb7: {  	s31 =	sshll.u32 s1, $0xD;
	s1 =	sshrl.u32 s1, $0x2  }
0xb8: {  	s3 =	sand.u32 $0x4000, s31;
	s1 =	sadd.s32 s1, s30  }
0xb9: {  	s0 =	sor.u32 s3, s0;
	s1 =	sshll.u32 s1, $0x11  }
0xba: {  	s0 =	sor.u32 s1, s0  }
0xbb: {  	s0 =	sadd.s32 $0x8F2B, s0  }
0xbc: {  	[sflag:s0] =	ssyncadd.remote.s32 $0x1  }
0xbd: {  	_ =	sfence.sel $0xFFFF  }
0xbe: {  	[dreg:$0x0] =	wrdreg $0xFFFFFFFF;
	(pc) =	sbr.abs _section_cstart, $3  }
0xbf: {  	[dreg:$0x1] =	wrdreg $0xFFFFFFFF  }
0xc0: {  	_ =	task.clear_ibuf [dreg:s6], $0x2FFFF;
	_ =	strace $0x9FFFFFFF  }
0xc1: {  	(tm) =	ssettm $0x7FFFFFFF  }
tec
execute0_lowered:
.L_overlay_start_1:
0x0: {  	(tag) =	ssettag $0x1  }
0x1: {  	s0 =	srdreg.scid  }
0x2: {  	s23 =	stileid.u32;
	s11 =	rddreg [dreg:$0x0];
	s2 =	simm.s32 $0x0  }
0x3: {  	s30 =	simm.s32 $0x10400;
	s1 =	sand.u32 $0x1, s0;
	s24 =	sshll.u32 s23, $0x1  }
0x4: {  	[smem:$0x7FF] =	sst s2;
	s3 =	sadd.s32 $0x39200, s11;
	s25 =	sadd.s32 $0x5600, s11  }
0x5: {  	s26 =	sadd.s32 $0x5A00, s11;
	s12 =	smul.u32 $0x19000, s23;
	s29 =	sadd.s32 $0x5E00, s11  }
0x6: {  	s31 =	sadd.s32 $0x6200, s11;
	_ =	strace $0x80000047;
	[dreg:$0x12] =	wrdreg s3  }
0x7: {  	s4 =	sadd.s32 $0x6600, s11;
	s5 =	sadd.s32 $0x6A00, s11;
	[dreg:$0x13] =	wrdreg s25  }
0x8: {  	s6 =	sadd.s32 $0x6E00, s11;
	s14 =	sadd.s32 $0x83A00, s11;
	[dreg:$0x14] =	wrdreg s26  }
0x9: {  	s15 =	sadd.s32 $0x51A00, s11;
	s16 =	sadd.s32 $0x1AFA00, s11;
	[dreg:$0x15] =	wrdreg s29  }
0xa: {  	s17 =	sadd.s32 $0xE7A00, s11;
	[dreg:$0x16] =	wrdreg s31;
	s13 =	smul.u32 $0xC800, s1  }
0xb: {  	s18 =	sadd.s32 $0x17DA00, s11;
	s20 =	sadd.s32 $0x14BA00, s11;
	[dreg:$0x17] =	wrdreg s4  }
0xc: {  	s0 =	sor.u32 s1, s24;
	[dreg:$0x18] =	wrdreg s5;
	s12 =	sadd.s32 s13, s12  }
0xd: {  	[dreg:$0x19] =	wrdreg s6;
	s26 =	smul.u32 $0x3200, s23;
	s12 =	sshrl.u32 s12, $0x3  }
0xe: {  	s21 =	ssub.s32 $0x2, s1;
	s1 =	smul.u32 $0x1900, s1;
	s19 =	sadd.s32 s12, s16  }
0xf: {  	s0 =	smul.u32 $0x1900, s0;
	s7 =	sadd.s32 s12, s18;
	[dreg:$0x2] =	wrdreg s19  }
0x10: {  	s13 =	sadd.s32 $0xB5A00, s11;
	s8 =	sadd.s32 s12, s20;
	[dreg:$0x3] =	wrdreg s7  }
0x11: {  	s0 =	sshrl.u32 s0, $0x3;
	s10 =	sadd.s32 s12, s17;
	[dreg:$0x4] =	wrdreg s8  }
0x12: {  	s0 =	sadd.s32 s0, s11;
	s24 =	sadd.s32 s12, s13;
	[dreg:$0x6] =	wrdreg s10  }
0x13: {  	s11 =	sadd.s32 $0x119A00, s11;
	s25 =	sadd.s32 s12, s15;
	[dreg:$0x7] =	wrdreg s24  }
0x14: {  	s22 =	sshrl.u32 s21, $0x1;
	s9 =	sadd.s32 s12, s11;
	[dreg:$0x8] =	wrdreg s25  }
0x15: {  	s21 =	ssub.s32 s21, s22;
	s29 =	sadd.s32 $0x7200, s0;
	[dreg:$0x5] =	wrdreg s9  }
0x16: {  	s4 =	sadd.s32 s26, s18;
	s31 =	sadd.s32 $0xD600, s0;
	[dreg:$0x1a] =	wrdreg s29  }
0x17: {  	s16 =	sadd.s32 s26, s16;
	s12 =	sadd.s32 s12, s14;
	[dreg:$0x1b] =	wrdreg s31  }
0x18: {  	s17 =	sadd.s32 s26, s17;
	s5 =	sadd.s32 $0x13A00, s0;
	[dreg:$0x9] =	wrdreg s12  }
0x19: {  	s3 =	sadd.s32 s1, s16;
	s8 =	sadd.s32 $0x19E00, s0;
	[dreg:$0x1c] =	wrdreg s5  }
0x1a: {  	s16 =	sadd.s32 s1, s4;
	s10 =	sadd.s32 $0x20200, s0;
	[dreg:$0x1d] =	wrdreg s8  }
0x1b: {  	s7 =	sadd.s32 s26, s20;
	s18 =	sadd.s32 $0x26600, s0;
	[dreg:$0x1e] =	wrdreg s10  }
0x1c: {  	s11 =	sadd.s32 s26, s11;
	s12 =	sadd.s32 $0x80, s3;
	[dreg:$0x1f] =	wrdreg s18  }
0x1d: {  	s20 =	sadd.s32 s26, s13;
	s6 =	sadd.s32 $0x80, s16;
	[dreg:$0xa] =	wrdreg s12  }
0x1e: {  	s24 =	sadd.s32 s26, s15;
	s29 =	sadd.s32 $0x2CA00, s0;
	[dreg:$0xb] =	wrdreg s6  }
0x1f: {  	s25 =	sadd.s32 s26, s14;
	s0 =	sadd.s32 $0x32E00, s0;
	[smem:$0x7FB] =	sst s29  }
0x20: {  	s9 =	sadd.s32 s1, s7;
	s31 =	smax.u32 s21, $0x1;
	[smem:$0x7FC] =	sst s0  }
0x21: {  	s11 =	sadd.s32 s1, s11;
	s12 =	sadd.s32 $0x80, s9;
	[smem:$0x7FD] =	sst s31  }
0x22: {  	s23 =	sadd.s32 s1, s20;
	s11 =	sadd.s32 $0x80, s11;
	[dreg:$0xc] =	wrdreg s12  }
0x23: {  	s12 =	sadd.s32 s1, s17;
	[dreg:$0xd] =	wrdreg s11;
	s11 =	sadd.s32 $0x80, s23  }
0x24: {  	s19 =	sadd.s32 $0x80, s12;
	s12 =	sadd.s32 s1, s24;
	[dreg:$0xf] =	wrdreg s11  }
0x25: {  	s1 =	sadd.s32 s1, s25;
	[dreg:$0xe] =	wrdreg s19;
	s26 =	sadd.s32 $0x80, s12  }
0x26: {  	s28 =	simm.s32 $0x1;
	s1 =	sadd.s32 $0x80, s1;
	[dreg:$0x10] =	wrdreg s26  }
0x27: {  	s3 =	simm.s32 $0x0;
	s17 =	simm.s32 $0x2;
	[dreg:$0x11] =	wrdreg s1  }
.LBB2_1:
0x28: {  	[smem:$0x7FA] =	sst s3  }
0x29: {  	s0 =	rddreg [dreg:$0x1a];
	s1 =	simm.s32 $0x5  }
0x2a: {  	[tilespmem:s2], [sflag:$0x5] =	stream.linear.gather [hbm4b:s0+s2], $0x1900, $0x38;
	[tilespmem:$0x10800] =	vst v63  }
0x2b: {  	_ =	swait.ge [sflag:s1], $0x1900  }
0x2c: {  	[sflag:s1] =	ssyncset.done $0x0  }
0x2d: {  	s11 =	simm.s32 $0x1900;
	s14 =	rddreg [dreg:$0x1b];
	[sflag:s1] =	ssyncadd.s32 $0xFFFFE700  }
0x2e: {  	[tilespmem:s11], [sflag:$0x5] =	stream.linear.gather [hbm4b:s14+s2], $0x1900, $0x38;
	[tilespmem:$0x10800] =	vst v63  }
0x2f: {  	_ =	swait.ge [sflag:s1], $0x1900  }
0x30: {  	[sflag:s1] =	ssyncset.done $0x0  }
0x31: {  	s12 =	simm.s32 $0x3200;
	s15 =	rddreg [dreg:$0x1c];
	[sflag:s1] =	ssyncadd.s32 $0xFFFFE700  }
0x32: {  	[tilespmem:s12], [sflag:$0x5] =	stream.linear.gather [hbm4b:s15+s2], $0x1900, $0x38;
	[tilespmem:$0x10800] =	vst v63  }
0x33: {  	_ =	swait.ge [sflag:s1], $0x1900  }
0x34: {  	[sflag:s1] =	ssyncset.done $0x0  }
0x35: {  	s13 =	simm.s32 $0x4B00;
	s16 =	rddreg [dreg:$0x1d];
	[sflag:s1] =	ssyncadd.s32 $0xFFFFE700  }
0x36: {  	[tilespmem:s13], [sflag:$0x5] =	stream.linear.gather [hbm4b:s16+s2], $0x1900, $0x38;
	[tilespmem:$0x10800] =	vst v63  }
0x37: {  	_ =	swait.ge [sflag:s1], $0x1900  }
0x38: {  	[sflag:s1] =	ssyncset.done $0x0  }
0x39: {  	s14 =	simm.s32 $0x6400;
	s18 =	rddreg [dreg:$0x1e];
	[sflag:s1] =	ssyncadd.s32 $0xFFFFE700  }
0x3a: {  	[tilespmem:s14], [sflag:$0x5] =	stream.linear.gather [hbm4b:s18+s2], $0x1900, $0x38;
	[tilespmem:$0x10800] =	vst v63  }
0x3b: {  	_ =	swait.ge [sflag:s1], $0x1900  }
0x3c: {  	[sflag:s1] =	ssyncset.done $0x0  }
0x3d: {  	s15 =	simm.s32 $0x7D00;
	s19 =	rddreg [dreg:$0x1f];
	[sflag:s1] =	ssyncadd.s32 $0xFFFFE700  }
0x3e: {  	[tilespmem:s15], [sflag:$0x5] =	stream.linear.gather [hbm4b:s19+s2], $0x1900, $0x38;
	[tilespmem:$0x10800] =	vst v63  }
0x3f: {  	_ =	swait.ge [sflag:s1], $0x1900  }
0x40: {  	s20 =	sld [smem:$0x7FB]  }
0x41: {  	[sflag:s1] =	ssyncset.done $0x0  }
0x42: {  	s16 =	simm.s32 $0x9600;
	[sflag:s1] =	ssyncadd.s32 $0xFFFFE700  }
0x43: {  	[tilespmem:s16], [sflag:$0x5] =	stream.linear.gather [hbm4b:s20+s2], $0x1900, $0x38;
	[tilespmem:$0x10800] =	vst v63  }
0x44: {  	_ =	swait.ge [sflag:s1], $0x1900  }
0x45: {  	s21 =	sld [smem:$0x7FC]  }
0x46: {  	[sflag:s1] =	ssyncset.done $0x0  }
0x47: {  	s18 =	simm.s32 $0xAF00;
	[sflag:s1] =	ssyncadd.s32 $0xFFFFE700  }
0x48: {  	[tilespmem:s18], [sflag:$0x5] =	stream.linear.gather [hbm4b:s21+s2], $0x1900, $0x38;
	[tilespmem:$0x10800] =	vst v63  }
0x49: {  	_ =	swait.ge [sflag:s1], $0x1900  }
0x4a: {  	s19 =	simm.s32 $0xC800;
	[sflag:s1] =	ssyncset.done $0x0  }
0x4b: {  	s4 =	rddreg [dreg:$0x12];
	[sflag:s1] =	ssyncadd.s32 $0xFFFFE700;
	s1 =	simm.s32 $0x80  }
0x4c: {  	[tilespmem:s19], [sflag:$0x1] =	stream.indirect.gather [hbm4b:s4+s1], $0x8, s2, s1, $0xb8;
	[tilespmem:$0x10800] =	vst v63  }
0x4d: {  	s20 =	simm.s32 $0xD000;
	s5 =	rddreg [dreg:$0x13]  }
0x4e: {  	[tilespmem:s20], [sflag:$0x1] =	stream.indirect.gather [hbm4b:s5+s1], $0x8, s11, s1, $0xb8;
	[tilespmem:$0x10800] =	vst v63  }
0x4f: {  	s21 =	simm.s32 $0xD800;
	s6 =	rddreg [dreg:$0x14]  }
0x50: {  	[tilespmem:s21], [sflag:$0x1] =	stream.indirect.gather [hbm4b:s6+s1], $0x8, s12, s1, $0xb8;
	[tilespmem:$0x10800] =	vst v63  }
0x51: {  	s7 =	rddreg [dreg:$0x15];
	s12 =	simm.s32 $0xE000  }
0x52: {  	[tilespmem:s12], [sflag:$0x1] =	stream.indirect.gather [hbm4b:s7+s1], $0x8, s13, s1, $0xb8;
	[tilespmem:$0x10800] =	vst v63  }
0x53: {  	s8 =	rddreg [dreg:$0x16];
	s13 =	simm.s32 $0xE800  }
0x54: {  	[tilespmem:s13], [sflag:$0x1] =	stream.indirect.gather [hbm4b:s8+s1], $0x8, s14, s1, $0xb8;
	[tilespmem:$0x10800] =	vst v63  }
0x55: {  	p0 =	por $0x1, $0x1;
	s9 =	rddreg [dreg:$0x17];
	s14 =	simm.s32 $0xF000  }
0x56: {  	[tilespmem:s14], [sflag:$0x1] =	stream.indirect.gather [hbm4b:s9+s1], $0x8, s15, s1, $0xb8;
	[tilespmem:$0x10800] =	vst v63  }
0x57: {  	p0 =	por p0, p0;
	s10 =	rddreg [dreg:$0x18];
	s15 =	simm.s32 $0xF800  }
0x58: {  	[tilespmem:s15], [sflag:$0x1] =	stream.indirect.gather [hbm4b:s10+s1], $0x8, s16, s1, $0xb8;
	[tilespmem:$0x10800] =	vst v63  }
0x59: {  	s0 =	simm.s32 @!p0 $0x4;
	s25 =	rddreg [dreg:$0x19];
	s16 =	simm.s32 $0x10000  }
0x5a: {  	[tilespmem:s16], [sflag:$0x1] =	stream.indirect.gather [hbm4b:s25+s1], $0x8, s18, s1, $0xb8;
	[tilespmem:$0x10800] =	vst v63  }
0x5b: {  	_ =	swait.ge @!p0 [sflag:s0], $0x400  }
0x5c: {  	[sflag:s0] =	ssyncset.done @!p0 $0x0  }
0x5d: {  	[sflag:s0] =	ssyncadd.s32 @!p0 $0xFFFFFC00  }
0x5e: {  	_ =	swait.ge @!p0 [sflag:s0], $0x400  }
0x5f: {  	[sflag:s0] =	ssyncset.done @!p0 $0x0  }
0x60: {  	[sflag:s0] =	ssyncadd.s32 @!p0 $0xFFFFFC00  }
0x61: {  	_ =	swait.ge @!p0 [sflag:s0], $0x400  }
0x62: {  	[sflag:s0] =	ssyncset.done @!p0 $0x0  }
0x63: {  	[sflag:s0] =	ssyncadd.s32 @!p0 $0xFFFFFC00  }
0x64: {  	_ =	swait.ge @!p0 [sflag:s0], $0x400  }
0x65: {  	[sflag:s0] =	ssyncset.done @!p0 $0x0  }
0x66: {  	[sflag:s0] =	ssyncadd.s32 @!p0 $0xFFFFFC00  }
0x67: {  	_ =	swait.ge @!p0 [sflag:s0], $0x400  }
0x68: {  	[sflag:s0] =	ssyncset.done @!p0 $0x0  }
0x69: {  	[sflag:s0] =	ssyncadd.s32 @!p0 $0xFFFFFC00  }
0x6a: {  	_ =	swait.ge @!p0 [sflag:s0], $0x400  }
0x6b: {  	[sflag:s0] =	ssyncset.done @!p0 $0x0  }
0x6c: {  	[sflag:s0] =	ssyncadd.s32 @!p0 $0xFFFFFC00  }
0x6d: {  	_ =	swait.ge @!p0 [sflag:s0], $0x400  }
0x6e: {  	[sflag:s0] =	ssyncset.done @!p0 $0x0  }
0x6f: {  	[sflag:s0] =	ssyncadd.s32 @!p0 $0xFFFFFC00  }
0x70: {  	_ =	swait.ge @!p0 [sflag:s0], $0x400  }
0x71: {  	[sflag:s0] =	ssyncset.done @!p0 $0x0  }
0x72: {  	s22 =	simm.s32 $0x80;
	s18 =	simm.s32 $0xCC00;
	[sflag:s0] =	ssyncadd.s32 @!p0 $0xFFFFFC00  }
0x73: {  	[tilespmem:s18], [sflag:$0x2] =	stream.indirect.gather [hbm4b:s4+s1], $0x8, s22, s1, $0xb8;
	[tilespmem:$0x10800] =	vst v63  }
0x74: {  	s23 =	simm.s32 $0x1980;
	s22 =	simm.s32 $0xD400  }
0x75: {  	[tilespmem:s22], [sflag:$0x2] =	stream.indirect.gather [hbm4b:s5+s1], $0x8, s23, s1, $0xb8;
	[tilespmem:$0x10800] =	vst v63  }
0x76: {  	s24 =	simm.s32 $0x3280;
	s23 =	simm.s32 $0xDC00  }
0x77: {  	[tilespmem:s23], [sflag:$0x2] =	stream.indirect.gather [hbm4b:s6+s1], $0x8, s24, s1, $0xb8;
	[tilespmem:$0x10800] =	vst v63  }
0x78: {  	s26 =	simm.s32 $0x4B80;
	s24 =	simm.s32 $0xE400  }
0x79: {  	[tilespmem:s24], [sflag:$0x2] =	stream.indirect.gather [hbm4b:s7+s1], $0x8, s26, s1, $0xb8;
	[tilespmem:$0x10800] =	vst v63  }
0x7a: {  	s29 =	simm.s32 $0x6480;
	s3 =	simm.s32 $0xEC00  }
0x7b: {  	[tilespmem:s3], [sflag:$0x2] =	stream.indirect.gather [hbm4b:s8+s1], $0x8, s29, s1, $0xb8;
	[tilespmem:$0x10800] =	vst v63  }
0x7c: {  	s31 =	simm.s32 $0x7D80;
	s26 =	simm.s32 $0xF400  }
0x7d: {  	[tilespmem:s26], [sflag:$0x2] =	stream.indirect.gather [hbm4b:s9+s1], $0x8, s31, s1, $0xb8;
	[tilespmem:$0x10800] =	vst v63  }
0x7e: {  	s11 =	simm.s32 $0x9680;
	s29 =	simm.s32 $0xFC00  }
0x7f: {  	[tilespmem:s29], [sflag:$0x2] =	stream.indirect.gather [hbm4b:s10+s1], $0x8, s11, s1, $0xb8;
	[tilespmem:$0x10800] =	vst v63  }
0x80: {  	s31 =	simm.s32 $0xAF80  }
0x81: {  	[tilespmem:s30], [sflag:$0x2] =	stream.indirect.gather [hbm4b:s25+s1], $0x8, s31, s1, $0xb8;
	[tilespmem:$0x10800] =	vst v63  }
0x82: {  	_ =	swait.ge [sflag:s28], $0x400  }
0x83: {  	[sflag:s28] =	ssyncset.done $0x0  }
0x84: {  	[sflag:s28] =	ssyncadd.s32 $0xFFFFFC00  }
0x85: {  	_ =	swait.ge [sflag:s28], $0x400  }
0x86: {  	[sflag:s28] =	ssyncset.done $0x0  }
0x87: {  	[sflag:s28] =	ssyncadd.s32 $0xFFFFFC00  }
0x88: {  	_ =	swait.ge [sflag:s28], $0x400  }
0x89: {  	[sflag:s28] =	ssyncset.done $0x0  }
0x8a: {  	[sflag:s28] =	ssyncadd.s32 $0xFFFFFC00  }
0x8b: {  	_ =	swait.ge [sflag:s28], $0x400  }
0x8c: {  	[sflag:s28] =	ssyncset.done $0x0  }
0x8d: {  	[sflag:s28] =	ssyncadd.s32 $0xFFFFFC00  }
0x8e: {  	_ =	swait.ge [sflag:s28], $0x400  }
0x8f: {  	[sflag:s28] =	ssyncset.done $0x0  }
0x90: {  	[sflag:s28] =	ssyncadd.s32 $0xFFFFFC00  }
0x91: {  	_ =	swait.ge [sflag:s28], $0x400  }
0x92: {  	[sflag:s28] =	ssyncset.done $0x0  }
0x93: {  	[sflag:s28] =	ssyncadd.s32 $0xFFFFFC00  }
0x94: {  	_ =	swait.ge [sflag:s28], $0x400  }
0x95: {  	[sflag:s28] =	ssyncset.done $0x0  }
0x96: {  	[sflag:s28] =	ssyncadd.s32 $0xFFFFFC00  }
0x97: {  	_ =	swait.ge [sflag:s28], $0x400  }
0x98: {  	s11 =	rddreg [dreg:$0x9];
	[sflag:s28] =	ssyncset.done $0x0  }
0x99: {  	s30 =	rddreg [dreg:$0x8];
	[sflag:s28] =	ssyncadd.s32 $0xFFFFFC00;
	s0 =	sadd.s32 $0x0, s11  }
0x9a: {  	[hbm4b:s0+s2] =	stream.linear.scatter [tilespmem:s19], [sflag:$0x3], $0x400, $0x38;
	[tilespmem:$0x10800] =	vst v63  }
0x9b: {  	s31 =	rddreg [dreg:$0x7];
	s1 =	sadd.s32 $0x0, s30  }
0x9c: {  	[hbm4b:s1+s2] =	stream.linear.scatter [tilespmem:s20], [sflag:$0x3], $0x400, $0x38;
	[tilespmem:$0x10800] =	vst v63  }
0x9d: {  	s30 =	sadd.s32 $0x0, s31;
	s19 =	rddreg [dreg:$0x6]  }
0x9e: {  	[hbm4b:s30+s2] =	stream.linear.scatter [tilespmem:s21], [sflag:$0x3], $0x400, $0x38;
	[tilespmem:$0x10800] =	vst v63  }
0x9f: {  	s31 =	rddreg [dreg:$0x5];
	s1 =	sadd.s32 $0x0, s19  }
0xa0: {  	[hbm4b:s1+s2] =	stream.linear.scatter [tilespmem:s12], [sflag:$0x3], $0x400, $0x38;
	[tilespmem:$0x10800] =	vst v63  }
0xa1: {  	s19 =	rddreg [dreg:$0x4];
	s20 =	sadd.s32 $0x0, s31  }
0xa2: {  	[hbm4b:s20+s2] =	stream.linear.scatter [tilespmem:s13], [sflag:$0x3], $0x400, $0x38;
	[tilespmem:$0x10800] =	vst v63  }
0xa3: {  	s21 =	rddreg [dreg:$0x3];
	s30 =	sadd.s32 $0x0, s19  }
0xa4: {  	[hbm4b:s30+s2] =	stream.linear.scatter [tilespmem:s14], [sflag:$0x3], $0x400, $0x38;
	[tilespmem:$0x10800] =	vst v63  }
0xa5: {  	p0 =	por $0x0, $0x0;
	s31 =	rddreg [dreg:$0x2];
	s12 =	sadd.s32 $0x0, s21  }
0xa6: {  	[hbm4b:s12+s2] =	stream.linear.scatter [tilespmem:s15], [sflag:$0x3], $0x400, $0x38;
	[tilespmem:$0x10800] =	vst v63  }
0xa7: {  	s0 =	simm.s32 @!p0 $0x3;
	s13 =	sadd.s32 $0x0, s31  }
0xa8: {  	[hbm4b:s13+s2] =	stream.linear.scatter [tilespmem:s16], [sflag:$0x3], $0x400, $0x38;
	[tilespmem:$0x10800] =	vst v63  }
0xa9: {  	_ =	swait.ge @!p0 [sflag:s0], $0x400  }
0xaa: {  	[sflag:s0] =	ssyncset.done @!p0 $0x0  }
0xab: {  	[sflag:s0] =	ssyncadd.s32 @!p0 $0xFFFFFC00  }
0xac: {  	_ =	swait.ge @!p0 [sflag:s0], $0x400  }
0xad: {  	[sflag:s0] =	ssyncset.done @!p0 $0x0  }
0xae: {  	[sflag:s0] =	ssyncadd.s32 @!p0 $0xFFFFFC00  }
0xaf: {  	_ =	swait.ge @!p0 [sflag:s0], $0x400  }
0xb0: {  	[sflag:s0] =	ssyncset.done @!p0 $0x0  }
0xb1: {  	[sflag:s0] =	ssyncadd.s32 @!p0 $0xFFFFFC00  }
0xb2: {  	_ =	swait.ge @!p0 [sflag:s0], $0x400  }
0xb3: {  	[sflag:s0] =	ssyncset.done @!p0 $0x0  }
0xb4: {  	[sflag:s0] =	ssyncadd.s32 @!p0 $0xFFFFFC00  }
0xb5: {  	_ =	swait.ge @!p0 [sflag:s0], $0x400  }
0xb6: {  	[sflag:s0] =	ssyncset.done @!p0 $0x0  }
0xb7: {  	[sflag:s0] =	ssyncadd.s32 @!p0 $0xFFFFFC00  }
0xb8: {  	_ =	swait.ge @!p0 [sflag:s0], $0x400  }
0xb9: {  	[sflag:s0] =	ssyncset.done @!p0 $0x0  }
0xba: {  	[sflag:s0] =	ssyncadd.s32 @!p0 $0xFFFFFC00  }
0xbb: {  	_ =	swait.ge @!p0 [sflag:s0], $0x400  }
0xbc: {  	[sflag:s0] =	ssyncset.done @!p0 $0x0  }
0xbd: {  	[sflag:s0] =	ssyncadd.s32 @!p0 $0xFFFFFC00  }
0xbe: {  	_ =	swait.ge @!p0 [sflag:s0], $0x400  }
0xbf: {  	s11 =	simm.s32 @!p0 $0x80;
	[sflag:s0] =	ssyncset.done @!p0 $0x0  }
0xc0: {  	s1 =	simm.s32 @!p0 $0x100;
	s12 =	simm.s32 @!p0 $0xC800;
	[sflag:s0] =	ssyncadd.s32 @!p0 $0xFFFFFC00  }
0xc1: {  	[tilespmem:s12], [sflag:$0x1] =	stream.indirect.gather @!p0 [hbm4b:s4+s11], $0x8, s1, s11, $0xb8;
	[tilespmem:$0x10800] =	vst v63  }
0xc2: {  	s0 =	simm.s32 @!p0 $0x1A00;
	s1 =	simm.s32 @!p0 $0xD000  }
0xc3: {  	[tilespmem:s1], [sflag:$0x1] =	stream.indirect.gather @!p0 [hbm4b:s5+s11], $0x8, s0, s11, $0xb8;
	[tilespmem:$0x10800] =	vst v63  }
0xc4: {  	s0 =	simm.s32 @!p0 $0x3300;
	s1 =	simm.s32 @!p0 $0xD800  }
0xc5: {  	[tilespmem:s1], [sflag:$0x1] =	stream.indirect.gather @!p0 [hbm4b:s6+s11], $0x8, s0, s11, $0xb8;
	[tilespmem:$0x10800] =	vst v63  }
0xc6: {  	s0 =	simm.s32 @!p0 $0x4C00;
	s1 =	simm.s32 @!p0 $0xE000  }
0xc7: {  	[tilespmem:s1], [sflag:$0x1] =	stream.indirect.gather @!p0 [hbm4b:s7+s11], $0x8, s0, s11, $0xb8;
	[tilespmem:$0x10800] =	vst v63  }
0xc8: {  	s0 =	simm.s32 @!p0 $0x6500;
	s1 =	simm.s32 @!p0 $0xE800  }
0xc9: {  	[tilespmem:s1], [sflag:$0x1] =	stream.indirect.gather @!p0 [hbm4b:s8+s11], $0x8, s0, s11, $0xb8;
	[tilespmem:$0x10800] =	vst v63  }
0xca: {  	s0 =	simm.s32 @!p0 $0x7E00;
	s1 =	simm.s32 @!p0 $0xF000  }
0xcb: {  	[tilespmem:s1], [sflag:$0x1] =	stream.indirect.gather @!p0 [hbm4b:s9+s11], $0x8, s0, s11, $0xb8;
	[tilespmem:$0x10800] =	vst v63  }
0xcc: {  	s0 =	simm.s32 @!p0 $0x9700;
	s1 =	simm.s32 @!p0 $0xF800  }
0xcd: {  	[tilespmem:s1], [sflag:$0x1] =	stream.indirect.gather @!p0 [hbm4b:s10+s11], $0x8, s0, s11, $0xb8;
	[tilespmem:$0x10800] =	vst v63  }
0xce: {  	s0 =	simm.s32 @!p0 $0xB000;
	s1 =	simm.s32 @!p0 $0x10000  }
0xcf: {  	[tilespmem:s1], [sflag:$0x1] =	stream.indirect.gather @!p0 [hbm4b:s25+s11], $0x8, s0, s11, $0xb8;
	[tilespmem:$0x10800] =	vst v63  }
0xd0: {  	_ =	swait.ge [sflag:s17], $0x400  }
0xd1: {  	[sflag:s17] =	ssyncset.done $0x0  }
0xd2: {  	[sflag:s17] =	ssyncadd.s32 $0xFFFFFC00  }
0xd3: {  	_ =	swait.ge [sflag:s17], $0x400  }
0xd4: {  	[sflag:s17] =	ssyncset.done $0x0  }
0xd5: {  	[sflag:s17] =	ssyncadd.s32 $0xFFFFFC00  }
0xd6: {  	_ =	swait.ge [sflag:s17], $0x400  }
0xd7: {  	[sflag:s17] =	ssyncset.done $0x0  }
0xd8: {  	[sflag:s17] =	ssyncadd.s32 $0xFFFFFC00  }
0xd9: {  	_ =	swait.ge [sflag:s17], $0x400  }
0xda: {  	[sflag:s17] =	ssyncset.done $0x0  }
0xdb: {  	[sflag:s17] =	ssyncadd.s32 $0xFFFFFC00  }
0xdc: {  	_ =	swait.ge [sflag:s17], $0x400  }
0xdd: {  	[sflag:s17] =	ssyncset.done $0x0  }
0xde: {  	[sflag:s17] =	ssyncadd.s32 $0xFFFFFC00  }
0xdf: {  	_ =	swait.ge [sflag:s17], $0x400  }
0xe0: {  	[sflag:s17] =	ssyncset.done $0x0  }
0xe1: {  	[sflag:s17] =	ssyncadd.s32 $0xFFFFFC00  }
0xe2: {  	_ =	swait.ge [sflag:s17], $0x400  }
0xe3: {  	[sflag:s17] =	ssyncset.done $0x0  }
0xe4: {  	[sflag:s17] =	ssyncadd.s32 $0xFFFFFC00  }
0xe5: {  	_ =	swait.ge [sflag:s17], $0x400  }
0xe6: {  	s14 =	rddreg [dreg:$0x11]  }
0xe7: {  	[sflag:s17] =	ssyncset.done $0x0;
	s15 =	rddreg [dreg:$0x10]  }
0xe8: {  	s16 =	rddreg [dreg:$0xf];
	[sflag:s17] =	ssyncadd.s32 $0xFFFFFC00;
	s0 =	sadd.s32 $0x0, s14  }
0xe9: {  	[hbm4b:s0+s2] =	stream.linear.scatter [tilespmem:s18], [sflag:$0x4], $0x400, $0x38;
	[tilespmem:$0x10800] =	vst v63  }
0xea: {  	s19 =	rddreg [dreg:$0xe];
	s1 =	sadd.s32 $0x0, s15  }
0xeb: {  	[hbm4b:s1+s2] =	stream.linear.scatter [tilespmem:s22], [sflag:$0x4], $0x400, $0x38;
	[tilespmem:$0x10800] =	vst v63  }
0xec: {  	p6 =	por $0x0, $0x0;
	s21 =	rddreg [dreg:$0xd];
	s20 =	sadd.s32 $0x0, s16  }
0xed: {  	[hbm4b:s20+s2] =	stream.linear.scatter [tilespmem:s23], [sflag:$0x4], $0x400, $0x38;
	[tilespmem:$0x10800] =	vst v63  }
0xee: {  	p0 =	por p6, p6;
	s30 =	rddreg [dreg:$0xa];
	s0 =	sadd.s32 $0x0, s19  }
0xef: {  	[hbm4b:s0+s2] =	stream.linear.scatter [tilespmem:s24], [sflag:$0x4], $0x400, $0x38;
	[tilespmem:$0x10800] =	vst v63  }
0xf0: {  	s19 =	simm.s32 $0x200;
	s22 =	rddreg [dreg:$0xc];
	s23 =	sadd.s32 $0x0, s21  }
0xf1: {  	[hbm4b:s23+s2] =	stream.linear.scatter [tilespmem:s3], [sflag:$0x4], $0x400, $0x38;
	[tilespmem:$0x10800] =	vst v63  }
0xf2: {  	s18 =	simm.s32 $0x400;
	s25 =	sadd.s32 $0x0, s22;
	s24 =	rddreg [dreg:$0xb]  }
0xf3: {  	[hbm4b:s25+s2] =	stream.linear.scatter [tilespmem:s26], [sflag:$0x4], $0x400, $0x38;
	[tilespmem:$0x10800] =	vst v63  }
0xf4: {  	s20 =	simm.s32 $0x100;
	s0 =	sadd.s32 $0x0, s30;
	s31 =	sadd.s32 $0x0, s24  }
0xf5: {  	[hbm4b:s31+s2] =	stream.linear.scatter [tilespmem:s29], [sflag:$0x4], $0x400, $0x38;
	[tilespmem:$0x10800] =	vst v63  }
.LBB2_2:
0xf6: {  	s1 =	simm.s32 @!p0 $0x4;
	s12 =	simm.s32 $0x10400  }
0xf7: {  	[hbm4b:s0+s2] =	stream.linear.scatter [tilespmem:s12], [sflag:$0x4], $0x400, $0x38;
	[tilespmem:$0x10800] =	vst v63  }
0xf8: {  	_ =	swait.ge @!p0 [sflag:s1], $0x400  }
0xf9: {  	[sflag:s1] =	ssyncset.done @!p0 $0x0  }
0xfa: {  	[sflag:s1] =	ssyncadd.s32 @!p0 $0xFFFFFC00  }
0xfb: {  	_ =	swait.ge @!p0 [sflag:s1], $0x400  }
0xfc: {  	[sflag:s1] =	ssyncset.done @!p0 $0x0  }
0xfd: {  	[sflag:s1] =	ssyncadd.s32 @!p0 $0xFFFFFC00  }
0xfe: {  	_ =	swait.ge @!p0 [sflag:s1], $0x400  }
0xff: {  	[sflag:s1] =	ssyncset.done @!p0 $0x0  }
0x100: {  	[sflag:s1] =	ssyncadd.s32 @!p0 $0xFFFFFC00  }
0x101: {  	_ =	swait.ge @!p0 [sflag:s1], $0x400  }
0x102: {  	[sflag:s1] =	ssyncset.done @!p0 $0x0  }
0x103: {  	[sflag:s1] =	ssyncadd.s32 @!p0 $0xFFFFFC00  }
0x104: {  	_ =	swait.ge @!p0 [sflag:s1], $0x400  }
0x105: {  	[sflag:s1] =	ssyncset.done @!p0 $0x0  }
0x106: {  	[sflag:s1] =	ssyncadd.s32 @!p0 $0xFFFFFC00  }
0x107: {  	_ =	swait.ge @!p0 [sflag:s1], $0x400  }
0x108: {  	[sflag:s1] =	ssyncset.done @!p0 $0x0  }
0x109: {  	[sflag:s1] =	ssyncadd.s32 @!p0 $0xFFFFFC00  }
0x10a: {  	_ =	swait.ge @!p0 [sflag:s1], $0x400  }
0x10b: {  	[sflag:s1] =	ssyncset.done @!p0 $0x0  }
0x10c: {  	[sflag:s1] =	ssyncadd.s32 @!p0 $0xFFFFFC00  }
0x10d: {  	s23 =	simm.s32 $0xCC00;
	_ =	swait.ge @!p0 [sflag:s1], $0x400  }
0x10e: {  	s11 =	simm.s32 $0x80;
	s0 =	sshra.s32 s18, $0x2;
	[sflag:s1] =	ssyncset.done @!p0 $0x0  }
0x10f: {  	s14 =	sadd.s32 $0x80, s0;
	s4 =	rddreg [dreg:$0x12];
	[sflag:s1] =	ssyncadd.s32 @!p0 $0xFFFFFC00  }
0x110: {  	[tilespmem:s23], [sflag:$0x2] =	stream.indirect.gather [hbm4b:s4+s11], $0x8, s14, s11, $0xb8;
	[tilespmem:$0x10800] =	vst v63  }
0x111: {  	s24 =	simm.s32 $0xD400;
	s15 =	sadd.s32 $0x1980, s0;
	s5 =	rddreg [dreg:$0x13]  }
0x112: {  	[tilespmem:s24], [sflag:$0x2] =	stream.indirect.gather [hbm4b:s5+s11], $0x8, s15, s11, $0xb8;
	[tilespmem:$0x10800] =	vst v63  }
0x113: {  	s25 =	simm.s32 $0xDC00;
	s16 =	sadd.s32 $0x3280, s0;
	s6 =	rddreg [dreg:$0x14]  }
0x114: {  	[tilespmem:s25], [sflag:$0x2] =	stream.indirect.gather [hbm4b:s6+s11], $0x8, s16, s11, $0xb8;
	[tilespmem:$0x10800] =	vst v63  }
0x115: {  	s26 =	simm.s32 $0xE400;
	s21 =	sadd.s32 $0x4B80, s0;
	s7 =	rddreg [dreg:$0x15]  }
0x116: {  	[tilespmem:s26], [sflag:$0x2] =	stream.indirect.gather [hbm4b:s7+s11], $0x8, s21, s11, $0xb8;
	[tilespmem:$0x10800] =	vst v63  }
0x117: {  	s3 =	simm.s32 $0xEC00;
	s22 =	sadd.s32 $0x6480, s0;
	s8 =	rddreg [dreg:$0x16]  }
0x118: {  	[tilespmem:s3], [sflag:$0x2] =	stream.indirect.gather [hbm4b:s8+s11], $0x8, s22, s11, $0xb8;
	[tilespmem:$0x10800] =	vst v63  }
0x119: {  	s29 =	sadd.s32 $0x7D80, s0;
	s9 =	rddreg [dreg:$0x17];
	s3 =	simm.s32 $0xF400  }
0x11a: {  	[tilespmem:s3], [sflag:$0x2] =	stream.indirect.gather [hbm4b:s9+s11], $0x8, s29, s11, $0xb8;
	[tilespmem:$0x10800] =	vst v63  }
0x11b: {  	s13 =	simm.s32 $0xFC00;
	s31 =	sadd.s32 $0x9680, s0;
	s10 =	rddreg [dreg:$0x18]  }
0x11c: {  	[tilespmem:s13], [sflag:$0x2] =	stream.indirect.gather [hbm4b:s10+s11], $0x8, s31, s11, $0xb8;
	[tilespmem:$0x10800] =	vst v63  }
0x11d: {  	s0 =	sadd.s32 $0xAF80, s0;
	s29 =	rddreg [dreg:$0x19]  }
0x11e: {  	[tilespmem:s12], [sflag:$0x2] =	stream.indirect.gather [hbm4b:s29+s11], $0x8, s0, s11, $0xb8;
	[tilespmem:$0x10800] =	vst v63  }
0x11f: {  	_ =	swait.ge [sflag:s28], $0x400  }
0x120: {  	[sflag:s28] =	ssyncset.done $0x0  }
0x121: {  	[sflag:s28] =	ssyncadd.s32 $0xFFFFFC00  }
0x122: {  	_ =	swait.ge [sflag:s28], $0x400  }
0x123: {  	[sflag:s28] =	ssyncset.done $0x0  }
0x124: {  	[sflag:s28] =	ssyncadd.s32 $0xFFFFFC00  }
0x125: {  	_ =	swait.ge [sflag:s28], $0x400  }
0x126: {  	[sflag:s28] =	ssyncset.done $0x0  }
0x127: {  	[sflag:s28] =	ssyncadd.s32 $0xFFFFFC00  }
0x128: {  	_ =	swait.ge [sflag:s28], $0x400  }
0x129: {  	[sflag:s28] =	ssyncset.done $0x0  }
0x12a: {  	[sflag:s28] =	ssyncadd.s32 $0xFFFFFC00  }
0x12b: {  	_ =	swait.ge [sflag:s28], $0x400  }
0x12c: {  	[sflag:s28] =	ssyncset.done $0x0  }
0x12d: {  	[sflag:s28] =	ssyncadd.s32 $0xFFFFFC00  }
0x12e: {  	_ =	swait.ge [sflag:s28], $0x400  }
0x12f: {  	[sflag:s28] =	ssyncset.done $0x0  }
0x130: {  	[sflag:s28] =	ssyncadd.s32 $0xFFFFFC00  }
0x131: {  	_ =	swait.ge [sflag:s28], $0x400  }
0x132: {  	[sflag:s28] =	ssyncset.done $0x0  }
0x133: {  	p2 =	seq.s32 s19, $0x0;
	[sflag:s28] =	ssyncadd.s32 $0xFFFFFC00  }
0x134: {  	p0 =	por p2, p2;
	p2 =	seq.s32 s20, $0x1800;
	_ =	swait.ge [sflag:s28], $0x400  }
0x135: {  	s14 =	simm.s32 $0xC800;
	s1 =	rddreg [dreg:$0x9];
	[sflag:s28] =	ssyncset.done $0x0  }
0x136: {  	s11 =	rddreg [dreg:$0x8];
	[sflag:s28] =	ssyncadd.s32 $0xFFFFFC00;
	s0 =	sadd.s32 s20, s1  }
0x137: {  	[hbm4b:s0+s2] =	stream.linear.scatter [tilespmem:s14], [sflag:$0x3], $0x400, $0x38;
	[tilespmem:$0x10800] =	vst v63  }
0x138: {  	s21 =	simm.s32 $0xD000;
	s13 =	rddreg [dreg:$0x7];
	s15 =	sadd.s32 s20, s11  }
0x139: {  	[hbm4b:s15+s2] =	stream.linear.scatter [tilespmem:s21], [sflag:$0x3], $0x400, $0x38;
	[tilespmem:$0x10800] =	vst v63  }
0x13a: {  	s16 =	rddreg [dreg:$0x6];
	s22 =	sadd.s32 s20, s13;
	s13 =	simm.s32 $0xD800  }
0x13b: {  	[hbm4b:s22+s2] =	stream.linear.scatter [tilespmem:s13], [sflag:$0x3], $0x400, $0x38;
	[tilespmem:$0x10800] =	vst v63  }
0x13c: {  	s31 =	rddreg [dreg:$0x5];
	s14 =	sadd.s32 s20, s16;
	s16 =	simm.s32 $0xE000  }
0x13d: {  	[hbm4b:s14+s2] =	stream.linear.scatter [tilespmem:s16], [sflag:$0x3], $0x400, $0x38;
	[tilespmem:$0x10800] =	vst v63  }
0x13e: {  	s15 =	rddreg [dreg:$0x4];
	s21 =	sadd.s32 s20, s31;
	s31 =	simm.s32 $0xE800  }
0x13f: {  	[hbm4b:s21+s2] =	stream.linear.scatter [tilespmem:s31], [sflag:$0x3], $0x400, $0x38;
	[tilespmem:$0x10800] =	vst v63  }
0x140: {  	s22 =	rddreg [dreg:$0x3];
	s13 =	sadd.s32 s20, s15;
	s15 =	simm.s32 $0xF000  }
0x141: {  	[hbm4b:s13+s2] =	stream.linear.scatter [tilespmem:s15], [sflag:$0x3], $0x400, $0x38;
	[tilespmem:$0x10800] =	vst v63  }
0x142: {  	s14 =	rddreg [dreg:$0x2];
	s16 =	sadd.s32 s20, s22;
	s21 =	simm.s32 $0xF800  }
0x143: {  	[hbm4b:s16+s2] =	stream.linear.scatter [tilespmem:s21], [sflag:$0x3], $0x400, $0x38;
	[tilespmem:$0x10800] =	vst v63  }
0x144: {  	s22 =	sadd.s32 s20, s14;
	s31 =	simm.s32 $0x10000;
	s13 =	simm.s32 @!p2 $0x3  }
0x145: {  	[hbm4b:s22+s2] =	stream.linear.scatter [tilespmem:s31], [sflag:$0x3], $0x400, $0x38;
	[tilespmem:$0x10800] =	vst v63  }
0x146: {  	_ =	swait.ge @!p2 [sflag:s13], $0x400  }
0x147: {  	[sflag:s13] =	ssyncset.done @!p2 $0x0  }
0x148: {  	[sflag:s13] =	ssyncadd.s32 @!p2 $0xFFFFFC00  }
0x149: {  	_ =	swait.ge @!p2 [sflag:s13], $0x400  }
0x14a: {  	[sflag:s13] =	ssyncset.done @!p2 $0x0  }
0x14b: {  	[sflag:s13] =	ssyncadd.s32 @!p2 $0xFFFFFC00  }
0x14c: {  	_ =	swait.ge @!p2 [sflag:s13], $0x400  }
0x14d: {  	[sflag:s13] =	ssyncset.done @!p2 $0x0  }
0x14e: {  	[sflag:s13] =	ssyncadd.s32 @!p2 $0xFFFFFC00  }
0x14f: {  	_ =	swait.ge @!p2 [sflag:s13], $0x400  }
0x150: {  	[sflag:s13] =	ssyncset.done @!p2 $0x0  }
0x151: {  	[sflag:s13] =	ssyncadd.s32 @!p2 $0xFFFFFC00  }
0x152: {  	_ =	swait.ge @!p2 [sflag:s13], $0x400  }
0x153: {  	[sflag:s13] =	ssyncset.done @!p2 $0x0  }
0x154: {  	[sflag:s13] =	ssyncadd.s32 @!p2 $0xFFFFFC00  }
0x155: {  	_ =	swait.ge @!p2 [sflag:s13], $0x400  }
0x156: {  	[sflag:s13] =	ssyncset.done @!p2 $0x0  }
0x157: {  	[sflag:s13] =	ssyncadd.s32 @!p2 $0xFFFFFC00  }
0x158: {  	_ =	swait.ge @!p2 [sflag:s13], $0x400  }
0x159: {  	[sflag:s13] =	ssyncset.done @!p2 $0x0  }
0x15a: {  	[sflag:s13] =	ssyncadd.s32 @!p2 $0xFFFFFC00  }
0x15b: {  	_ =	swait.ge @!p2 [sflag:s13], $0x400  }
0x15c: {  	s21 =	simm.s32 @!p2 $0x80;
	s31 =	sshra.s32 @!p2 s18, $0x2;
	[sflag:s13] =	ssyncset.done @!p2 $0x0  }
0x15d: {  	s22 =	simm.s32 @!p2 $0xC800;
	s14 =	sadd.s32 @!p2 $0x100, s31;
	[sflag:s13] =	ssyncadd.s32 @!p2 $0xFFFFFC00  }
0x15e: {  	[tilespmem:s22], [sflag:$0x1] =	stream.indirect.gather @!p2 [hbm4b:s4+s21], $0x8, s14, s21, $0xb8;
	[tilespmem:$0x10800] =	vst v63  }
0x15f: {  	s15 =	sadd.s32 @!p2 $0x1A00, s31;
	s13 =	simm.s32 @!p2 $0xD000  }
0x160: {  	[tilespmem:s13], [sflag:$0x1] =	stream.indirect.gather @!p2 [hbm4b:s5+s21], $0x8, s15, s21, $0xb8;
	[tilespmem:$0x10800] =	vst v63  }
0x161: {  	s16 =	sadd.s32 @!p2 $0x3300, s31;
	s14 =	simm.s32 @!p2 $0xD800  }
0x162: {  	[tilespmem:s14], [sflag:$0x1] =	stream.indirect.gather @!p2 [hbm4b:s6+s21], $0x8, s16, s21, $0xb8;
	[tilespmem:$0x10800] =	vst v63  }
0x163: {  	s12 =	sadd.s32 @!p2 $0x4C00, s31;
	s13 =	simm.s32 @!p2 $0xE000  }
0x164: {  	[tilespmem:s13], [sflag:$0x1] =	stream.indirect.gather @!p2 [hbm4b:s7+s21], $0x8, s12, s21, $0xb8;
	[tilespmem:$0x10800] =	vst v63  }
0x165: {  	s11 =	sadd.s32 @!p2 $0x6500, s31;
	s14 =	simm.s32 @!p2 $0xE800  }
0x166: {  	[tilespmem:s14], [sflag:$0x1] =	stream.indirect.gather @!p2 [hbm4b:s8+s21], $0x8, s11, s21, $0xb8;
	[tilespmem:$0x10800] =	vst v63  }
0x167: {  	s0 =	sadd.s32 @!p2 $0x7E00, s31;
	s12 =	simm.s32 @!p2 $0xF000  }
0x168: {  	[tilespmem:s12], [sflag:$0x1] =	stream.indirect.gather @!p2 [hbm4b:s9+s21], $0x8, s0, s21, $0xb8;
	[tilespmem:$0x10800] =	vst v63  }
0x169: {  	s1 =	sadd.s32 @!p2 $0x9700, s31;
	s11 =	simm.s32 @!p2 $0xF800  }
0x16a: {  	[tilespmem:s11], [sflag:$0x1] =	stream.indirect.gather @!p2 [hbm4b:s10+s21], $0x8, s1, s21, $0xb8;
	[tilespmem:$0x10800] =	vst v63  }
0x16b: {  	s31 =	sadd.s32 @!p2 $0xB000, s31;
	s0 =	simm.s32 @!p2 $0x10000  }
0x16c: {  	[tilespmem:s0], [sflag:$0x1] =	stream.indirect.gather @!p2 [hbm4b:s29+s21], $0x8, s31, s21, $0xb8;
	[tilespmem:$0x10800] =	vst v63  }
0x16d: {  	_ =	swait.ge [sflag:s17], $0x400  }
0x16e: {  	[sflag:s17] =	ssyncset.done $0x0  }
0x16f: {  	[sflag:s17] =	ssyncadd.s32 $0xFFFFFC00  }
0x170: {  	_ =	swait.ge [sflag:s17], $0x400  }
0x171: {  	[sflag:s17] =	ssyncset.done $0x0  }
0x172: {  	[sflag:s17] =	ssyncadd.s32 $0xFFFFFC00  }
0x173: {  	_ =	swait.ge [sflag:s17], $0x400  }
0x174: {  	[sflag:s17] =	ssyncset.done $0x0  }
0x175: {  	[sflag:s17] =	ssyncadd.s32 $0xFFFFFC00  }
0x176: {  	_ =	swait.ge [sflag:s17], $0x400  }
0x177: {  	[sflag:s17] =	ssyncset.done $0x0  }
0x178: {  	[sflag:s17] =	ssyncadd.s32 $0xFFFFFC00  }
0x179: {  	_ =	swait.ge [sflag:s17], $0x400  }
0x17a: {  	[sflag:s17] =	ssyncset.done $0x0  }
0x17b: {  	[sflag:s17] =	ssyncadd.s32 $0xFFFFFC00  }
0x17c: {  	_ =	swait.ge [sflag:s17], $0x400  }
0x17d: {  	[sflag:s17] =	ssyncset.done $0x0  }
0x17e: {  	[sflag:s17] =	ssyncadd.s32 $0xFFFFFC00  }
0x17f: {  	_ =	swait.ge [sflag:s17], $0x400  }
0x180: {  	[sflag:s17] =	ssyncset.done $0x0  }
0x181: {  	[sflag:s17] =	ssyncadd.s32 $0xFFFFFC00  }
0x182: {  	_ =	swait.ge [sflag:s17], $0x400  }
0x183: {  	s7 =	rddreg [dreg:$0x11];
	[sflag:s17] =	ssyncset.done $0x0  }
0x184: {  	s8 =	rddreg [dreg:$0x10];
	[sflag:s17] =	ssyncadd.s32 $0xFFFFFC00;
	s0 =	sadd.s32 s20, s7  }
0x185: {  	[hbm4b:s0+s2] =	stream.linear.scatter [tilespmem:s23], [sflag:$0x4], $0x400, $0x38;
	[tilespmem:$0x10800] =	vst v63  }
0x186: {  	s30 =	smov.u32 s19;
	s9 =	rddreg [dreg:$0xf];
	s13 =	sadd.s32 s20, s8  }
0x187: {  	[hbm4b:s13+s2] =	stream.linear.scatter [tilespmem:s24], [sflag:$0x4], $0x400, $0x38;
	[tilespmem:$0x10800] =	vst v63  }
0x188: {  	s19 =	sadd.s32 $0x100, s19;
	s10 =	rddreg [dreg:$0xe];
	s14 =	sadd.s32 s20, s9  }
0x189: {  	[hbm4b:s14+s2] =	stream.linear.scatter [tilespmem:s25], [sflag:$0x4], $0x400, $0x38;
	[tilespmem:$0x10800] =	vst v63  }
0x18a: {  	p1 =	sne.s32 s19, $0x1900;
	s15 =	rddreg [dreg:$0xd];
	s16 =	sadd.s32 s20, s10  }
0x18b: {  	[hbm4b:s16+s2] =	stream.linear.scatter [tilespmem:s26], [sflag:$0x4], $0x400, $0x38;
	[tilespmem:$0x10800] =	vst v63  }
0x18c: {  	s21 =	rddreg [dreg:$0xc];
	s22 =	sadd.s32 s20, s15;
	s26 =	simm.s32 $0xEC00  }
0x18d: {  	[hbm4b:s22+s2] =	stream.linear.scatter [tilespmem:s26], [sflag:$0x4], $0x400, $0x38;
	[tilespmem:$0x10800] =	vst v63  }
.Ltmp0:
0x18e: {  	s18 =	sadd.s32 $0x400, s18;
	s23 =	rddreg [dreg:$0xb];
	(pc) =	sbr.rel @p1 .LBB2_2-.Ltmp0, $4  }
0x18f: {  	s31 =	simm.s32 $0xFC00;
	s24 =	sadd.s32 s20, s21;
	s25 =	rddreg [dreg:$0xa]  }
0x190: {  	[hbm4b:s24+s2] =	stream.linear.scatter [tilespmem:s3], [sflag:$0x4], $0x400, $0x38;
	[tilespmem:$0x10800] =	vst v63  }
0x191: {  	s29 =	sadd.s32 s20, s23;
	s0 =	sadd.s32 s20, s25;
	s20 =	smov.u32 s30  }
0x192: {  	[hbm4b:s29+s2] =	stream.linear.scatter [tilespmem:s31], [sflag:$0x4], $0x400, $0x38;
	[tilespmem:$0x10800] =	vst v63  }
0x193: {  	s1 =	simm.s32 @!p0 $0x4;
	s23 =	simm.s32 $0x10400  }
0x194: {  	[hbm4b:s0+s2] =	stream.linear.scatter [tilespmem:s23], [sflag:$0x4], $0x400, $0x38;
	[tilespmem:$0x10800] =	vst v63  }
0x195: {  	_ =	swait.ge @!p0 [sflag:s1], $0x400  }
0x196: {  	[sflag:s1] =	ssyncset.done @!p0 $0x0  }
0x197: {  	[sflag:s1] =	ssyncadd.s32 @!p0 $0xFFFFFC00  }
0x198: {  	_ =	swait.ge @!p0 [sflag:s1], $0x400  }
0x199: {  	[sflag:s1] =	ssyncset.done @!p0 $0x0  }
0x19a: {  	[sflag:s1] =	ssyncadd.s32 @!p0 $0xFFFFFC00  }
0x19b: {  	_ =	swait.ge @!p0 [sflag:s1], $0x400  }
0x19c: {  	[sflag:s1] =	ssyncset.done @!p0 $0x0  }
0x19d: {  	[sflag:s1] =	ssyncadd.s32 @!p0 $0xFFFFFC00  }
0x19e: {  	_ =	swait.ge @!p0 [sflag:s1], $0x400  }
0x19f: {  	[sflag:s1] =	ssyncset.done @!p0 $0x0  }
0x1a0: {  	[sflag:s1] =	ssyncadd.s32 @!p0 $0xFFFFFC00  }
0x1a1: {  	_ =	swait.ge @!p0 [sflag:s1], $0x400  }
0x1a2: {  	[sflag:s1] =	ssyncset.done @!p0 $0x0  }
0x1a3: {  	[sflag:s1] =	ssyncadd.s32 @!p0 $0xFFFFFC00  }
0x1a4: {  	_ =	swait.ge @!p0 [sflag:s1], $0x400  }
0x1a5: {  	[sflag:s1] =	ssyncset.done @!p0 $0x0  }
0x1a6: {  	[sflag:s1] =	ssyncadd.s32 @!p0 $0xFFFFFC00  }
0x1a7: {  	_ =	swait.ge @!p0 [sflag:s1], $0x400  }
0x1a8: {  	[sflag:s1] =	ssyncset.done @!p0 $0x0  }
0x1a9: {  	[sflag:s1] =	ssyncadd.s32 @!p0 $0xFFFFFC00  }
0x1aa: {  	s19 =	sshra.s32 s18, $0x2;
	_ =	swait.ge @!p0 [sflag:s1], $0x400  }
0x1ab: {  	s13 =	simm.s32 $0xCC00;
	s11 =	simm.s32 $0x80;
	[sflag:s1] =	ssyncset.done @!p0 $0x0  }
0x1ac: {  	s21 =	sadd.s32 $0x80, s19;
	s4 =	rddreg [dreg:$0x12];
	[sflag:s1] =	ssyncadd.s32 @!p0 $0xFFFFFC00  }
0x1ad: {  	[tilespmem:s13], [sflag:$0x2] =	stream.indirect.gather [hbm4b:s4+s11], $0x8, s21, s11, $0xb8;
	[tilespmem:$0x10800] =	vst v63  }
0x1ae: {  	s14 =	simm.s32 $0xD400;
	s22 =	sadd.s32 $0x1980, s19;
	s5 =	rddreg [dreg:$0x13]  }
0x1af: {  	[tilespmem:s14], [sflag:$0x2] =	stream.indirect.gather [hbm4b:s5+s11], $0x8, s22, s11, $0xb8;
	[tilespmem:$0x10800] =	vst v63  }
0x1b0: {  	s15 =	simm.s32 $0xDC00;
	s24 =	sadd.s32 $0x3280, s19;
	s6 =	rddreg [dreg:$0x14]  }
0x1b1: {  	[tilespmem:s15], [sflag:$0x2] =	stream.indirect.gather [hbm4b:s6+s11], $0x8, s24, s11, $0xb8;
	[tilespmem:$0x10800] =	vst v63  }
0x1b2: {  	s16 =	simm.s32 $0xE400;
	s25 =	sadd.s32 $0x4B80, s19;
	s7 =	rddreg [dreg:$0x15]  }
0x1b3: {  	[tilespmem:s16], [sflag:$0x2] =	stream.indirect.gather [hbm4b:s7+s11], $0x8, s25, s11, $0xb8;
	[tilespmem:$0x10800] =	vst v63  }
0x1b4: {  	s3 =	simm.s32 $0xEC00;
	s26 =	sadd.s32 $0x6480, s19;
	s8 =	rddreg [dreg:$0x16]  }
0x1b5: {  	[tilespmem:s3], [sflag:$0x2] =	stream.indirect.gather [hbm4b:s8+s11], $0x8, s26, s11, $0xb8;
	[tilespmem:$0x10800] =	vst v63  }
0x1b6: {  	s29 =	sadd.s32 $0x7D80, s19;
	s9 =	rddreg [dreg:$0x17];
	s21 =	simm.s32 $0xF400  }
0x1b7: {  	[tilespmem:s21], [sflag:$0x2] =	stream.indirect.gather [hbm4b:s9+s11], $0x8, s29, s11, $0xb8;
	[tilespmem:$0x10800] =	vst v63  }
0x1b8: {  	s31 =	sadd.s32 $0x9680, s19;
	s10 =	rddreg [dreg:$0x18];
	s22 =	simm.s32 $0xFC00  }
0x1b9: {  	[tilespmem:s22], [sflag:$0x2] =	stream.indirect.gather [hbm4b:s10+s11], $0x8, s31, s11, $0xb8;
	[tilespmem:$0x10800] =	vst v63  }
0x1ba: {  	s0 =	sadd.s32 $0xAF80, s19;
	s19 =	rddreg [dreg:$0x19]  }
0x1bb: {  	[tilespmem:s23], [sflag:$0x2] =	stream.indirect.gather [hbm4b:s19+s11], $0x8, s0, s11, $0xb8;
	[tilespmem:$0x10800] =	vst v63  }
0x1bc: {  	_ =	swait.ge [sflag:s28], $0x400  }
0x1bd: {  	[sflag:s28] =	ssyncset.done $0x0  }
0x1be: {  	[sflag:s28] =	ssyncadd.s32 $0xFFFFFC00  }
0x1bf: {  	_ =	swait.ge [sflag:s28], $0x400  }
0x1c0: {  	[sflag:s28] =	ssyncset.done $0x0  }
0x1c1: {  	[sflag:s28] =	ssyncadd.s32 $0xFFFFFC00  }
0x1c2: {  	_ =	swait.ge [sflag:s28], $0x400  }
0x1c3: {  	[sflag:s28] =	ssyncset.done $0x0  }
0x1c4: {  	[sflag:s28] =	ssyncadd.s32 $0xFFFFFC00  }
0x1c5: {  	_ =	swait.ge [sflag:s28], $0x400  }
0x1c6: {  	[sflag:s28] =	ssyncset.done $0x0  }
0x1c7: {  	[sflag:s28] =	ssyncadd.s32 $0xFFFFFC00  }
0x1c8: {  	_ =	swait.ge [sflag:s28], $0x400  }
0x1c9: {  	[sflag:s28] =	ssyncset.done $0x0  }
0x1ca: {  	[sflag:s28] =	ssyncadd.s32 $0xFFFFFC00  }
0x1cb: {  	_ =	swait.ge [sflag:s28], $0x400  }
0x1cc: {  	[sflag:s28] =	ssyncset.done $0x0  }
0x1cd: {  	[sflag:s28] =	ssyncadd.s32 $0xFFFFFC00  }
0x1ce: {  	_ =	swait.ge [sflag:s28], $0x400  }
0x1cf: {  	[sflag:s28] =	ssyncset.done $0x0  }
0x1d0: {  	[sflag:s28] =	ssyncadd.s32 $0xFFFFFC00  }
0x1d1: {  	_ =	swait.ge [sflag:s28], $0x400  }
0x1d2: {  	s12 =	rddreg [dreg:$0x9]  }
0x1d3: {  	p0 =	seq.s32 s20, $0x1800;
	[sflag:s28] =	ssyncset.done $0x0;
	s24 =	rddreg [dreg:$0x8]  }
0x1d4: {  	[sflag:s28] =	ssyncadd.s32 $0xFFFFFC00;
	s0 =	sadd.s32 s20, s12;
	s12 =	simm.s32 $0xC800  }
0x1d5: {  	[hbm4b:s0+s2] =	stream.linear.scatter [tilespmem:s12], [sflag:$0x3], $0x400, $0x38;
	[tilespmem:$0x10800] =	vst v63  }
0x1d6: {  	s31 =	simm.s32 $0xD000;
	s25 =	rddreg [dreg:$0x7];
	s26 =	sadd.s32 s20, s24  }
0x1d7: {  	[hbm4b:s26+s2] =	stream.linear.scatter [tilespmem:s31], [sflag:$0x3], $0x400, $0x38;
	[tilespmem:$0x10800] =	vst v63  }
0x1d8: {  	s29 =	rddreg [dreg:$0x6];
	s12 =	sadd.s32 s20, s25;
	s25 =	simm.s32 $0xD800  }
0x1d9: {  	[hbm4b:s12+s2] =	stream.linear.scatter [tilespmem:s25], [sflag:$0x3], $0x400, $0x38;
	[tilespmem:$0x10800] =	vst v63  }
0x1da: {  	s24 =	rddreg [dreg:$0x5];
	s26 =	sadd.s32 s20, s29;
	s31 =	simm.s32 $0xE000  }
0x1db: {  	[hbm4b:s26+s2] =	stream.linear.scatter [tilespmem:s31], [sflag:$0x3], $0x400, $0x38;
	[tilespmem:$0x10800] =	vst v63  }
0x1dc: {  	s24 =	sadd.s32 s20, s24;
	s29 =	rddreg [dreg:$0x4];
	s26 =	simm.s32 $0xE800  }
0x1dd: {  	[hbm4b:s24+s2] =	stream.linear.scatter [tilespmem:s26], [sflag:$0x3], $0x400, $0x38;
	[tilespmem:$0x10800] =	vst v63  }
0x1de: {  	s29 =	sadd.s32 s20, s29;
	s25 =	rddreg [dreg:$0x3];
	s24 =	simm.s32 $0xF000  }
0x1df: {  	[hbm4b:s29+s2] =	stream.linear.scatter [tilespmem:s24], [sflag:$0x3], $0x400, $0x38;
	[tilespmem:$0x10800] =	vst v63  }
0x1e0: {  	s25 =	sadd.s32 s20, s25;
	s31 =	rddreg [dreg:$0x2];
	s26 =	simm.s32 $0xF800  }
0x1e1: {  	[hbm4b:s25+s2] =	stream.linear.scatter [tilespmem:s26], [sflag:$0x3], $0x400, $0x38;
	[tilespmem:$0x10800] =	vst v63  }
0x1e2: {  	s0 =	simm.s32 @!p0 $0x3;
	s29 =	sadd.s32 s20, s31;
	s31 =	simm.s32 $0x10000  }
0x1e3: {  	[hbm4b:s29+s2] =	stream.linear.scatter [tilespmem:s31], [sflag:$0x3], $0x400, $0x38;
	[tilespmem:$0x10800] =	vst v63  }
0x1e4: {  	_ =	swait.ge @!p0 [sflag:s0], $0x400  }
0x1e5: {  	[sflag:s0] =	ssyncset.done @!p0 $0x0  }
0x1e6: {  	[sflag:s0] =	ssyncadd.s32 @!p0 $0xFFFFFC00  }
0x1e7: {  	_ =	swait.ge @!p0 [sflag:s0], $0x400  }
0x1e8: {  	[sflag:s0] =	ssyncset.done @!p0 $0x0  }
0x1e9: {  	[sflag:s0] =	ssyncadd.s32 @!p0 $0xFFFFFC00  }
0x1ea: {  	_ =	swait.ge @!p0 [sflag:s0], $0x400  }
0x1eb: {  	[sflag:s0] =	ssyncset.done @!p0 $0x0  }
0x1ec: {  	[sflag:s0] =	ssyncadd.s32 @!p0 $0xFFFFFC00  }
0x1ed: {  	_ =	swait.ge @!p0 [sflag:s0], $0x400  }
0x1ee: {  	[sflag:s0] =	ssyncset.done @!p0 $0x0  }
0x1ef: {  	[sflag:s0] =	ssyncadd.s32 @!p0 $0xFFFFFC00  }
0x1f0: {  	_ =	swait.ge @!p0 [sflag:s0], $0x400  }
0x1f1: {  	[sflag:s0] =	ssyncset.done @!p0 $0x0  }
0x1f2: {  	[sflag:s0] =	ssyncadd.s32 @!p0 $0xFFFFFC00  }
0x1f3: {  	_ =	swait.ge @!p0 [sflag:s0], $0x400  }
0x1f4: {  	[sflag:s0] =	ssyncset.done @!p0 $0x0  }
0x1f5: {  	[sflag:s0] =	ssyncadd.s32 @!p0 $0xFFFFFC00  }
0x1f6: {  	_ =	swait.ge @!p0 [sflag:s0], $0x400  }
0x1f7: {  	[sflag:s0] =	ssyncset.done @!p0 $0x0  }
0x1f8: {  	[sflag:s0] =	ssyncadd.s32 @!p0 $0xFFFFFC00  }
0x1f9: {  	s1 =	sshra.s32 @!p0 s18, $0x2;
	_ =	swait.ge @!p0 [sflag:s0], $0x400  }
0x1fa: {  	s11 =	sadd.s32 @!p0 $0x100, s1;
	[sflag:s0] =	ssyncset.done @!p0 $0x0  }
0x1fb: {  	s12 =	simm.s32 @!p0 $0x80;
	[sflag:s0] =	ssyncadd.s32 @!p0 $0xFFFFFC00;
	s0 =	simm.s32 @!p0 $0xC800  }
0x1fc: {  	[tilespmem:s0], [sflag:$0x1] =	stream.indirect.gather @!p0 [hbm4b:s4+s12], $0x8, s11, s12, $0xb8;
	[tilespmem:$0x10800] =	vst v63  }
0x1fd: {  	s0 =	sadd.s32 @!p0 $0x1A00, s1;
	s11 =	simm.s32 @!p0 $0xD000  }
0x1fe: {  	[tilespmem:s11], [sflag:$0x1] =	stream.indirect.gather @!p0 [hbm4b:s5+s12], $0x8, s0, s12, $0xb8;
	[tilespmem:$0x10800] =	vst v63  }
0x1ff: {  	s0 =	sadd.s32 @!p0 $0x3300, s1;
	s11 =	simm.s32 @!p0 $0xD800  }
0x200: {  	[tilespmem:s11], [sflag:$0x1] =	stream.indirect.gather @!p0 [hbm4b:s6+s12], $0x8, s0, s12, $0xb8;
	[tilespmem:$0x10800] =	vst v63  }
0x201: {  	s0 =	sadd.s32 @!p0 $0x4C00, s1;
	s11 =	simm.s32 @!p0 $0xE000  }
0x202: {  	[tilespmem:s11], [sflag:$0x1] =	stream.indirect.gather @!p0 [hbm4b:s7+s12], $0x8, s0, s12, $0xb8;
	[tilespmem:$0x10800] =	vst v63  }
0x203: {  	s0 =	sadd.s32 @!p0 $0x6500, s1;
	s11 =	simm.s32 @!p0 $0xE800  }
0x204: {  	[tilespmem:s11], [sflag:$0x1] =	stream.indirect.gather @!p0 [hbm4b:s8+s12], $0x8, s0, s12, $0xb8;
	[tilespmem:$0x10800] =	vst v63  }
0x205: {  	s0 =	sadd.s32 @!p0 $0x7E00, s1;
	s11 =	simm.s32 @!p0 $0xF000  }
0x206: {  	[tilespmem:s11], [sflag:$0x1] =	stream.indirect.gather @!p0 [hbm4b:s9+s12], $0x8, s0, s12, $0xb8;
	[tilespmem:$0x10800] =	vst v63  }
0x207: {  	s0 =	sadd.s32 @!p0 $0x9700, s1;
	s11 =	simm.s32 @!p0 $0xF800  }
0x208: {  	[tilespmem:s11], [sflag:$0x1] =	stream.indirect.gather @!p0 [hbm4b:s10+s12], $0x8, s0, s12, $0xb8;
	[tilespmem:$0x10800] =	vst v63  }
0x209: {  	s0 =	sadd.s32 @!p0 $0xB000, s1;
	s1 =	simm.s32 @!p0 $0x10000  }
0x20a: {  	[tilespmem:s1], [sflag:$0x1] =	stream.indirect.gather @!p0 [hbm4b:s19+s12], $0x8, s0, s12, $0xb8;
	[tilespmem:$0x10800] =	vst v63  }
0x20b: {  	_ =	swait.ge [sflag:s17], $0x400  }
0x20c: {  	[sflag:s17] =	ssyncset.done $0x0  }
0x20d: {  	[sflag:s17] =	ssyncadd.s32 $0xFFFFFC00  }
0x20e: {  	_ =	swait.ge [sflag:s17], $0x400  }
0x20f: {  	[sflag:s17] =	ssyncset.done $0x0  }
0x210: {  	[sflag:s17] =	ssyncadd.s32 $0xFFFFFC00  }
0x211: {  	_ =	swait.ge [sflag:s17], $0x400  }
0x212: {  	[sflag:s17] =	ssyncset.done $0x0  }
0x213: {  	[sflag:s17] =	ssyncadd.s32 $0xFFFFFC00  }
0x214: {  	_ =	swait.ge [sflag:s17], $0x400  }
0x215: {  	[sflag:s17] =	ssyncset.done $0x0  }
0x216: {  	[sflag:s17] =	ssyncadd.s32 $0xFFFFFC00  }
0x217: {  	_ =	swait.ge [sflag:s17], $0x400  }
0x218: {  	[sflag:s17] =	ssyncset.done $0x0  }
0x219: {  	[sflag:s17] =	ssyncadd.s32 $0xFFFFFC00  }
0x21a: {  	_ =	swait.ge [sflag:s17], $0x400  }
0x21b: {  	[sflag:s17] =	ssyncset.done $0x0  }
0x21c: {  	[sflag:s17] =	ssyncadd.s32 $0xFFFFFC00  }
0x21d: {  	_ =	swait.ge [sflag:s17], $0x400  }
0x21e: {  	[sflag:s17] =	ssyncset.done $0x0  }
0x21f: {  	[sflag:s17] =	ssyncadd.s32 $0xFFFFFC00  }
0x220: {  	_ =	swait.ge [sflag:s17], $0x400  }
0x221: {  	s11 =	rddreg [dreg:$0x11];
	[sflag:s17] =	ssyncset.done $0x0  }
0x222: {  	s12 =	rddreg [dreg:$0x10];
	[sflag:s17] =	ssyncadd.s32 $0xFFFFFC00;
	s0 =	sadd.s32 s20, s11  }
0x223: {  	[hbm4b:s0+s2] =	stream.linear.scatter [tilespmem:s13], [sflag:$0x4], $0x400, $0x38;
	[tilespmem:$0x10800] =	vst v63  }
0x224: {  	s1 =	sadd.s32 s20, s12;
	s13 =	rddreg [dreg:$0xf]  }
0x225: {  	[hbm4b:s1+s2] =	stream.linear.scatter [tilespmem:s14], [sflag:$0x4], $0x400, $0x38;
	[tilespmem:$0x10800] =	vst v63  }
0x226: {  	s0 =	sadd.s32 s20, s13;
	s14 =	rddreg [dreg:$0xe]  }
0x227: {  	[hbm4b:s0+s2] =	stream.linear.scatter [tilespmem:s15], [sflag:$0x4], $0x400, $0x38;
	[tilespmem:$0x10800] =	vst v63  }
0x228: {  	s1 =	sadd.s32 s20, s14;
	s15 =	rddreg [dreg:$0xd]  }
0x229: {  	[hbm4b:s1+s2] =	stream.linear.scatter [tilespmem:s16], [sflag:$0x4], $0x400, $0x38;
	[tilespmem:$0x10800] =	vst v63  }
0x22a: {  	s18 =	rddreg [dreg:$0xc];
	s0 =	sadd.s32 s20, s15  }
0x22b: {  	[hbm4b:s0+s2] =	stream.linear.scatter [tilespmem:s3], [sflag:$0x4], $0x400, $0x38;
	[tilespmem:$0x10800] =	vst v63  }
0x22c: {  	s19 =	rddreg [dreg:$0xb];
	s1 =	sadd.s32 s20, s18  }
0x22d: {  	[hbm4b:s1+s2] =	stream.linear.scatter [tilespmem:s21], [sflag:$0x4], $0x400, $0x38;
	[tilespmem:$0x10800] =	vst v63  }
0x22e: {  	s0 =	sadd.s32 s20, s19;
	s21 =	rddreg [dreg:$0xa]  }
0x22f: {  	[hbm4b:s0+s2] =	stream.linear.scatter [tilespmem:s22], [sflag:$0x4], $0x400, $0x38;
	[tilespmem:$0x10800] =	vst v63  }
0x230: {  	s25 =	simm.s32 $0x3;
	s24 =	sadd.s32 s20, s21  }
0x231: {  	[hbm4b:s24+s2] =	stream.linear.scatter [tilespmem:s23], [sflag:$0x4], $0x400, $0x38;
	[tilespmem:$0x10800] =	vst v63  }
0x232: {  	_ =	swait.ge [sflag:s25], $0x400  }
0x233: {  	[sflag:s25] =	ssyncset.done $0x0  }
0x234: {  	[sflag:s25] =	ssyncadd.s32 $0xFFFFFC00  }
0x235: {  	_ =	swait.ge [sflag:s25], $0x400  }
0x236: {  	[sflag:s25] =	ssyncset.done $0x0  }
0x237: {  	[sflag:s25] =	ssyncadd.s32 $0xFFFFFC00  }
0x238: {  	_ =	swait.ge [sflag:s25], $0x400  }
0x239: {  	[sflag:s25] =	ssyncset.done $0x0  }
0x23a: {  	[sflag:s25] =	ssyncadd.s32 $0xFFFFFC00  }
0x23b: {  	_ =	swait.ge [sflag:s25], $0x400  }
0x23c: {  	[sflag:s25] =	ssyncset.done $0x0  }
0x23d: {  	[sflag:s25] =	ssyncadd.s32 $0xFFFFFC00  }
0x23e: {  	_ =	swait.ge [sflag:s25], $0x400  }
0x23f: {  	[sflag:s25] =	ssyncset.done $0x0  }
0x240: {  	[sflag:s25] =	ssyncadd.s32 $0xFFFFFC00  }
0x241: {  	_ =	swait.ge [sflag:s25], $0x400  }
0x242: {  	[sflag:s25] =	ssyncset.done $0x0  }
0x243: {  	[sflag:s25] =	ssyncadd.s32 $0xFFFFFC00  }
0x244: {  	_ =	swait.ge [sflag:s25], $0x400  }
0x245: {  	[sflag:s25] =	ssyncset.done $0x0  }
0x246: {  	[sflag:s25] =	ssyncadd.s32 $0xFFFFFC00  }
0x247: {  	_ =	swait.ge [sflag:s25], $0x400  }
0x248: {  	[sflag:s25] =	ssyncset.done $0x0  }
0x249: {  	s26 =	simm.s32 $0x4;
	[sflag:s25] =	ssyncadd.s32 $0xFFFFFC00  }
0x24a: {  	_ =	swait.ge [sflag:s26], $0x400  }
0x24b: {  	[sflag:s26] =	ssyncset.done $0x0  }
0x24c: {  	[sflag:s26] =	ssyncadd.s32 $0xFFFFFC00  }
0x24d: {  	_ =	swait.ge [sflag:s26], $0x400  }
0x24e: {  	[sflag:s26] =	ssyncset.done $0x0  }
0x24f: {  	[sflag:s26] =	ssyncadd.s32 $0xFFFFFC00  }
0x250: {  	_ =	swait.ge [sflag:s26], $0x400  }
0x251: {  	[sflag:s26] =	ssyncset.done $0x0  }
0x252: {  	[sflag:s26] =	ssyncadd.s32 $0xFFFFFC00  }
0x253: {  	_ =	swait.ge [sflag:s26], $0x400  }
0x254: {  	[sflag:s26] =	ssyncset.done $0x0  }
0x255: {  	[sflag:s26] =	ssyncadd.s32 $0xFFFFFC00  }
0x256: {  	_ =	swait.ge [sflag:s26], $0x400  }
0x257: {  	[sflag:s26] =	ssyncset.done $0x0  }
0x258: {  	[sflag:s26] =	ssyncadd.s32 $0xFFFFFC00  }
0x259: {  	_ =	swait.ge [sflag:s26], $0x400  }
0x25a: {  	[sflag:s26] =	ssyncset.done $0x0  }
0x25b: {  	[sflag:s26] =	ssyncadd.s32 $0xFFFFFC00  }
0x25c: {  	_ =	swait.ge [sflag:s26], $0x400  }
0x25d: {  	[sflag:s26] =	ssyncset.done $0x0  }
0x25e: {  	[sflag:s26] =	ssyncadd.s32 $0xFFFFFC00  }
0x25f: {  	_ =	swait.ge [sflag:s26], $0x400  }
0x260: {  	s29 =	sld [smem:$0x7FA]  }
0x261: {  	s31 =	sld [smem:$0x7FD];
	_ =	sdelay $0x1  }
0x262: {  	s3 =	sadd.s32 $0x1, s29  }
0x263: {  	p0 =	sne.s32 s3, s31  }
.Ltmp1:
0x264: {  	_ = 	snop;
	(pc) =	sbr.rel @p0 .LBB2_1-.Ltmp1, $3  }
0x265: {  	_ =	sdelay $0x1  }
0x266: {  	[sflag:s26] =	ssyncset.done $0x0  }
0x267: {  	s30 =	simm.s32 $0x10400;
	[sflag:s26] =	ssyncadd.s32 $0xFFFFFC00  }
0x268: {  	_ =	sfence.sel $0x180000  }
0x269: {  	[bflag:$0x0] =	sbarrier.arrive $0xFFFF  }
0x26a: {  	_ =	strace $0x90000047  }
0x26b: {  	s0 =	stileid.u32;
	[bflag:$0x2] =	sbarrier.arrive $0xFFFF  }
0x26c: {  	p0 =	sne.s32 s0, $0x0;
	s0 =	rddreg [dreg:$0x1]  }
0x26d: {  	s0 =	sadd.s32 @!p0 $0x100000, s0  }
0x26e: {  	[sflag:s0] =	ssyncadd.tile.s32 @!p0 $0x1;
	_ =	shalt  }
.Lfunc_end2:
_tile_overlayer_lowered:
.L_overlay_start_2:
0x26f: {  	(tag) =	ssettag $0x2  }
0x270: {  	s0 =	rddreg [dreg:$0x0];
	s2 =	stileid.u32  }
0x271: {  	s1 =	rddreg [dreg:$0x1];
	p0 =	sne.s32 s2, $0x0  }
0x272: {  	s3 =	rddreg [dreg:$0x2];
	[bflag:$0x3] =	sbarrier.arrive $0xFFFF;
	s2 =	simm.s32 @!p0 $0x1C05  }
0x273: {  	[timem:s3], [sflag:s2] =	dma.local @!p0 [hbm:s0], s1  }
0x274: {  	s0 =	simm.s32 @!p0 $0x5  }
0x275: {  	_ =	swait.ge @!p0 [sflag:s0], s1  }
0x276: {  	s1 =	ssub.s32 @!p0 $0x0, s1;
	[sflag:s0] =	ssyncset.done @!p0 $0x0  }
0x277: {  	[sflag:s0] =	ssyncadd.s32 @!p0 s1  }
0x278: {  	[bflag:$0x3] =	sbarrier.arrive $0xFFFF  }
0x279: {  	_ =	shalt  }

// kernel: sparse-core-data-format-call.cloned.1.call-start
scs
called_computation_lowered:
.L_overlay_start_0:
0x0: {  	s2 =	sld [smem:$0x3FD9]  }
0x1: {  	s3 =	sld [smem:$0x3FFE];
	_ =	sdelay $0x1  }
0x2: {  	s1 =	srdreg.scid  }
0x3: {  	s0 =	sand.u32 $0x1, s1  }
0x4: {  	s18 =	sshll.u32 s0, $0xA;
	s2 =	sadd.s32 s3, s2  }
0x5: {  	s2 =	sadd.s32 s2, s18  }
0x6: {  	[smem:$0x3FAF] =	sst s2  }
0x7: {  	_ = 	snop  }
0x8: {  	s2 =	sld [smem:$0x3FD0];
	(tm) =	ssettm $0x1  }
0x9: {  	s19 =	sld [smem:$0x3FFB];
	_ =	sdelay $0x3  }
0xa: {  	_ =	strace s19  }
0xb: {  	s3 =	sld [smem:$0x3FFC];
	_ =	sdelay $0x3  }
0xc: {  	_ =	strace s3  }
0xd: {  	s3 =	sld [smem:$0x3FFD];
	_ =	sdelay $0x3  }
0xe: {  	_ =	strace s3  }
0xf: {  	_ =	strace $0x8FFFFFFF  }
0x10: {  	s20 =	sld [smem:$0x3FDB];
	_ =	sdelay $0x1  }
0x11: {  	s4 =	simm.s32 $_scs_section_size  }
0x12: {  	s5 =	simm.s32 $_size__tile_overlayer_lowered;
	s6 =	simm.s32 $_tile_overlayer_lowered  }
0x13: {  	s23 =	simm.s32 $0x1BFF;
	s22 =	sshll.u32 s6, $0x1;
	s3 =	sadd.s32 s4, s20  }
0x14: {  	s7 =	simm.s32 $0x0;
	s21 =	sshll.u32 s5, $0x1;
	s5 =	sadd.s32 s22, s3  }
0x15: {  	[timem:s7], [sflag:s23] =	dma.local [hbm:s5], s21  }
0x16: {  	_ =	swait.ge [sflag:s23], s21  }
0x17: {  	s4 =	ssub.s32 $0x0, s21;
	[sflag:s23] =	ssyncset.done $0x0  }
0x18: {  	[sflag:s23] =	ssyncadd.s32 s4;
	_ =	sdelay $0x1  }
0x19: {  	s24 =	simm.s32 $0x1B8B  }
0x1a: {  	_ =	swait.ge [sflag:s24], $0x1  }
0x1b: {  	[sflag:s24] =	ssyncset.done $0x0  }
0x1c: {  	s26 =	simm.s32 $0x1B8E;
	s25 =	sld [smem:$0x3FFE];
	[sflag:s24] =	ssyncadd.s32 $0xFFFFFFFF  }
0x1d: {  	s27 =	simm.s32 $execute0_lowered;
	[smem:$0x3FD2] =	sst s26  }
0x1e: {  	s5 =	sshll.u32 s27, $0x1;
	_ =	strace $0x80000049;
	[dreg:$0x1] =	wrdreg $0xFFFFFFFF  }
0x1f: {  	s28 =	simm.s32 $_size_execute0_lowered;
	s3 =	sadd.s32 s3, s5;
	[dreg:$0x0] =	wrdreg $0x0  }
0x20: {  	s5 =	sshll.u32 s28, $0x1;
	[dreg:$0x2] =	wrdreg s3  }
0x21: {  	[dreg:$0x3] =	wrdreg s5  }
0x22: {  	[dreg:$0x4] =	wrdreg $0xC0  }
0x23: {  	_ =	task [dreg:s7], $0x5FFFF  }
0x24: {  	[dreg:$0x1] =	wrdreg $0xFFFFFFFF  }
0x25: {  	[dreg:$0x0] =	wrdreg $0x60  }
0x26: {  	[dreg:$0x2] =	wrdreg s25  }
0x27: {  	[dreg:$0x3] =	wrdreg s2  }
0x28: {  	[dreg:$0x4] =	wrdreg $0x9  }
0x29: {  	_ =	task.clear_ibuf [dreg:s7], $0x5FFFF;
	_ =	strace $0x90000049  }
0x2a: {  	s29 =	simm.s32 $0x9;
	_ =	strace $0x8000004B  }
0x2b: {  	_ =	swait.ge [sflag:s29], $0x1  }
0x2c: {  	[sflag:s29] =	ssyncadd.s32 $0xFFFFFFFF  }
0x2d: {  	_ =	strace $0x9000004B  }
0x2e: {  	_ =	sfence  }
0x2f: {  	s30 =	sld [smem:$0x0];
	_ =	sdelay $0x2  }
0x30: {  	s31 =	sshll.u32 s1, $0xD;
	s1 =	sshrl.u32 s1, $0x2  }
0x31: {  	s3 =	sand.u32 $0x4000, s31;
	s1 =	sadd.s32 s1, s30  }
0x32: {  	s0 =	sor.u32 s3, s0;
	s1 =	sshll.u32 s1, $0x11  }
0x33: {  	s0 =	sor.u32 s1, s0  }
0x34: {  	s0 =	sadd.s32 $0x8F2B, s0  }
0x35: {  	[sflag:s0] =	ssyncadd.remote.s32 $0x1  }
0x36: {  	_ =	sfence.sel $0xFFFF  }
0x37: {  	[dreg:$0x0] =	wrdreg $0xFFFFFFFF;
	(pc) =	sbr.abs _section_cstart, $3  }
0x38: {  	[dreg:$0x1] =	wrdreg $0xFFFFFFFF  }
0x39: {  	_ =	task.clear_ibuf [dreg:s7], $0x2FFFF;
	_ =	strace $0x9FFFFFFF  }
0x3a: {  	(tm) =	ssettm $0x7FFFFFFF  }
0x3b: {  	_ =	shalt  }
tec
execute0_lowered:
.L_overlay_start_1:
0x0: {  	(tag) =	ssettag $0x1  }
0x1: {  	s0 =	srdreg.scid  }
0x2: {  	s1 =	sshll.u32 s0, $0x4  }
0x3: {  	s0 =	stileid.u32;
	s1 =	sand.u32 $0x10, s1  }
0x4: {  	s1 =	sor.u32 s0, s1  }
0x5: {  	s6 =	rddreg [dreg:$0x0];
	s4 =	simm.s32 $0x1;
	s2 =	sshll.u32 s1, $0x6  }
0x6: {  	s7 =	simm.s32 $0x2;
	s13 =	simm.s32 $0x0;
	s1 =	ssub.s32 $0x1000, s2  }
0x7: {  	s8 =	simm.s32 $0x2000;
	s9 =	simm.s32 $0x80000;
	s3 =	sand.u32 $0x7C0, s1  }
0x8: {  	s14 =	simm.s32 $0x0;
	s5 =	sshrl.u32 s1, $0xB;
	p0 =	sne.s32 s3, $0x0  }
.Ltmp0:
0x9: {  	s1 =	rddreg [dreg:$0x2];
	s4 =	simm.s32 @!p0 $0x0;
	(pc) =	sbr.rel .LBB1_1-.Ltmp0, $4  }
0xa: {  	s10 =	simm.s32 $0x0;
	s3 =	rddreg [dreg:$0x1];
	s5 =	sadd.s32 s4, s5  }
0xb: {  	_ =	strace $0x8000004A;
	s4 =	simm.s32 $0x1;
	s5 =	smul.u32 $0x19, s5  }
0xc: {  	s12 =	simm.s32 $0x0;
	s6 =	sadd.s32 $0x5600, s6;
	[sflag:s4] =	ssyncpa.u1 $0x0  }
0xd: {  	s11 =	smov.u32 s2;
	[sflag:s7] =	ssyncpa.u1 $0x0;
	s7 =	sadd.s32 $0x1, s5  }
.LBB1_7:
0xe: {  	s15 =	sadd.s32 $0x2, s10  }
0xf: {  	s13 =	sadd.s32 $0x800, s11;
	s17 =	smov.u32 s11;
	p1 =	sgt.s32 s15, $0x31  }
0x10: {  	s17 =	smov.u32 @p1 s13  }
0x11: {  	s15 =	simm.s32 @p1 $0x0;
	p1 =	sgt.s32 s17, $0xFFF  }
0x12: {  	s17 =	smov.u32 @p1 s2;
	p1 =	sne.s32 s12, s7  }
.Ltmp1:
0x13: {  	p0 =	slt.u32 s12, $0x2;
	(pc) =	sbr.rel @!p1 .LBB1_8-.Ltmp1, $4  }
0x14: {  	s16 =	simm.s32 @!p0 $0x2  }
0x15: {  	s14 =	smov.u32 s11;
	_ =	swait.ge @!p0 [sflag:s16], $0x4000  }
0x16: {  	s13 =	smov.u32 s10;
	[sflag:s16] =	ssyncset.done @!p0 $0x0;
	s10 =	smov.u32 s15  }
0x17: {  	s12 =	sadd.s32 $0x1, s12;
	[sflag:s16] =	ssyncadd.s32 @!p0 $0xFFFFC000;
	s11 =	smov.u32 s17  }
.LBB1_1:
0x18: {  	p0 =	sge.u32 s12, s5  }
0x19: {  	s15 =	sand.u32 @!p0 $0x1FFFFFF, s10  }
0x1a: {  	s16 =	smulhi.u32 @!p0 $0x4924925, s15;
	_ =	sdelay $0x1  }
0x1b: {  	s16 =	smul.u32 @!p0 $0x38, s16  }
0x1c: {  	s17 =	sxor.u32 @!p0 $0xFFFFFFFF, s12;
	s18 =	smul.u32 @!p0 $0x380, s11  }
0x1d: {  	s31 =	sadd.s32 $0xFFFFFFFF, s12;
	s17 =	sshll.u32 @!p0 s17, $0xE;
	s15 =	ssub.s32 @!p0 s15, s16  }
0x1e: {  	s16 =	sand.u32 @!p0 $0x4000, s17;
	s17 =	sadd.s32 @!p0 s6, s18;
	s15 =	sshll.u32 @!p0 s15, $0x4  }
0x1f: {  	s18 =	simm.s32 @!p0 $0x1C00;
	s15 =	sadd.s32 @!p0 s15, s17;
	s17 =	simm.s32 @!p0 $0x100  }
0x20: {  	[tilespmem:s16], [sflag:$0x1] =	stream.strided.gather @!p0 [hbm4b:s15+s17], $0x4000, s18, s17, $0x38;
	[tilespmem:$0x10000] =	vst v63  }
0x21: {  	p0 =	sge.u32 s31, s5  }
.Ltmp2:
0x22: {  	_ = 	snop;
	(pc) =	sbr.rel @p0 .LBB1_7-.Ltmp2, $1  }
0x23: {  	_ =	sdelay $0x3  }
0x24: {  	_ =	swait.ge [sflag:s4], $0x4000;
	s15 =	sshll.u32 s12, $0xE  }
0x25: {  	[sflag:s4] =	ssyncset.done $0x0;
	s16 =	sand.u32 $0x4000, s15  }
0x26: {  	s17 =	simm.s32 $0x0;
	[sflag:s4] =	ssyncadd.s32 $0xFFFFC000;
	s15 =	sor.u32 $0x8000, s16  }
.LBB1_3:
0x27: {  	s18 =	sshll.u32 s17, $0x8  }
0x28: {  	s18 =	sand.u32 $0x3FFFFF00, s18  }
0x29: {  	s19 =	sshll.u32 s17, $0x7;
	s18 =	sadd.s32 s18, s16  }
0x2a: {  	s19 =	sand.u32 $0x3FFFFF80, s19;
	v0 =	vmov s18  }
0x2b: {  	s19 =	sadd.s32 s19, s15  }
0x2c: {  	p0 =	por $0x1, $0x1;
	v1 =	vmov s19;
	s18 =	simm.s32 $0x0  }
.LBB1_4:
0x2d: {  	s19 =	sshll.u32 s18, $0x7  }
0x2e: {  	s19 =	sand.u32 $0x3FFFFF80, s19  }
0x2f: {  	v2 =	vld.idx.msk [tilespmem:v0+s19+$0x0 ss:$0x1], $0xffff  }
0x30: {  	v3 =	vld.idx.msk [tilespmem:v0+s19+$0x10 ss:$0x1], $0xffff  }
0x31: {  	v4 =	vld.idx.msk [tilespmem:v0+s19+$0x20 ss:$0x1], $0xffff  }
0x32: {  	s31 =	sshll.u32 s18, $0xD;
	v5 =	vld.idx.msk [tilespmem:v0+s19+$0x30 ss:$0x1], $0xffff  }
0x33: {  	s18 =	sand.u32 $0x3FFFE000, s31;
	v6 =	vld.idx.msk [tilespmem:v0+s19+$0x40 ss:$0x1], $0xffff  }
0x34: {  	v63 =	vld.idx.msk [tilespmem:v0+s19+$0x70 ss:$0x1], $0xffff;
	[tilespmem:v1+s18+$0x0 ss:$0x1] =	vst.idx.msk $0xffff, v2  }
0x35: {  	v2 =	vld.idx.msk [tilespmem:v0+s19+$0x50 ss:$0x1], $0xffff;
	[tilespmem:v1+s18+$0x10 ss:$0x1] =	vst.idx.msk $0xffff, v3  }
0x36: {  	p1 =	por p0, p0;
	v3 =	vld.idx.msk [tilespmem:v0+s19+$0x60 ss:$0x1], $0xffff;
	[tilespmem:v1+s18+$0x20 ss:$0x1] =	vst.idx.msk $0xffff, v4  }
.Ltmp3:
0x37: {  	[tilespmem:v1+s18+$0x30 ss:$0x1] =	vst.idx.msk $0xffff, v5;
	(pc) =	sbr.rel @p1 .LBB1_4-.Ltmp3, $4  }
0x38: {  	[tilespmem:v1+s18+$0x40 ss:$0x1] =	vst.idx.msk $0xffff, v6  }
0x39: {  	[tilespmem:v1+s18+$0x70 ss:$0x1] =	vst.idx.msk $0xffff, v63  }
0x3a: {  	[tilespmem:v1+s18+$0x50 ss:$0x1] =	vst.idx.msk $0xffff, v2  }
0x3b: {  	p0 =	por $0x0, $0x0;
	[tilespmem:v1+s18+$0x60 ss:$0x1] =	vst.idx.msk $0xffff, v3;
	s18 =	simm.s32 $0x1  }
0x3c: {  	s17 =	sadd.s32 $0x1, s17  }
0x3d: {  	p0 =	sne.s32 s17, $0x40  }
.Ltmp4:
0x3e: {  	_ = 	snop;
	(pc) =	sbr.rel @p0 .LBB1_3-.Ltmp4, $1  }
0x3f: {  	_ =	sdelay $0x3  }
.Ltmp5:
0x40: {  	s14 =	sshll.u32 s14, $0x4;
	(pc) =	sbr.rel .LBB1_7-.Ltmp5, $4  }
0x41: {  	s14 =	sand.u32 $0xFFF0, s14  }
0x42: {  	s13 =	sshll.u32 s13, $0x10;
	s14 =	sadd.s32 s3, s14  }
0x43: {  	s13 =	sadd.s32 s13, s14  }
0x44: {  	[hbm4b:s13+s8] =	stream.strided.scatter [tilespmem:s15], [sflag:$0x2], $0x4000, s9, s8, $0x38;
	[tilespmem:$0x10000] =	vst v63  }
.LBB1_8:
0x45: {  	_ =	sfence.sel $0x180000  }
0x46: {  	s2 =	simm.s32 $0x1;
	[bflag:$0x0] =	sbarrier.arrive $0xFFFF  }
0x47: {  	s31 =	simm.s32 $0x2;
	[sflag:s2] =	ssyncpa.u1 $0x1  }
0x48: {  	[sflag:s31] =	ssyncpa.u1 $0x1  }
0x49: {  	p0 =	sne.s32 s0, $0x0;
	_ =	strace $0x9000004A  }
0x4a: {  	s0 =	sadd.s32 @!p0 $0x100000, s1;
	[bflag:$0x2] =	sbarrier.arrive $0xFFFF  }
0x4b: {  	[sflag:s0] =	ssyncadd.tile.s32 @!p0 $0x1;
	_ =	shalt  }
.Lfunc_end1:
_tile_overlayer_lowered:
.L_overlay_start_2:
0x4c: {  	(tag) =	ssettag $0x2  }
0x4d: {  	s0 =	rddreg [dreg:$0x0];
	s2 =	stileid.u32  }
0x4e: {  	s1 =	rddreg [dreg:$0x1];
	p0 =	sne.s32 s2, $0x0  }
0x4f: {  	s3 =	rddreg [dreg:$0x2];
	[bflag:$0x3] =	sbarrier.arrive $0xFFFF;
	s2 =	simm.s32 @!p0 $0x1C01  }
0x50: {  	[timem:s3], [sflag:s2] =	dma.local @!p0 [hbm:s0], s1  }
0x51: {  	s0 =	simm.s32 @!p0 $0x1  }
0x52: {  	_ =	swait.ge @!p0 [sflag:s0], s1  }
0x53: {  	s1 =	ssub.s32 @!p0 $0x0, s1;
	[sflag:s0] =	ssyncset.done @!p0 $0x0  }
0x54: {  	[sflag:s0] =	ssyncadd.s32 @!p0 s1  }
0x55: {  	[bflag:$0x3] =	sbarrier.arrive $0xFFFF  }
0x56: {  	_ =	shalt  }

</sc_bundles>
